<compile_context>
chip_gen: v7x
topology: tpu7x:2x2x1
jax: 0.10.2.dev20260603
libtpu: 0.0.44.dev20260713+nightly
codegen_flags: <defaults>
</compile_context>

<pallas_src>
import functools

import jax
import jax.numpy as jnp
from jax import lax
from jax.experimental import pallas as pl
from jax.experimental.pallas import tpu as pltpu
from jax.experimental.pallas import tpu_sc as plsc

N = 10000
E = 320000

NC = 2
NS = 16
NW = NC * NS
EPW = E // NW
B = 80
CH = EPW // B
RPS_A = 624
RPS_B = N - (NS - 1) * RPS_A
CW = 16


def _for_rows(s, fn):
    @pl.when(s < NS - 1)
    def _():
        fn(pl.multiple_of(s * RPS_A, 8), RPS_A)

    @pl.when(s == NS - 1)
    def _():
        fn(N - RPS_B, RPS_B)


def _agg_body(D, with_cnt, *refs):
    if with_cnt:
        (y, src, dst, zeros, zc, ones, aggp, cntp,
         gsem, isem, s0, s1, d0, d1, r0, r1, acc, ones_v, cacc) = refs
    else:
        (y, src, dst, zeros, aggp,
         gsem, isem, s0, s1, d0, d1, r0, r1, acc) = refs
        zc = ones = cntp = ones_v = cacc = None

    c = lax.axis_index("c")
    s = lax.axis_index("s")
    wid = s * NC + c

    def _zero(off, nr):
        pltpu.sync_copy(zeros.at[pl.ds(off, nr)], acc.at[pl.ds(off, nr)])
        if with_cnt:
            pltpu.sync_copy(zc.at[pl.ds(off, nr)], cacc.at[pl.ds(off, nr)])

    _for_rows(s, _zero)
    if with_cnt:
        pltpu.sync_copy(ones, ones_v)
    plsc.subcore_barrier()

    pltpu.sync_copy(src.at[wid, 0], s0)
    pltpu.sync_copy(dst.at[wid, 0], d0)
    pltpu.async_copy(src.at[wid, 1], s1, isem)
    pltpu.async_copy(dst.at[wid, 1], d1, isem)
    pltpu.async_copy(y.at[s0], r0, gsem)

    def step(i, scur, dcur, rcur, snxt, dnxt, rnxt):
        pltpu.make_async_copy(y.at[scur], rcur, gsem).wait()
        pltpu.make_async_copy(src.at[wid, i + 1], snxt, isem).wait()
        pltpu.make_async_copy(dst.at[wid, i + 1], dnxt, isem).wait()
        pltpu.async_copy(y.at[snxt], rnxt, gsem)
        if with_cnt:
            pltpu.sync_copy(ones_v, cacc.at[dcur], add=True)
        pltpu.sync_copy(rcur, acc.at[dcur], add=True)
        pltpu.async_copy(src.at[wid, i + 2], scur, isem)
        pltpu.async_copy(dst.at[wid, i + 2], dcur, isem)

    def pair(k, carry):
        i0 = 2 * k
        step(i0, s0, d0, r0, s1, d1, r1)
        step(i0 + 1, s1, d1, r1, s0, d0, r0)
        return carry

    lax.fori_loop(0, CH // 2, pair, 0)

    pltpu.make_async_copy(y.at[s0], r0, gsem).wait()
    if with_cnt:
        pltpu.sync_copy(ones_v, cacc.at[d0], add=True)
    pltpu.sync_copy(r0, acc.at[d0], add=True)
    pltpu.make_async_copy(src.at[wid, CH], s1, isem).wait()
    pltpu.make_async_copy(dst.at[wid, CH], d1, isem).wait()
    plsc.subcore_barrier()

    def _export(off, nr):
        pltpu.sync_copy(acc.at[pl.ds(off, nr)], aggp.at[c, pl.ds(off, nr)])
        if with_cnt:
            pltpu.sync_copy(cacc.at[pl.ds(off, nr)], cntp.at[c, pl.ds(off, nr)])

    _for_rows(s, _export)


def _make_agg(D, with_cnt):
    mesh = plsc.VectorSubcoreMesh(
        core_axis_name="c", subcore_axis_name="s",
        num_cores=NC, num_subcores=NS)
    out_type = [jax.ShapeDtypeStruct((NC, N, D), jnp.float32)]
    scratch = (
        [pltpu.SemaphoreType.DMA] * 2
        + [pltpu.VMEM((B,), jnp.int32)] * 4
        + [pltpu.VMEM((B, D), jnp.float32)] * 2
        + [pltpu.VMEM_SHARED((N, D), jnp.float32)]
    )
    if with_cnt:
        out_type.append(jax.ShapeDtypeStruct((NC, N, CW), jnp.float32))
        scratch += [
            pltpu.VMEM((B, CW), jnp.float32),
            pltpu.VMEM_SHARED((N, CW), jnp.float32),
        ]
    return pl.kernel(
        functools.partial(_agg_body, D, with_cnt),
        out_type=tuple(out_type) if with_cnt else out_type[0],
        mesh=mesh,
        scratch_types=scratch,
        compiler_params=pltpu.CompilerParams(use_tc_tiling_on_sc=False),
        name=f"sc_agg_d{D}" + ("_cnt" if with_cnt else ""),
    )


_agg64_cnt = _make_agg(64, True)
_agg64 = _make_agg(64, False)
_agg128 = _make_agg(128, False)



def _mm_body(x_ref, w_ref, o_ref):
    o_ref[...] = jnp.dot(x_ref[...], w_ref[...],
                         preferred_element_type=jnp.float32)


def _bn_relu(t, g, be):
    mu = jnp.mean(t, axis=0, keepdims=True)
    var = jnp.mean((t - mu) * (t - mu), axis=0, keepdims=True)
    return jnp.maximum(g * (t - mu) * lax.rsqrt(var + 1e-5) + be, 0.0)


def _mean_from_partials(aggp_ref, cntp_ref):
    cnt = cntp_ref[0, :, 0:1] + cntp_ref[1, :, 0:1]
    s = aggp_ref[0, :, :] + aggp_ref[1, :, :]
    return s / jnp.maximum(cnt, 1.0)


def _l1_body(aggp, cntp, xr, b, g, be, o):
    t = _mean_from_partials(aggp, cntp) + b[...] + xr[...]
    o[...] = _bn_relu(t, g[...], be[...])


def _l2_body(aggp, cntp, h_prev, wl, b, wr, g, be, o):
    mean = _mean_from_partials(aggp, cntp)
    t = (jnp.dot(mean, wl[...], preferred_element_type=jnp.float32) + b[...]
         + jnp.dot(h_prev[...], wr[...], preferred_element_type=jnp.float32))
    o[...] = _bn_relu(t, g[...], be[...])


def _l3_body(aggp, cntp, h_prev, wl, b, wr, g, be, wp, bp, o):
    mean = _mean_from_partials(aggp, cntp)
    t = (jnp.dot(mean, wl[...], preferred_element_type=jnp.float32) + b[...]
         + jnp.dot(h_prev[...], wr[...], preferred_element_type=jnp.float32))
    h = _bn_relu(t, g[...], be[...])
    o[...] = jnp.dot(h, wp[...], preferred_element_type=jnp.float32) + bp[...]


def _tc_call(body, out_shape, n_in, name):
    return pl.pallas_call(
        body,
        out_shape=jax.ShapeDtypeStruct(out_shape, jnp.float32),
        name=name,
    )


def kernel(x, edge_index, W_l1, b_l1, W_r1, g1, be1, W_l2, b_l2, W_r2, g2,
           be2, W_l3, b_l3, W_r3, g3, be3, Wp, bp):
    ei = edge_index.astype(jnp.int32)
    pad = jnp.zeros((NW, 2, B), jnp.int32)
    src = jnp.concatenate([ei[0].reshape(NW, CH, B), pad], axis=1)
    dst = jnp.concatenate([ei[1].reshape(NW, CH, B), pad], axis=1)

    zeros64 = jnp.zeros((N, 64), jnp.float32)
    zeros128 = jnp.zeros((N, 128), jnp.float32)
    zc = jnp.zeros((N, CW), jnp.float32)
    ones = jnp.ones((B, CW), jnp.float32)

    wcat = jnp.concatenate([W_l1.T, W_r1.T], axis=1)
    y = _tc_call(_mm_body, (N, 128), 2, "tc_pre")(x, wcat)
    y1 = y[:, :64]
    xr1 = y[:, 64:]

    aggp1, cntp = _agg64_cnt(y1, src, dst, zeros64, zc, ones)
    h1 = _tc_call(_l1_body, (N, 64), 6, "tc_l1")(
        aggp1, cntp, xr1, b_l1[None], g1[None], be1[None])

    aggp2 = _agg64(h1, src, dst, zeros64)
    h2 = _tc_call(_l2_body, (N, 128), 8, "tc_l2")(
        aggp2, cntp, h1, W_l2.T, b_l2[None], W_r2.T, g2[None], be2[None])

    aggp3 = _agg128(h2, src, dst, zeros128)
    out = _tc_call(_l3_body, (N, 2), 10, "tc_l3")(
        aggp3, cntp, h2, W_l3.T, b_l3[None], W_r3.T, g3[None], be3[None],
        Wp.T, bp[None])
    return out

# --- scband reference (transcript-rebuilt; emitter-appended) ---
"""Pipeline reference for scband-gnnfeature-extractor-69002944577974 (READ-ONLY COPY).

The authoritative reference and input builder live on the scoring server;
editing this copy changes nothing except your own understanding.
"""

import jax, jax.numpy as jnp
import numpy as np

N = 10000
E = 320000
D_IN = 128
H = 64
D_OUT = 2


def sage_conv(x, edge_index, W_l, b_l, W_r):
    # PyG SAGEConv with mean aggregation: out = lin_l(mean_{j in N(i)} x_j) + lin_r(x_i)
    src = edge_index[0]
    dst = edge_index[1]
    msgs = x[src]
    summed = jax.ops.segment_sum(msgs, dst, num_segments=x.shape[0])
    cnt = jax.ops.segment_sum(jnp.ones((msgs.shape[0],), x.dtype), dst, num_segments=x.shape[0])
    mean = summed / jnp.maximum(cnt, 1.0)[:, None]
    return mean @ W_l.T + b_l + x @ W_r.T


def batch_norm(x, gamma, beta, eps=1e-5):
    # training-mode batch stats over the node dimension (BatchNorm1d semantics)
    mu = jnp.mean(x, axis=0)
    var = jnp.var(x, axis=0)
    return gamma * (x - mu) / jnp.sqrt(var + eps) + beta


def setup_inputs(seed: int = 0) -> dict:
    key = jax.random.key(seed)
    ks = [jax.random.fold_in(key, i) for i in range(32)]
    inp = {}
    inp["x"] = jax.random.normal(ks[0], (N, D_IN), dtype=jnp.float32)
    inp["edge_index"] = jax.random.randint(ks[1], (2, E), 0, N, dtype=jnp.int64)
    # conv1: 128 -> 64
    inp["W_l1"] = jax.random.normal(ks[2], (H, D_IN), dtype=jnp.float32) * 0.05
    inp["b_l1"] = jnp.zeros((H,), dtype=jnp.float32)
    inp["W_r1"] = jax.random.normal(ks[3], (H, D_IN), dtype=jnp.float32) * 0.05
    inp["g1"] = jnp.ones((H,), dtype=jnp.float32)
    inp["be1"] = jnp.zeros((H,), dtype=jnp.float32)
    # conv2: 64 -> 128
    inp["W_l2"] = jax.random.normal(ks[4], (2 * H, H), dtype=jnp.float32) * 0.05
    inp["b_l2"] = jnp.zeros((2 * H,), dtype=jnp.float32)
    inp["W_r2"] = jax.random.normal(ks[5], (2 * H, H), dtype=jnp.float32) * 0.05
    inp["g2"] = jnp.ones((2 * H,), dtype=jnp.float32)
    inp["be2"] = jnp.zeros((2 * H,), dtype=jnp.float32)
    # conv3: 128 -> 256
    inp["W_l3"] = jax.random.normal(ks[6], (4 * H, 2 * H), dtype=jnp.float32) * 0.05
    inp["b_l3"] = jnp.zeros((4 * H,), dtype=jnp.float32)
    inp["W_r3"] = jax.random.normal(ks[7], (4 * H, 2 * H), dtype=jnp.float32) * 0.05
    inp["g3"] = jnp.ones((4 * H,), dtype=jnp.float32)
    inp["be3"] = jnp.zeros((4 * H,), dtype=jnp.float32)
    # projection head: 256 -> 2
    inp["Wp"] = jax.random.normal(ks[8], (D_OUT, 4 * H), dtype=jnp.float32) * 0.05
    inp["bp"] = jnp.zeros((D_OUT,), dtype=jnp.float32)
    return inp


def reference(x, edge_index, W_l1, b_l1, W_r1, g1, be1, W_l2, b_l2, W_r2, g2, be2, W_l3, b_l3, W_r3, g3, be3, Wp, bp):
    # dropout is identity in eval mode
    h = sage_conv(x, edge_index, W_l1, b_l1, W_r1)
    h = batch_norm(h, g1, be1)
    h = jax.nn.relu(h)
    h = sage_conv(h, edge_index, W_l2, b_l2, W_r2)
    h = batch_norm(h, g2, be2)
    h = jax.nn.relu(h)
    h = sage_conv(h, edge_index, W_l3, b_l3, W_r3)
    h = batch_norm(h, g3, be3)
    h = jax.nn.relu(h)
    return h @ Wp.T + bp

if __name__ == "__main__":
    import jax
    _d = setup_inputs()
    print(jax.jit(kernel)(*tuple(_d.values())))

</pallas_src>

<mosaic_0001>
#map = affine_map<(d0, d1) -> (0, 0)>
#map1 = affine_map<(d0, d1) -> (0, 0, 0)>
module attributes {stable_mosaic.version = 14 : i64} {
  func.func @sc_agg_d128(%arg0: i32, %arg1: i32, %arg2: memref<10000x128xf32, #tpu.memory_space<hbm>>, %arg3: memref<32x127x80xi32, #tpu.memory_space<hbm>>, %arg4: memref<32x127x80xi32, #tpu.memory_space<hbm>>, %arg5: memref<10000x128xf32, #tpu.memory_space<hbm>>, %arg6: memref<2x10000x128xf32, #tpu.memory_space<hbm>>, %arg7: memref<!tpu.dma_semaphore, #tpu.memory_space<semaphore_mem>>, %arg8: memref<!tpu.dma_semaphore, #tpu.memory_space<semaphore_mem>>, %arg9: memref<80xi32, #tpu.memory_space<vmem>>, %arg10: memref<80xi32, #tpu.memory_space<vmem>>, %arg11: memref<80xi32, #tpu.memory_space<vmem>>, %arg12: memref<80xi32, #tpu.memory_space<vmem>>, %arg13: memref<80x128xf32, #tpu.memory_space<vmem>>, %arg14: memref<80x128xf32, #tpu.memory_space<vmem>>, %arg15: memref<10000x128xf32, #tpu.memory_space<vmem_shared>>) attributes {dimension_semantics = [#tpu.dimension_semantics<core_parallel>, #tpu.dimension_semantics<subcore_parallel>], iteration_bounds = array<i64: 2, 16>, scalar_prefetch = 0 : i64, scratch_operands = 9 : i64, tpu.core_type = #tpu.core_type<sc_vector_subcore>, window_params = [{transform_indices = #map}, {transform_indices = #map1}, {transform_indices = #map1}, {transform_indices = #map}, {transform_indices = #map1}]} {
    %mul3A = arith.constant 2 : i32
    %mul3A_0 = arith.muli %arg1, %mul3A : i32
    %add3A = arith.addi %mul3A_0, %arg0 : i32
    %lt3A = arith.constant 15 : i32
    %lt3A_1 = arith.cmpi slt, %arg1, %lt3A : i32
    %convert_element_type3A = arith.extui %lt3A_1 : i1 to i32
    %cond3A = arith.constant 0 : i32
    %cond3A_2 = arith.cmpi ne, %convert_element_type3A, %cond3A : i32
    scf.if %cond3A_2 {
      %mul3A_56 = arith.constant 624 : i32
      %mul3A_57 = arith.muli %arg1, %mul3A_56 : i32
      %multiple_of3A = tpu.assume_multiple %mul3A_57, 8 : i32
      "tpu.region"() ({
        %run_scoped3A_58 = tpu.sem_alloc : memref<!tpu.dma_semaphore, #tpu.memory_space<semaphore_mem>>
        %dma_start3A_59 = arith.constant 0 : i32
        %dma_start3A_60 = tpu.memref_slice %arg15[%multiple_of3A, %dma_start3A_59] : memref<10000x128xf32, #tpu.memory_space<vmem_shared>> -> memref<624x128xf32, #tpu.memory_space<vmem_shared>>
        %dma_start3A_61 = arith.constant 0 : i32
        %dma_start3A_62 = tpu.memref_slice %arg5[%multiple_of3A, %dma_start3A_61] : memref<10000x128xf32, #tpu.memory_space<hbm>> -> memref<624x128xf32, #tpu.memory_space<hbm>>
        tpu.enqueue_dma source(%dma_start3A_62 : memref<624x128xf32, #tpu.memory_space<hbm>>) target(%dma_start3A_60 : memref<624x128xf32, #tpu.memory_space<vmem_shared>>) target_semaphore(%run_scoped3A_58 : memref<!tpu.dma_semaphore, #tpu.memory_space<semaphore_mem>>)
        %dma_wait3A_63 = arith.constant 0 : i32
        %dma_wait3A_64 = tpu.memref_slice %arg15[%multiple_of3A, %dma_wait3A_63] : memref<10000x128xf32, #tpu.memory_space<vmem_shared>> -> memref<624x128xf32, #tpu.memory_space<vmem_shared>>
        %dma_wait3A_65 = arith.constant 0 : i32
        %dma_wait3A_66 = tpu.memref_slice %arg5[%multiple_of3A, %dma_wait3A_65] : memref<10000x128xf32, #tpu.memory_space<hbm>> -> memref<624x128xf32, #tpu.memory_space<hbm>>
        tpu.wait_dma2 semaphore(%run_scoped3A_58 : memref<!tpu.dma_semaphore, #tpu.memory_space<semaphore_mem>>) src(%dma_wait3A_66 : memref<624x128xf32, #tpu.memory_space<hbm>>) dst(%dma_wait3A_64 : memref<624x128xf32, #tpu.memory_space<vmem_shared>>)
        tpu.yield
      }) : () -> ()
    } else {
    }
    %eq3A = arith.constant 15 : i32
    %eq3A_3 = arith.cmpi eq, %arg1, %eq3A : i32
    %convert_element_type3A_4 = arith.extui %eq3A_3 : i1 to i32
    %cond3A_5 = arith.constant 0 : i32
    %cond3A_6 = arith.cmpi ne, %convert_element_type3A_4, %cond3A_5 : i32
    scf.if %cond3A_6 {
      "tpu.region"() ({
        %run_scoped3A_56 = tpu.sem_alloc : memref<!tpu.dma_semaphore, #tpu.memory_space<semaphore_mem>>
        %dma_start3A_57 = arith.constant 9360 : i32
        %dma_start3A_58 = arith.constant 0 : i32
        %dma_start3A_59 = tpu.memref_slice %arg15[%dma_start3A_57, %dma_start3A_58] : memref<10000x128xf32, #tpu.memory_space<vmem_shared>> -> memref<640x128xf32, #tpu.memory_space<vmem_shared>>
        %dma_start3A_60 = arith.constant 9360 : i32
        %dma_start3A_61 = arith.constant 0 : i32
        %dma_start3A_62 = tpu.memref_slice %arg5[%dma_start3A_60, %dma_start3A_61] : memref<10000x128xf32, #tpu.memory_space<hbm>> -> memref<640x128xf32, #tpu.memory_space<hbm>>
        tpu.enqueue_dma source(%dma_start3A_62 : memref<640x128xf32, #tpu.memory_space<hbm>>) target(%dma_start3A_59 : memref<640x128xf32, #tpu.memory_space<vmem_shared>>) target_semaphore(%run_scoped3A_56 : memref<!tpu.dma_semaphore, #tpu.memory_space<semaphore_mem>>)
        %dma_wait3A_63 = arith.constant 9360 : i32
        %dma_wait3A_64 = arith.constant 0 : i32
        %dma_wait3A_65 = tpu.memref_slice %arg15[%dma_wait3A_63, %dma_wait3A_64] : memref<10000x128xf32, #tpu.memory_space<vmem_shared>> -> memref<640x128xf32, #tpu.memory_space<vmem_shared>>
        %dma_wait3A_66 = arith.constant 9360 : i32
        %dma_wait3A_67 = arith.constant 0 : i32
        %dma_wait3A_68 = tpu.memref_slice %arg5[%dma_wait3A_66, %dma_wait3A_67] : memref<10000x128xf32, #tpu.memory_space<hbm>> -> memref<640x128xf32, #tpu.memory_space<hbm>>
        tpu.wait_dma2 semaphore(%run_scoped3A_56 : memref<!tpu.dma_semaphore, #tpu.memory_space<semaphore_mem>>) src(%dma_wait3A_68 : memref<640x128xf32, #tpu.memory_space<hbm>>) dst(%dma_wait3A_65 : memref<640x128xf32, #tpu.memory_space<vmem_shared>>)
        tpu.yield
      }) : () -> ()
    } else {
    }
    %barrier3A = arith.constant 0 : index
    tpu.barrier barrier_id(%barrier3A)
    %run_scoped3A = arith.constant 0 : i32
    "tpu.region"() ({
      %run_scoped3A_56 = tpu.sem_alloc : memref<!tpu.dma_semaphore, #tpu.memory_space<semaphore_mem>>
      %dma_start3A_57 = arith.constant 0 : i32
      %dma_start3A_58 = tpu.memref_slice %arg3[%add3A, %run_scoped3A, %dma_start3A_57] : memref<32x127x80xi32, #tpu.memory_space<hbm>> -> memref<1x1x80xi32, #tpu.memory_space<hbm>>
      %dma_start3A_59 = tpu.memref_squeeze %dma_start3A_58 : memref<1x1x80xi32, #tpu.memory_space<hbm>> -> memref<80xi32, #tpu.memory_space<hbm>>
      %dma_start3A_60 = arith.constant 0 : i32
      %dma_start3A_61 = tpu.memref_slice %arg3[%add3A, %run_scoped3A, %dma_start3A_60] : memref<32x127x80xi32, #tpu.memory_space<hbm>> -> memref<1x1x80xi32, #tpu.memory_space<hbm>>
      %dma_start3A_62 = tpu.memref_squeeze %dma_start3A_61 : memref<1x1x80xi32, #tpu.memory_space<hbm>> -> memref<80xi32, #tpu.memory_space<hbm>>
      tpu.enqueue_dma source(%dma_start3A_62 : memref<80xi32, #tpu.memory_space<hbm>>) target(%arg9 : memref<80xi32, #tpu.memory_space<vmem>>) target_semaphore(%run_scoped3A_56 : memref<!tpu.dma_semaphore, #tpu.memory_space<semaphore_mem>>)
      %dma_wait3A_63 = arith.constant 0 : i32
      %dma_wait3A_64 = tpu.memref_slice %arg3[%add3A, %run_scoped3A, %dma_wait3A_63] : memref<32x127x80xi32, #tpu.memory_space<hbm>> -> memref<1x1x80xi32, #tpu.memory_space<hbm>>
      %dma_wait3A_65 = tpu.memref_squeeze %dma_wait3A_64 : memref<1x1x80xi32, #tpu.memory_space<hbm>> -> memref<80xi32, #tpu.memory_space<hbm>>
      %dma_wait3A_66 = arith.constant 0 : i32
      %dma_wait3A_67 = tpu.memref_slice %arg3[%add3A, %run_scoped3A, %dma_wait3A_66] : memref<32x127x80xi32, #tpu.memory_space<hbm>> -> memref<1x1x80xi32, #tpu.memory_space<hbm>>
      %dma_wait3A_68 = tpu.memref_squeeze %dma_wait3A_67 : memref<1x1x80xi32, #tpu.memory_space<hbm>> -> memref<80xi32, #tpu.memory_space<hbm>>
      tpu.wait_dma2 semaphore(%run_scoped3A_56 : memref<!tpu.dma_semaphore, #tpu.memory_space<semaphore_mem>>) src(%dma_wait3A_68 : memref<80xi32, #tpu.memory_space<hbm>>) dst(%arg9 : memref<80xi32, #tpu.memory_space<vmem>>)
      tpu.yield
    }) : () -> ()
    %run_scoped3A_7 = arith.constant 0 : i32
    "tpu.region"() ({
      %run_scoped3A_56 = tpu.sem_alloc : memref<!tpu.dma_semaphore, #tpu.memory_space<semaphore_mem>>
      %dma_start3A_57 = arith.constant 0 : i32
      %dma_start3A_58 = tpu.memref_slice %arg4[%add3A, %run_scoped3A_7, %dma_start3A_57] : memref<32x127x80xi32, #tpu.memory_space<hbm>> -> memref<1x1x80xi32, #tpu.memory_space<hbm>>
      %dma_start3A_59 = tpu.memref_squeeze %dma_start3A_58 : memref<1x1x80xi32, #tpu.memory_space<hbm>> -> memref<80xi32, #tpu.memory_space<hbm>>
      %dma_start3A_60 = arith.constant 0 : i32
      %dma_start3A_61 = tpu.memref_slice %arg4[%add3A, %run_scoped3A_7, %dma_start3A_60] : memref<32x127x80xi32, #tpu.memory_space<hbm>> -> memref<1x1x80xi32, #tpu.memory_space<hbm>>
      %dma_start3A_62 = tpu.memref_squeeze %dma_start3A_61 : memref<1x1x80xi32, #tpu.memory_space<hbm>> -> memref<80xi32, #tpu.memory_space<hbm>>
      tpu.enqueue_dma source(%dma_start3A_62 : memref<80xi32, #tpu.memory_space<hbm>>) target(%arg11 : memref<80xi32, #tpu.memory_space<vmem>>) target_semaphore(%run_scoped3A_56 : memref<!tpu.dma_semaphore, #tpu.memory_space<semaphore_mem>>)
      %dma_wait3A_63 = arith.constant 0 : i32
      %dma_wait3A_64 = tpu.memref_slice %arg4[%add3A, %run_scoped3A_7, %dma_wait3A_63] : memref<32x127x80xi32, #tpu.memory_space<hbm>> -> memref<1x1x80xi32, #tpu.memory_space<hbm>>
      %dma_wait3A_65 = tpu.memref_squeeze %dma_wait3A_64 : memref<1x1x80xi32, #tpu.memory_space<hbm>> -> memref<80xi32, #tpu.memory_space<hbm>>
      %dma_wait3A_66 = arith.constant 0 : i32
      %dma_wait3A_67 = tpu.memref_slice %arg4[%add3A, %run_scoped3A_7, %dma_wait3A_66] : memref<32x127x80xi32, #tpu.memory_space<hbm>> -> memref<1x1x80xi32, #tpu.memory_space<hbm>>
      %dma_wait3A_68 = tpu.memref_squeeze %dma_wait3A_67 : memref<1x1x80xi32, #tpu.memory_space<hbm>> -> memref<80xi32, #tpu.memory_space<hbm>>
      tpu.wait_dma2 semaphore(%run_scoped3A_56 : memref<!tpu.dma_semaphore, #tpu.memory_space<semaphore_mem>>) src(%dma_wait3A_68 : memref<80xi32, #tpu.memory_space<hbm>>) dst(%arg11 : memref<80xi32, #tpu.memory_space<vmem>>)
      tpu.yield
    }) : () -> ()
    %dma_start3A = arith.constant 1 : i32
    %dma_start3A_8 = arith.constant 0 : i32
    %dma_start3A_9 = tpu.memref_slice %arg3[%add3A, %dma_start3A, %dma_start3A_8] : memref<32x127x80xi32, #tpu.memory_space<hbm>> -> memref<1x1x80xi32, #tpu.memory_space<hbm>>
    %dma_start3A_10 = tpu.memref_squeeze %dma_start3A_9 : memref<1x1x80xi32, #tpu.memory_space<hbm>> -> memref<80xi32, #tpu.memory_space<hbm>>
    %dma_start3A_11 = arith.constant 0 : i32
    %dma_start3A_12 = tpu.memref_slice %arg3[%add3A, %dma_start3A, %dma_start3A_11] : memref<32x127x80xi32, #tpu.memory_space<hbm>> -> memref<1x1x80xi32, #tpu.memory_space<hbm>>
    %dma_start3A_13 = tpu.memref_squeeze %dma_start3A_12 : memref<1x1x80xi32, #tpu.memory_space<hbm>> -> memref<80xi32, #tpu.memory_space<hbm>>
    tpu.enqueue_dma source(%dma_start3A_13 : memref<80xi32, #tpu.memory_space<hbm>>) target(%arg10 : memref<80xi32, #tpu.memory_space<vmem>>) target_semaphore(%arg8 : memref<!tpu.dma_semaphore, #tpu.memory_space<semaphore_mem>>)
    %dma_start3A_14 = arith.constant 1 : i32
    %dma_start3A_15 = arith.constant 0 : i32
    %dma_start3A_16 = tpu.memref_slice %arg4[%add3A, %dma_start3A_14, %dma_start3A_15] : memref<32x127x80xi32, #tpu.memory_space<hbm>> -> memref<1x1x80xi32, #tpu.memory_space<hbm>>
    %dma_start3A_17 = tpu.memref_squeeze %dma_start3A_16 : memref<1x1x80xi32, #tpu.memory_space<hbm>> -> memref<80xi32, #tpu.memory_space<hbm>>
    %dma_start3A_18 = arith.constant 0 : i32
    %dma_start3A_19 = tpu.memref_slice %arg4[%add3A, %dma_start3A_14, %dma_start3A_18] : memref<32x127x80xi32, #tpu.memory_space<hbm>> -> memref<1x1x80xi32, #tpu.memory_space<hbm>>
    %dma_start3A_20 = tpu.memref_squeeze %dma_start3A_19 : memref<1x1x80xi32, #tpu.memory_space<hbm>> -> memref<80xi32, #tpu.memory_space<hbm>>
    tpu.enqueue_dma source(%dma_start3A_20 : memref<80xi32, #tpu.memory_space<hbm>>) target(%arg12 : memref<80xi32, #tpu.memory_space<vmem>>) target_semaphore(%arg8 : memref<!tpu.dma_semaphore, #tpu.memory_space<semaphore_mem>>)
    %dma_start3A_21 = arith.constant 0 : i32
    %dma_start3A_22 = arith.constant 0 : i32
    %dma_start3A_23 = tpu.memref_slice %arg2[%dma_start3A_21, %dma_start3A_22] : memref<10000x128xf32, #tpu.memory_space<hbm>> -> memref<10000x128xf32, #tpu.memory_space<hbm>>
    tpu.enqueue_indirect_dma source(%dma_start3A_23 : memref<10000x128xf32, #tpu.memory_space<hbm>>) target(%arg13 : memref<80x128xf32, #tpu.memory_space<vmem>>) offsets(%arg9 : memref<80xi32, #tpu.memory_space<vmem>>) semaphore(%arg7 : memref<!tpu.dma_semaphore, #tpu.memory_space<semaphore_mem>>)
    %scan3A = arith.constant 0 : i32
    %scan3A_24 = arith.constant 0 : i32
    %scan3A_25 = arith.constant 62 : i32
    %scan3A_26 = arith.addi %scan3A_24, %scan3A_25 : i32
    %scan3A_27 = arith.constant 1 : i32
    scf.for %scan3A_56 = %scan3A_24 to %scan3A_26 step %scan3A_27  : i32 {
      %mul3A_57 = arith.constant 2 : i32
      %mul3A_58 = arith.muli %mul3A_57, %scan3A_56 : i32
      %dma_wait3A_59 = arith.constant 0 : i32
      %dma_wait3A_60 = arith.constant 0 : i32
      %dma_wait3A_61 = tpu.memref_slice %arg2[%dma_wait3A_59, %dma_wait3A_60] : memref<10000x128xf32, #tpu.memory_space<hbm>> -> memref<10000x128xf32, #tpu.memory_space<hbm>>
      tpu.wait_indirect_dma semaphore(%arg7 : memref<!tpu.dma_semaphore, #tpu.memory_space<semaphore_mem>>) src(%dma_wait3A_61 : memref<10000x128xf32, #tpu.memory_space<hbm>>) dst(%arg13 : memref<80x128xf32, #tpu.memory_space<vmem>>)
      %add3A_62 = arith.constant 1 : i32
      %add3A_63 = arith.addi %mul3A_58, %add3A_62 : i32
      %dma_wait3A_64 = arith.constant 0 : i32
      %dma_wait3A_65 = tpu.memref_slice %arg3[%add3A, %add3A_63, %dma_wait3A_64] : memref<32x127x80xi32, #tpu.memory_space<hbm>> -> memref<1x1x80xi32, #tpu.memory_space<hbm>>
      %dma_wait3A_66 = tpu.memref_squeeze %dma_wait3A_65 : memref<1x1x80xi32, #tpu.memory_space<hbm>> -> memref<80xi32, #tpu.memory_space<hbm>>
      %dma_wait3A_67 = arith.constant 0 : i32
      %dma_wait3A_68 = tpu.memref_slice %arg3[%add3A, %add3A_63, %dma_wait3A_67] : memref<32x127x80xi32, #tpu.memory_space<hbm>> -> memref<1x1x80xi32, #tpu.memory_space<hbm>>
      %dma_wait3A_69 = tpu.memref_squeeze %dma_wait3A_68 : memref<1x1x80xi32, #tpu.memory_space<hbm>> -> memref<80xi32, #tpu.memory_space<hbm>>
      tpu.wait_dma2 semaphore(%arg8 : memref<!tpu.dma_semaphore, #tpu.memory_space<semaphore_mem>>) src(%dma_wait3A_69 : memref<80xi32, #tpu.memory_space<hbm>>) dst(%arg10 : memref<80xi32, #tpu.memory_space<vmem>>)
      %add3A_70 = arith.constant 1 : i32
      %add3A_71 = arith.addi %mul3A_58, %add3A_70 : i32
      %dma_wait3A_72 = arith.constant 0 : i32
      %dma_wait3A_73 = tpu.memref_slice %arg4[%add3A, %add3A_71, %dma_wait3A_72] : memref<32x127x80xi32, #tpu.memory_space<hbm>> -> memref<1x1x80xi32, #tpu.memory_space<hbm>>
      %dma_wait3A_74 = tpu.memref_squeeze %dma_wait3A_73 : memref<1x1x80xi32, #tpu.memory_space<hbm>> -> memref<80xi32, #tpu.memory_space<hbm>>
      %dma_wait3A_75 = arith.constant 0 : i32
      %dma_wait3A_76 = tpu.memref_slice %arg4[%add3A, %add3A_71, %dma_wait3A_75] : memref<32x127x80xi32, #tpu.memory_space<hbm>> -> memref<1x1x80xi32, #tpu.memory_space<hbm>>
      %dma_wait3A_77 = tpu.memref_squeeze %dma_wait3A_76 : memref<1x1x80xi32, #tpu.memory_space<hbm>> -> memref<80xi32, #tpu.memory_space<hbm>>
      tpu.wait_dma2 semaphore(%arg8 : memref<!tpu.dma_semaphore, #tpu.memory_space<semaphore_mem>>) src(%dma_wait3A_77 : memref<80xi32, #tpu.memory_space<hbm>>) dst(%arg12 : memref<80xi32, #tpu.memory_space<vmem>>)
      %dma_start3A_78 = arith.constant 0 : i32
      %dma_start3A_79 = arith.constant 0 : i32
      %dma_start3A_80 = tpu.memref_slice %arg2[%dma_start3A_78, %dma_start3A_79] : memref<10000x128xf32, #tpu.memory_space<hbm>> -> memref<10000x128xf32, #tpu.memory_space<hbm>>
      tpu.enqueue_indirect_dma source(%dma_start3A_80 : memref<10000x128xf32, #tpu.memory_space<hbm>>) target(%arg14 : memref<80x128xf32, #tpu.memory_space<vmem>>) offsets(%arg10 : memref<80xi32, #tpu.memory_space<vmem>>) semaphore(%arg7 : memref<!tpu.dma_semaphore, #tpu.memory_space<semaphore_mem>>)
      "tpu.region"() ({
        %run_scoped3A_137 = tpu.sem_alloc : memref<!tpu.dma_semaphore, #tpu.memory_space<semaphore_mem>>
        %dma_start3A_138 = arith.constant 0 : i32
        %dma_start3A_139 = arith.constant 0 : i32
        %dma_start3A_140 = tpu.memref_slice %arg15[%dma_start3A_138, %dma_start3A_139] : memref<10000x128xf32, #tpu.memory_space<vmem_shared>> -> memref<10000x128xf32, #tpu.memory_space<vmem_shared>>
        tpu.enqueue_indirect_dma source(%arg13 : memref<80x128xf32, #tpu.memory_space<vmem>>) target(%dma_start3A_140 : memref<10000x128xf32, #tpu.memory_space<vmem_shared>>) offsets(%arg11 : memref<80xi32, #tpu.memory_space<vmem>>) semaphore(%run_scoped3A_137 : memref<!tpu.dma_semaphore, #tpu.memory_space<semaphore_mem>>) {add = true}
        %dma_wait3A_141 = arith.constant 0 : i32
        %dma_wait3A_142 = arith.constant 0 : i32
        %dma_wait3A_143 = tpu.memref_slice %arg15[%dma_wait3A_141, %dma_wait3A_142] : memref<10000x128xf32, #tpu.memory_space<vmem_shared>> -> memref<10000x128xf32, #tpu.memory_space<vmem_shared>>
        tpu.wait_indirect_dma semaphore(%run_scoped3A_137 : memref<!tpu.dma_semaphore, #tpu.memory_space<semaphore_mem>>) src(%arg13 : memref<80x128xf32, #tpu.memory_space<vmem>>) dst(%dma_wait3A_143 : memref<10000x128xf32, #tpu.memory_space<vmem_shared>>)
        tpu.yield
      }) : () -> ()
      %add3A_81 = arith.constant 2 : i32
      %add3A_82 = arith.addi %mul3A_58, %add3A_81 : i32
      %dma_start3A_83 = arith.constant 0 : i32
      %dma_start3A_84 = tpu.memref_slice %arg3[%add3A, %add3A_82, %dma_start3A_83] : memref<32x127x80xi32, #tpu.memory_space<hbm>> -> memref<1x1x80xi32, #tpu.memory_space<hbm>>
      %dma_start3A_85 = tpu.memref_squeeze %dma_start3A_84 : memref<1x1x80xi32, #tpu.memory_space<hbm>> -> memref<80xi32, #tpu.memory_space<hbm>>
      %dma_start3A_86 = arith.constant 0 : i32
      %dma_start3A_87 = tpu.memref_slice %arg3[%add3A, %add3A_82, %dma_start3A_86] : memref<32x127x80xi32, #tpu.memory_space<hbm>> -> memref<1x1x80xi32, #tpu.memory_space<hbm>>
      %dma_start3A_88 = tpu.memref_squeeze %dma_start3A_87 : memref<1x1x80xi32, #tpu.memory_space<hbm>> -> memref<80xi32, #tpu.memory_space<hbm>>
      tpu.enqueue_dma source(%dma_start3A_88 : memref<80xi32, #tpu.memory_space<hbm>>) target(%arg9 : memref<80xi32, #tpu.memory_space<vmem>>) target_semaphore(%arg8 : memref<!tpu.dma_semaphore, #tpu.memory_space<semaphore_mem>>)
      %add3A_89 = arith.constant 2 : i32
      %add3A_90 = arith.addi %mul3A_58, %add3A_89 : i32
      %dma_start3A_91 = arith.constant 0 : i32
      %dma_start3A_92 = tpu.memref_slice %arg4[%add3A, %add3A_90, %dma_start3A_91] : memref<32x127x80xi32, #tpu.memory_space<hbm>> -> memref<1x1x80xi32, #tpu.memory_space<hbm>>
      %dma_start3A_93 = tpu.memref_squeeze %dma_start3A_92 : memref<1x1x80xi32, #tpu.memory_space<hbm>> -> memref<80xi32, #tpu.memory_space<hbm>>
      %dma_start3A_94 = arith.constant 0 : i32
      %dma_start3A_95 = tpu.memref_slice %arg4[%add3A, %add3A_90, %dma_start3A_94] : memref<32x127x80xi32, #tpu.memory_space<hbm>> -> memref<1x1x80xi32, #tpu.memory_space<hbm>>
      %dma_start3A_96 = tpu.memref_squeeze %dma_start3A_95 : memref<1x1x80xi32, #tpu.memory_space<hbm>> -> memref<80xi32, #tpu.memory_space<hbm>>
      tpu.enqueue_dma source(%dma_start3A_96 : memref<80xi32, #tpu.memory_space<hbm>>) target(%arg11 : memref<80xi32, #tpu.memory_space<vmem>>) target_semaphore(%arg8 : memref<!tpu.dma_semaphore, #tpu.memory_space<semaphore_mem>>)
      %add3A_97 = arith.constant 1 : i32
      %add3A_98 = arith.addi %mul3A_58, %add3A_97 : i32
      %dma_wait3A_99 = arith.constant 0 : i32
      %dma_wait3A_100 = arith.constant 0 : i32
      %dma_wait3A_101 = tpu.memref_slice %arg2[%dma_wait3A_99, %dma_wait3A_100] : memref<10000x128xf32, #tpu.memory_space<hbm>> -> memref<10000x128xf32, #tpu.memory_space<hbm>>
      tpu.wait_indirect_dma semaphore(%arg7 : memref<!tpu.dma_semaphore, #tpu.memory_space<semaphore_mem>>) src(%dma_wait3A_101 : memref<10000x128xf32, #tpu.memory_space<hbm>>) dst(%arg14 : memref<80x128xf32, #tpu.memory_space<vmem>>)
      %add3A_102 = arith.constant 1 : i32
      %add3A_103 = arith.addi %add3A_98, %add3A_102 : i32
      %dma_wait3A_104 = arith.constant 0 : i32
      %dma_wait3A_105 = tpu.memref_slice %arg3[%add3A, %add3A_103, %dma_wait3A_104] : memref<32x127x80xi32, #tpu.memory_space<hbm>> -> memref<1x1x80xi32, #tpu.memory_space<hbm>>
      %dma_wait3A_106 = tpu.memref_squeeze %dma_wait3A_105 : memref<1x1x80xi32, #tpu.memory_space<hbm>> -> memref<80xi32, #tpu.memory_space<hbm>>
      %dma_wait3A_107 = arith.constant 0 : i32
      %dma_wait3A_108 = tpu.memref_slice %arg3[%add3A, %add3A_103, %dma_wait3A_107] : memref<32x127x80xi32, #tpu.memory_space<hbm>> -> memref<1x1x80xi32, #tpu.memory_space<hbm>>
      %dma_wait3A_109 = tpu.memref_squeeze %dma_wait3A_108 : memref<1x1x80xi32, #tpu.memory_space<hbm>> -> memref<80xi32, #tpu.memory_space<hbm>>
      tpu.wait_dma2 semaphore(%arg8 : memref<!tpu.dma_semaphore, #tpu.memory_space<semaphore_mem>>) src(%dma_wait3A_109 : memref<80xi32, #tpu.memory_space<hbm>>) dst(%arg9 : memref<80xi32, #tpu.memory_space<vmem>>)
      %add3A_110 = arith.constant 1 : i32
      %add3A_111 = arith.addi %add3A_98, %add3A_110 : i32
      %dma_wait3A_112 = arith.constant 0 : i32
      %dma_wait3A_113 = tpu.memref_slice %arg4[%add3A, %add3A_111, %dma_wait3A_112] : memref<32x127x80xi32, #tpu.memory_space<hbm>> -> memref<1x1x80xi32, #tpu.memory_space<hbm>>
      %dma_wait3A_114 = tpu.memref_squeeze %dma_wait3A_113 : memref<1x1x80xi32, #tpu.memory_space<hbm>> -> memref<80xi32, #tpu.memory_space<hbm>>
      %dma_wait3A_115 = arith.constant 0 : i32
      %dma_wait3A_116 = tpu.memref_slice %arg4[%add3A, %add3A_111, %dma_wait3A_115] : memref<32x127x80xi32, #tpu.memory_space<hbm>> -> memref<1x1x80xi32, #tpu.memory_space<hbm>>
      %dma_wait3A_117 = tpu.memref_squeeze %dma_wait3A_116 : memref<1x1x80xi32, #tpu.memory_space<hbm>> -> memref<80xi32, #tpu.memory_space<hbm>>
      tpu.wait_dma2 semaphore(%arg8 : memref<!tpu.dma_semaphore, #tpu.memory_space<semaphore_mem>>) src(%dma_wait3A_117 : memref<80xi32, #tpu.memory_space<hbm>>) dst(%arg11 : memref<80xi32, #tpu.memory_space<vmem>>)
      %dma_start3A_118 = arith.constant 0 : i32
      %dma_start3A_119 = arith.constant 0 : i32
      %dma_start3A_120 = tpu.memref_slice %arg2[%dma_start3A_118, %dma_start3A_119] : memref<10000x128xf32, #tpu.memory_space<hbm>> -> memref<10000x128xf32, #tpu.memory_space<hbm>>
      tpu.enqueue_indirect_dma source(%dma_start3A_120 : memref<10000x128xf32, #tpu.memory_space<hbm>>) target(%arg13 : memref<80x128xf32, #tpu.memory_space<vmem>>) offsets(%arg9 : memref<80xi32, #tpu.memory_space<vmem>>) semaphore(%arg7 : memref<!tpu.dma_semaphore, #tpu.memory_space<semaphore_mem>>)
      "tpu.region"() ({
        %run_scoped3A_137 = tpu.sem_alloc : memref<!tpu.dma_semaphore, #tpu.memory_space<semaphore_mem>>
        %dma_start3A_138 = arith.constant 0 : i32
        %dma_start3A_139 = arith.constant 0 : i32
        %dma_start3A_140 = tpu.memref_slice %arg15[%dma_start3A_138, %dma_start3A_139] : memref<10000x128xf32, #tpu.memory_space<vmem_shared>> -> memref<10000x128xf32, #tpu.memory_space<vmem_shared>>
        tpu.enqueue_indirect_dma source(%arg14 : memref<80x128xf32, #tpu.memory_space<vmem>>) target(%dma_start3A_140 : memref<10000x128xf32, #tpu.memory_space<vmem_shared>>) offsets(%arg12 : memref<80xi32, #tpu.memory_space<vmem>>) semaphore(%run_scoped3A_137 : memref<!tpu.dma_semaphore, #tpu.memory_space<semaphore_mem>>) {add = true}
        %dma_wait3A_141 = arith.constant 0 : i32
        %dma_wait3A_142 = arith.constant 0 : i32
        %dma_wait3A_143 = tpu.memref_slice %arg15[%dma_wait3A_141, %dma_wait3A_142] : memref<10000x128xf32, #tpu.memory_space<vmem_shared>> -> memref<10000x128xf32, #tpu.memory_space<vmem_shared>>
        tpu.wait_indirect_dma semaphore(%run_scoped3A_137 : memref<!tpu.dma_semaphore, #tpu.memory_space<semaphore_mem>>) src(%arg14 : memref<80x128xf32, #tpu.memory_space<vmem>>) dst(%dma_wait3A_143 : memref<10000x128xf32, #tpu.memory_space<vmem_shared>>)
        tpu.yield
      }) : () -> ()
      %add3A_121 = arith.constant 2 : i32
      %add3A_122 = arith.addi %add3A_98, %add3A_121 : i32
      %dma_start3A_123 = arith.constant 0 : i32
      %dma_start3A_124 = tpu.memref_slice %arg3[%add3A, %add3A_122, %dma_start3A_123] : memref<32x127x80xi32, #tpu.memory_space<hbm>> -> memref<1x1x80xi32, #tpu.memory_space<hbm>>
      %dma_start3A_125 = tpu.memref_squeeze %dma_start3A_124 : memref<1x1x80xi32, #tpu.memory_space<hbm>> -> memref<80xi32, #tpu.memory_space<hbm>>
      %dma_start3A_126 = arith.constant 0 : i32
      %dma_start3A_127 = tpu.memref_slice %arg3[%add3A, %add3A_122, %dma_start3A_126] : memref<32x127x80xi32, #tpu.memory_space<hbm>> -> memref<1x1x80xi32, #tpu.memory_space<hbm>>
      %dma_start3A_128 = tpu.memref_squeeze %dma_start3A_127 : memref<1x1x80xi32, #tpu.memory_space<hbm>> -> memref<80xi32, #tpu.memory_space<hbm>>
      tpu.enqueue_dma source(%dma_start3A_128 : memref<80xi32, #tpu.memory_space<hbm>>) target(%arg10 : memref<80xi32, #tpu.memory_space<vmem>>) target_semaphore(%arg8 : memref<!tpu.dma_semaphore, #tpu.memory_space<semaphore_mem>>)
      %add3A_129 = arith.constant 2 : i32
      %add3A_130 = arith.addi %add3A_98, %add3A_129 : i32
      %dma_start3A_131 = arith.constant 0 : i32
      %dma_start3A_132 = tpu.memref_slice %arg4[%add3A, %add3A_130, %dma_start3A_131] : memref<32x127x80xi32, #tpu.memory_space<hbm>> -> memref<1x1x80xi32, #tpu.memory_space<hbm>>
      %dma_start3A_133 = tpu.memref_squeeze %dma_start3A_132 : memref<1x1x80xi32, #tpu.memory_space<hbm>> -> memref<80xi32, #tpu.memory_space<hbm>>
      %dma_start3A_134 = arith.constant 0 : i32
      %dma_start3A_135 = tpu.memref_slice %arg4[%add3A, %add3A_130, %dma_start3A_134] : memref<32x127x80xi32, #tpu.memory_space<hbm>> -> memref<1x1x80xi32, #tpu.memory_space<hbm>>
      %dma_start3A_136 = tpu.memref_squeeze %dma_start3A_135 : memref<1x1x80xi32, #tpu.memory_space<hbm>> -> memref<80xi32, #tpu.memory_space<hbm>>
      tpu.enqueue_dma source(%dma_start3A_136 : memref<80xi32, #tpu.memory_space<hbm>>) target(%arg12 : memref<80xi32, #tpu.memory_space<vmem>>) target_semaphore(%arg8 : memref<!tpu.dma_semaphore, #tpu.memory_space<semaphore_mem>>)
    }
    %scan3A_28 = arith.constant 62 : i32
    %dma_wait3A = arith.constant 0 : i32
    %dma_wait3A_29 = arith.constant 0 : i32
    %dma_wait3A_30 = tpu.memref_slice %arg2[%dma_wait3A, %dma_wait3A_29] : memref<10000x128xf32, #tpu.memory_space<hbm>> -> memref<10000x128xf32, #tpu.memory_space<hbm>>
    tpu.wait_indirect_dma semaphore(%arg7 : memref<!tpu.dma_semaphore, #tpu.memory_space<semaphore_mem>>) src(%dma_wait3A_30 : memref<10000x128xf32, #tpu.memory_space<hbm>>) dst(%arg13 : memref<80x128xf32, #tpu.memory_space<vmem>>)
    "tpu.region"() ({
      %run_scoped3A_56 = tpu.sem_alloc : memref<!tpu.dma_semaphore, #tpu.memory_space<semaphore_mem>>
      %dma_start3A_57 = arith.constant 0 : i32
      %dma_start3A_58 = arith.constant 0 : i32
      %dma_start3A_59 = tpu.memref_slice %arg15[%dma_start3A_57, %dma_start3A_58] : memref<10000x128xf32, #tpu.memory_space<vmem_shared>> -> memref<10000x128xf32, #tpu.memory_space<vmem_shared>>
      tpu.enqueue_indirect_dma source(%arg13 : memref<80x128xf32, #tpu.memory_space<vmem>>) target(%dma_start3A_59 : memref<10000x128xf32, #tpu.memory_space<vmem_shared>>) offsets(%arg11 : memref<80xi32, #tpu.memory_space<vmem>>) semaphore(%run_scoped3A_56 : memref<!tpu.dma_semaphore, #tpu.memory_space<semaphore_mem>>) {add = true}
      %dma_wait3A_60 = arith.constant 0 : i32
      %dma_wait3A_61 = arith.constant 0 : i32
      %dma_wait3A_62 = tpu.memref_slice %arg15[%dma_wait3A_60, %dma_wait3A_61] : memref<10000x128xf32, #tpu.memory_space<vmem_shared>> -> memref<10000x128xf32, #tpu.memory_space<vmem_shared>>
      tpu.wait_indirect_dma semaphore(%run_scoped3A_56 : memref<!tpu.dma_semaphore, #tpu.memory_space<semaphore_mem>>) src(%arg13 : memref<80x128xf32, #tpu.memory_space<vmem>>) dst(%dma_wait3A_62 : memref<10000x128xf32, #tpu.memory_space<vmem_shared>>)
      tpu.yield
    }) : () -> ()
    %dma_wait3A_31 = arith.constant 125 : i32
    %dma_wait3A_32 = arith.constant 0 : i32
    %dma_wait3A_33 = tpu.memref_slice %arg3[%add3A, %dma_wait3A_31, %dma_wait3A_32] : memref<32x127x80xi32, #tpu.memory_space<hbm>> -> memref<1x1x80xi32, #tpu.memory_space<hbm>>
    %dma_wait3A_34 = tpu.memref_squeeze %dma_wait3A_33 : memref<1x1x80xi32, #tpu.memory_space<hbm>> -> memref<80xi32, #tpu.memory_space<hbm>>
    %dma_wait3A_35 = arith.constant 0 : i32
    %dma_wait3A_36 = tpu.memref_slice %arg3[%add3A, %dma_wait3A_31, %dma_wait3A_35] : memref<32x127x80xi32, #tpu.memory_space<hbm>> -> memref<1x1x80xi32, #tpu.memory_space<hbm>>
    %dma_wait3A_37 = tpu.memref_squeeze %dma_wait3A_36 : memref<1x1x80xi32, #tpu.memory_space<hbm>> -> memref<80xi32, #tpu.memory_space<hbm>>
    tpu.wait_dma2 semaphore(%arg8 : memref<!tpu.dma_semaphore, #tpu.memory_space<semaphore_mem>>) src(%dma_wait3A_37 : memref<80xi32, #tpu.memory_space<hbm>>) dst(%arg10 : memref<80xi32, #tpu.memory_space<vmem>>)
    %dma_wait3A_38 = arith.constant 125 : i32
    %dma_wait3A_39 = arith.constant 0 : i32
    %dma_wait3A_40 = tpu.memref_slice %arg4[%add3A, %dma_wait3A_38, %dma_wait3A_39] : memref<32x127x80xi32, #tpu.memory_space<hbm>> -> memref<1x1x80xi32, #tpu.memory_space<hbm>>
    %dma_wait3A_41 = tpu.memref_squeeze %dma_wait3A_40 : memref<1x1x80xi32, #tpu.memory_space<hbm>> -> memref<80xi32, #tpu.memory_space<hbm>>
    %dma_wait3A_42 = arith.constant 0 : i32
    %dma_wait3A_43 = tpu.memref_slice %arg4[%add3A, %dma_wait3A_38, %dma_wait3A_42] : memref<32x127x80xi32, #tpu.memory_space<hbm>> -> memref<1x1x80xi32, #tpu.memory_space<hbm>>
    %dma_wait3A_44 = tpu.memref_squeeze %dma_wait3A_43 : memref<1x1x80xi32, #tpu.memory_space<hbm>> -> memref<80xi32, #tpu.memory_space<hbm>>
    tpu.wait_dma2 semaphore(%arg8 : memref<!tpu.dma_semaphore, #tpu.memory_space<semaphore_mem>>) src(%dma_wait3A_44 : memref<80xi32, #tpu.memory_space<hbm>>) dst(%arg12 : memref<80xi32, #tpu.memory_space<vmem>>)
    %barrier3A_45 = arith.constant 0 : index
    tpu.barrier barrier_id(%barrier3A_45)
    %lt3A_46 = arith.constant 15 : i32
    %lt3A_47 = arith.cmpi slt, %arg1, %lt3A_46 : i32
    %convert_element_type3A_48 = arith.extui %lt3A_47 : i1 to i32
    %cond3A_49 = arith.constant 0 : i32
    %cond3A_50 = arith.cmpi ne, %convert_element_type3A_48, %cond3A_49 : i32
    scf.if %cond3A_50 {
      %mul3A_56 = arith.constant 624 : i32
      %mul3A_57 = arith.muli %arg1, %mul3A_56 : i32
      %multiple_of3A = tpu.assume_multiple %mul3A_57, 8 : i32
      "tpu.region"() ({
        %run_scoped3A_58 = tpu.sem_alloc : memref<!tpu.dma_semaphore, #tpu.memory_space<semaphore_mem>>
        %dma_start3A_59 = arith.constant 0 : i32
        %dma_start3A_60 = tpu.memref_slice %arg6[%arg0, %multiple_of3A, %dma_start3A_59] : memref<2x10000x128xf32, #tpu.memory_space<hbm>> -> memref<1x624x128xf32, #tpu.memory_space<hbm>>
        %dma_start3A_61 = tpu.memref_squeeze %dma_start3A_60 : memref<1x624x128xf32, #tpu.memory_space<hbm>> -> memref<624x128xf32, #tpu.memory_space<hbm>>
        %dma_start3A_62 = arith.constant 0 : i32
        %dma_start3A_63 = tpu.memref_slice %arg15[%multiple_of3A, %dma_start3A_62] : memref<10000x128xf32, #tpu.memory_space<vmem_shared>> -> memref<624x128xf32, #tpu.memory_space<vmem_shared>>
        tpu.enqueue_dma source(%dma_start3A_63 : memref<624x128xf32, #tpu.memory_space<vmem_shared>>) target(%dma_start3A_61 : memref<624x128xf32, #tpu.memory_space<hbm>>) target_semaphore(%run_scoped3A_58 : memref<!tpu.dma_semaphore, #tpu.memory_space<semaphore_mem>>)
        %dma_wait3A_64 = arith.constant 0 : i32
        %dma_wait3A_65 = tpu.memref_slice %arg6[%arg0, %multiple_of3A, %dma_wait3A_64] : memref<2x10000x128xf32, #tpu.memory_space<hbm>> -> memref<1x624x128xf32, #tpu.memory_space<hbm>>
        %dma_wait3A_66 = tpu.memref_squeeze %dma_wait3A_65 : memref<1x624x128xf32, #tpu.memory_space<hbm>> -> memref<624x128xf32, #tpu.memory_space<hbm>>
        %dma_wait3A_67 = arith.constant 0 : i32
        %dma_wait3A_68 = tpu.memref_slice %arg15[%multiple_of3A, %dma_wait3A_67] : memref<10000x128xf32, #tpu.memory_space<vmem_shared>> -> memref<624x128xf32, #tpu.memory_space<vmem_shared>>
        tpu.wait_dma2 semaphore(%run_scoped3A_58 : memref<!tpu.dma_semaphore, #tpu.memory_space<semaphore_mem>>) src(%dma_wait3A_68 : memref<624x128xf32, #tpu.memory_space<vmem_shared>>) dst(%dma_wait3A_66 : memref<624x128xf32, #tpu.memory_space<hbm>>)
        tpu.yield
      }) : () -> ()
    } else {
    }
    %eq3A_51 = arith.constant 15 : i32
    %eq3A_52 = arith.cmpi eq, %arg1, %eq3A_51 : i32
    %convert_element_type3A_53 = arith.extui %eq3A_52 : i1 to i32
    %cond3A_54 = arith.constant 0 : i32
    %cond3A_55 = arith.cmpi ne, %convert_element_type3A_53, %cond3A_54 : i32
    scf.if %cond3A_55 {
      "tpu.region"() ({
        %run_scoped3A_56 = tpu.sem_alloc : memref<!tpu.dma_semaphore, #tpu.memory_space<semaphore_mem>>
        %dma_start3A_57 = arith.constant 9360 : i32
        %dma_start3A_58 = arith.constant 0 : i32
        %dma_start3A_59 = tpu.memref_slice %arg6[%arg0, %dma_start3A_57, %dma_start3A_58] : memref<2x10000x128xf32, #tpu.memory_space<hbm>> -> memref<1x640x128xf32, #tpu.memory_space<hbm>>
        %dma_start3A_60 = tpu.memref_squeeze %dma_start3A_59 : memref<1x640x128xf32, #tpu.memory_space<hbm>> -> memref<640x128xf32, #tpu.memory_space<hbm>>
        %dma_start3A_61 = arith.constant 9360 : i32
        %dma_start3A_62 = arith.constant 0 : i32
        %dma_start3A_63 = tpu.memref_slice %arg15[%dma_start3A_61, %dma_start3A_62] : memref<10000x128xf32, #tpu.memory_space<vmem_shared>> -> memref<640x128xf32, #tpu.memory_space<vmem_shared>>
        tpu.enqueue_dma source(%dma_start3A_63 : memref<640x128xf32, #tpu.memory_space<vmem_shared>>) target(%dma_start3A_60 : memref<640x128xf32, #tpu.memory_space<hbm>>) target_semaphore(%run_scoped3A_56 : memref<!tpu.dma_semaphore, #tpu.memory_space<semaphore_mem>>)
        %dma_wait3A_64 = arith.constant 9360 : i32
        %dma_wait3A_65 = arith.constant 0 : i32
        %dma_wait3A_66 = tpu.memref_slice %arg6[%arg0, %dma_wait3A_64, %dma_wait3A_65] : memref<2x10000x128xf32, #tpu.memory_space<hbm>> -> memref<1x640x128xf32, #tpu.memory_space<hbm>>
        %dma_wait3A_67 = tpu.memref_squeeze %dma_wait3A_66 : memref<1x640x128xf32, #tpu.memory_space<hbm>> -> memref<640x128xf32, #tpu.memory_space<hbm>>
        %dma_wait3A_68 = arith.constant 9360 : i32
        %dma_wait3A_69 = arith.constant 0 : i32
        %dma_wait3A_70 = tpu.memref_slice %arg15[%dma_wait3A_68, %dma_wait3A_69] : memref<10000x128xf32, #tpu.memory_space<vmem_shared>> -> memref<640x128xf32, #tpu.memory_space<vmem_shared>>
        tpu.wait_dma2 semaphore(%run_scoped3A_56 : memref<!tpu.dma_semaphore, #tpu.memory_space<semaphore_mem>>) src(%dma_wait3A_70 : memref<640x128xf32, #tpu.memory_space<vmem_shared>>) dst(%dma_wait3A_67 : memref<640x128xf32, #tpu.memory_space<hbm>>)
        tpu.yield
      }) : () -> ()
    } else {
    }
    return
  }
}

#map = affine_map<(d0, d1) -> (0, 0)>
#map1 = affine_map<(d0, d1) -> (0, 0, 0)>
module attributes {stable_mosaic.version = 14 : i64} {
  func.func @sc_agg_d64_cnt(%arg0: i32, %arg1: i32, %arg2: memref<10000x64xf32, #tpu.memory_space<hbm>>, %arg3: memref<32x127x80xi32, #tpu.memory_space<hbm>>, %arg4: memref<32x127x80xi32, #tpu.memory_space<hbm>>, %arg5: memref<10000x64xf32, #tpu.memory_space<hbm>>, %arg6: memref<10000x16xf32, #tpu.memory_space<hbm>>, %arg7: memref<80x16xf32, #tpu.memory_space<hbm>>, %arg8: memref<2x10000x64xf32, #tpu.memory_space<hbm>>, %arg9: memref<2x10000x16xf32, #tpu.memory_space<hbm>>, %arg10: memref<!tpu.dma_semaphore, #tpu.memory_space<semaphore_mem>>, %arg11: memref<!tpu.dma_semaphore, #tpu.memory_space<semaphore_mem>>, %arg12: memref<80xi32, #tpu.memory_space<vmem>>, %arg13: memref<80xi32, #tpu.memory_space<vmem>>, %arg14: memref<80xi32, #tpu.memory_space<vmem>>, %arg15: memref<80xi32, #tpu.memory_space<vmem>>, %arg16: memref<80x64xf32, #tpu.memory_space<vmem>>, %arg17: memref<80x64xf32, #tpu.memory_space<vmem>>, %arg18: memref<10000x64xf32, #tpu.memory_space<vmem_shared>>, %arg19: memref<80x16xf32, #tpu.memory_space<vmem>>, %arg20: memref<10000x16xf32, #tpu.memory_space<vmem_shared>>) attributes {dimension_semantics = [#tpu.dimension_semantics<core_parallel>, #tpu.dimension_semantics<subcore_parallel>], iteration_bounds = array<i64: 2, 16>, scalar_prefetch = 0 : i64, scratch_operands = 11 : i64, tpu.core_type = #tpu.core_type<sc_vector_subcore>, window_params = [{transform_indices = #map}, {transform_indices = #map1}, {transform_indices = #map1}, {transform_indices = #map}, {transform_indices = #map}, {transform_indices = #map}, {transform_indices = #map1}, {transform_indices = #map1}]} {
    %mul3A = arith.constant 2 : i32
    %mul3A_0 = arith.muli %arg1, %mul3A : i32
    %add3A = arith.addi %mul3A_0, %arg0 : i32
    %lt3A = arith.constant 15 : i32
    %lt3A_1 = arith.cmpi slt, %arg1, %lt3A : i32
    %convert_element_type3A = arith.extui %lt3A_1 : i1 to i32
    %cond3A = arith.constant 0 : i32
    %cond3A_2 = arith.cmpi ne, %convert_element_type3A, %cond3A : i32
    scf.if %cond3A_2 {
      %mul3A_56 = arith.constant 624 : i32
      %mul3A_57 = arith.muli %arg1, %mul3A_56 : i32
      %multiple_of3A = tpu.assume_multiple %mul3A_57, 8 : i32
      "tpu.region"() ({
        %run_scoped3A_58 = tpu.sem_alloc : memref<!tpu.dma_semaphore, #tpu.memory_space<semaphore_mem>>
        %dma_start3A_59 = arith.constant 0 : i32
        %dma_start3A_60 = tpu.memref_slice %arg18[%multiple_of3A, %dma_start3A_59] : memref<10000x64xf32, #tpu.memory_space<vmem_shared>> -> memref<624x64xf32, #tpu.memory_space<vmem_shared>>
        %dma_start3A_61 = arith.constant 0 : i32
        %dma_start3A_62 = tpu.memref_slice %arg5[%multiple_of3A, %dma_start3A_61] : memref<10000x64xf32, #tpu.memory_space<hbm>> -> memref<624x64xf32, #tpu.memory_space<hbm>>
        tpu.enqueue_dma source(%dma_start3A_62 : memref<624x64xf32, #tpu.memory_space<hbm>>) target(%dma_start3A_60 : memref<624x64xf32, #tpu.memory_space<vmem_shared>>) target_semaphore(%run_scoped3A_58 : memref<!tpu.dma_semaphore, #tpu.memory_space<semaphore_mem>>)
        %dma_wait3A_63 = arith.constant 0 : i32
        %dma_wait3A_64 = tpu.memref_slice %arg18[%multiple_of3A, %dma_wait3A_63] : memref<10000x64xf32, #tpu.memory_space<vmem_shared>> -> memref<624x64xf32, #tpu.memory_space<vmem_shared>>
        %dma_wait3A_65 = arith.constant 0 : i32
        %dma_wait3A_66 = tpu.memref_slice %arg5[%multiple_of3A, %dma_wait3A_65] : memref<10000x64xf32, #tpu.memory_space<hbm>> -> memref<624x64xf32, #tpu.memory_space<hbm>>
        tpu.wait_dma2 semaphore(%run_scoped3A_58 : memref<!tpu.dma_semaphore, #tpu.memory_space<semaphore_mem>>) src(%dma_wait3A_66 : memref<624x64xf32, #tpu.memory_space<hbm>>) dst(%dma_wait3A_64 : memref<624x64xf32, #tpu.memory_space<vmem_shared>>)
        tpu.yield
      }) : () -> ()
      "tpu.region"() ({
        %run_scoped3A_58 = tpu.sem_alloc : memref<!tpu.dma_semaphore, #tpu.memory_space<semaphore_mem>>
        %dma_start3A_59 = arith.constant 0 : i32
        %dma_start3A_60 = tpu.memref_slice %arg20[%multiple_of3A, %dma_start3A_59] : memref<10000x16xf32, #tpu.memory_space<vmem_shared>> -> memref<624x16xf32, #tpu.memory_space<vmem_shared>>
        %dma_start3A_61 = arith.constant 0 : i32
        %dma_start3A_62 = tpu.memref_slice %arg6[%multiple_of3A, %dma_start3A_61] : memref<10000x16xf32, #tpu.memory_space<hbm>> -> memref<624x16xf32, #tpu.memory_space<hbm>>
        tpu.enqueue_dma source(%dma_start3A_62 : memref<624x16xf32, #tpu.memory_space<hbm>>) target(%dma_start3A_60 : memref<624x16xf32, #tpu.memory_space<vmem_shared>>) target_semaphore(%run_scoped3A_58 : memref<!tpu.dma_semaphore, #tpu.memory_space<semaphore_mem>>)
        %dma_wait3A_63 = arith.constant 0 : i32
        %dma_wait3A_64 = tpu.memref_slice %arg20[%multiple_of3A, %dma_wait3A_63] : memref<10000x16xf32, #tpu.memory_space<vmem_shared>> -> memref<624x16xf32, #tpu.memory_space<vmem_shared>>
        %dma_wait3A_65 = arith.constant 0 : i32
        %dma_wait3A_66 = tpu.memref_slice %arg6[%multiple_of3A, %dma_wait3A_65] : memref<10000x16xf32, #tpu.memory_space<hbm>> -> memref<624x16xf32, #tpu.memory_space<hbm>>
        tpu.wait_dma2 semaphore(%run_scoped3A_58 : memref<!tpu.dma_semaphore, #tpu.memory_space<semaphore_mem>>) src(%dma_wait3A_66 : memref<624x16xf32, #tpu.memory_space<hbm>>) dst(%dma_wait3A_64 : memref<624x16xf32, #tpu.memory_space<vmem_shared>>)
        tpu.yield
      }) : () -> ()
    } else {
    }
    %eq3A = arith.constant 15 : i32
    %eq3A_3 = arith.cmpi eq, %arg1, %eq3A : i32
    %convert_element_type3A_4 = arith.extui %eq3A_3 : i1 to i32
    %cond3A_5 = arith.constant 0 : i32
    %cond3A_6 = arith.cmpi ne, %convert_element_type3A_4, %cond3A_5 : i32
    scf.if %cond3A_6 {
      "tpu.region"() ({
        %run_scoped3A_56 = tpu.sem_alloc : memref<!tpu.dma_semaphore, #tpu.memory_space<semaphore_mem>>
        %dma_start3A_57 = arith.constant 9360 : i32
        %dma_start3A_58 = arith.constant 0 : i32
        %dma_start3A_59 = tpu.memref_slice %arg18[%dma_start3A_57, %dma_start3A_58] : memref<10000x64xf32, #tpu.memory_space<vmem_shared>> -> memref<640x64xf32, #tpu.memory_space<vmem_shared>>
        %dma_start3A_60 = arith.constant 9360 : i32
        %dma_start3A_61 = arith.constant 0 : i32
        %dma_start3A_62 = tpu.memref_slice %arg5[%dma_start3A_60, %dma_start3A_61] : memref<10000x64xf32, #tpu.memory_space<hbm>> -> memref<640x64xf32, #tpu.memory_space<hbm>>
        tpu.enqueue_dma source(%dma_start3A_62 : memref<640x64xf32, #tpu.memory_space<hbm>>) target(%dma_start3A_59 : memref<640x64xf32, #tpu.memory_space<vmem_shared>>) target_semaphore(%run_scoped3A_56 : memref<!tpu.dma_semaphore, #tpu.memory_space<semaphore_mem>>)
        %dma_wait3A_63 = arith.constant 9360 : i32
        %dma_wait3A_64 = arith.constant 0 : i32
        %dma_wait3A_65 = tpu.memref_slice %arg18[%dma_wait3A_63, %dma_wait3A_64] : memref<10000x64xf32, #tpu.memory_space<vmem_shared>> -> memref<640x64xf32, #tpu.memory_space<vmem_shared>>
        %dma_wait3A_66 = arith.constant 9360 : i32
        %dma_wait3A_67 = arith.constant 0 : i32
        %dma_wait3A_68 = tpu.memref_slice %arg5[%dma_wait3A_66, %dma_wait3A_67] : memref<10000x64xf32, #tpu.memory_space<hbm>> -> memref<640x64xf32, #tpu.memory_space<hbm>>
        tpu.wait_dma2 semaphore(%run_scoped3A_56 : memref<!tpu.dma_semaphore, #tpu.memory_space<semaphore_mem>>) src(%dma_wait3A_68 : memref<640x64xf32, #tpu.memory_space<hbm>>) dst(%dma_wait3A_65 : memref<640x64xf32, #tpu.memory_space<vmem_shared>>)
        tpu.yield
      }) : () -> ()
      "tpu.region"() ({
        %run_scoped3A_56 = tpu.sem_alloc : memref<!tpu.dma_semaphore, #tpu.memory_space<semaphore_mem>>
        %dma_start3A_57 = arith.constant 9360 : i32
        %dma_start3A_58 = arith.constant 0 : i32
        %dma_start3A_59 = tpu.memref_slice %arg20[%dma_start3A_57, %dma_start3A_58] : memref<10000x16xf32, #tpu.memory_space<vmem_shared>> -> memref<640x16xf32, #tpu.memory_space<vmem_shared>>
        %dma_start3A_60 = arith.constant 9360 : i32
        %dma_start3A_61 = arith.constant 0 : i32
        %dma_start3A_62 = tpu.memref_slice %arg6[%dma_start3A_60, %dma_start3A_61] : memref<10000x16xf32, #tpu.memory_space<hbm>> -> memref<640x16xf32, #tpu.memory_space<hbm>>
        tpu.enqueue_dma source(%dma_start3A_62 : memref<640x16xf32, #tpu.memory_space<hbm>>) target(%dma_start3A_59 : memref<640x16xf32, #tpu.memory_space<vmem_shared>>) target_semaphore(%run_scoped3A_56 : memref<!tpu.dma_semaphore, #tpu.memory_space<semaphore_mem>>)
        %dma_wait3A_63 = arith.constant 9360 : i32
        %dma_wait3A_64 = arith.constant 0 : i32
        %dma_wait3A_65 = tpu.memref_slice %arg20[%dma_wait3A_63, %dma_wait3A_64] : memref<10000x16xf32, #tpu.memory_space<vmem_shared>> -> memref<640x16xf32, #tpu.memory_space<vmem_shared>>
        %dma_wait3A_66 = arith.constant 9360 : i32
        %dma_wait3A_67 = arith.constant 0 : i32
        %dma_wait3A_68 = tpu.memref_slice %arg6[%dma_wait3A_66, %dma_wait3A_67] : memref<10000x16xf32, #tpu.memory_space<hbm>> -> memref<640x16xf32, #tpu.memory_space<hbm>>
        tpu.wait_dma2 semaphore(%run_scoped3A_56 : memref<!tpu.dma_semaphore, #tpu.memory_space<semaphore_mem>>) src(%dma_wait3A_68 : memref<640x16xf32, #tpu.memory_space<hbm>>) dst(%dma_wait3A_65 : memref<640x16xf32, #tpu.memory_space<vmem_shared>>)
        tpu.yield
      }) : () -> ()
    } else {
    }
    "tpu.region"() ({
      %run_scoped3A_56 = tpu.sem_alloc : memref<!tpu.dma_semaphore, #tpu.memory_space<semaphore_mem>>
      tpu.enqueue_dma source(%arg7 : memref<80x16xf32, #tpu.memory_space<hbm>>) target(%arg19 : memref<80x16xf32, #tpu.memory_space<vmem>>) target_semaphore(%run_scoped3A_56 : memref<!tpu.dma_semaphore, #tpu.memory_space<semaphore_mem>>)
      tpu.wait_dma2 semaphore(%run_scoped3A_56 : memref<!tpu.dma_semaphore, #tpu.memory_space<semaphore_mem>>) src(%arg7 : memref<80x16xf32, #tpu.memory_space<hbm>>) dst(%arg19 : memref<80x16xf32, #tpu.memory_space<vmem>>)
      tpu.yield
    }) : () -> ()
    %barrier3A = arith.constant 0 : index
    tpu.barrier barrier_id(%barrier3A)
    %run_scoped3A = arith.constant 0 : i32
    "tpu.region"() ({
      %run_scoped3A_56 = tpu.sem_alloc : memref<!tpu.dma_semaphore, #tpu.memory_space<semaphore_mem>>
      %dma_start3A_57 = arith.constant 0 : i32
      %dma_start3A_58 = tpu.memref_slice %arg3[%add3A, %run_scoped3A, %dma_start3A_57] : memref<32x127x80xi32, #tpu.memory_space<hbm>> -> memref<1x1x80xi32, #tpu.memory_space<hbm>>
      %dma_start3A_59 = tpu.memref_squeeze %dma_start3A_58 : memref<1x1x80xi32, #tpu.memory_space<hbm>> -> memref<80xi32, #tpu.memory_space<hbm>>
      %dma_start3A_60 = arith.constant 0 : i32
      %dma_start3A_61 = tpu.memref_slice %arg3[%add3A, %run_scoped3A, %dma_start3A_60] : memref<32x127x80xi32, #tpu.memory_space<hbm>> -> memref<1x1x80xi32, #tpu.memory_space<hbm>>
      %dma_start3A_62 = tpu.memref_squeeze %dma_start3A_61 : memref<1x1x80xi32, #tpu.memory_space<hbm>> -> memref<80xi32, #tpu.memory_space<hbm>>
      tpu.enqueue_dma source(%dma_start3A_62 : memref<80xi32, #tpu.memory_space<hbm>>) target(%arg12 : memref<80xi32, #tpu.memory_space<vmem>>) target_semaphore(%run_scoped3A_56 : memref<!tpu.dma_semaphore, #tpu.memory_space<semaphore_mem>>)
      %dma_wait3A_63 = arith.constant 0 : i32
      %dma_wait3A_64 = tpu.memref_slice %arg3[%add3A, %run_scoped3A, %dma_wait3A_63] : memref<32x127x80xi32, #tpu.memory_space<hbm>> -> memref<1x1x80xi32, #tpu.memory_space<hbm>>
      %dma_wait3A_65 = tpu.memref_squeeze %dma_wait3A_64 : memref<1x1x80xi32, #tpu.memory_space<hbm>> -> memref<80xi32, #tpu.memory_space<hbm>>
      %dma_wait3A_66 = arith.constant 0 : i32
      %dma_wait3A_67 = tpu.memref_slice %arg3[%add3A, %run_scoped3A, %dma_wait3A_66] : memref<32x127x80xi32, #tpu.memory_space<hbm>> -> memref<1x1x80xi32, #tpu.memory_space<hbm>>
      %dma_wait3A_68 = tpu.memref_squeeze %dma_wait3A_67 : memref<1x1x80xi32, #tpu.memory_space<hbm>> -> memref<80xi32, #tpu.memory_space<hbm>>
      tpu.wait_dma2 semaphore(%run_scoped3A_56 : memref<!tpu.dma_semaphore, #tpu.memory_space<semaphore_mem>>) src(%dma_wait3A_68 : memref<80xi32, #tpu.memory_space<hbm>>) dst(%arg12 : memref<80xi32, #tpu.memory_space<vmem>>)
      tpu.yield
    }) : () -> ()
    %run_scoped3A_7 = arith.constant 0 : i32
    "tpu.region"() ({
      %run_scoped3A_56 = tpu.sem_alloc : memref<!tpu.dma_semaphore, #tpu.memory_space<semaphore_mem>>
      %dma_start3A_57 = arith.constant 0 : i32
      %dma_start3A_58 = tpu.memref_slice %arg4[%add3A, %run_scoped3A_7, %dma_start3A_57] : memref<32x127x80xi32, #tpu.memory_space<hbm>> -> memref<1x1x80xi32, #tpu.memory_space<hbm>>
      %dma_start3A_59 = tpu.memref_squeeze %dma_start3A_58 : memref<1x1x80xi32, #tpu.memory_space<hbm>> -> memref<80xi32, #tpu.memory_space<hbm>>
      %dma_start3A_60 = arith.constant 0 : i32
      %dma_start3A_61 = tpu.memref_slice %arg4[%add3A, %run_scoped3A_7, %dma_start3A_60] : memref<32x127x80xi32, #tpu.memory_space<hbm>> -> memref<1x1x80xi32, #tpu.memory_space<hbm>>
      %dma_start3A_62 = tpu.memref_squeeze %dma_start3A_61 : memref<1x1x80xi32, #tpu.memory_space<hbm>> -> memref<80xi32, #tpu.memory_space<hbm>>
      tpu.enqueue_dma source(%dma_start3A_62 : memref<80xi32, #tpu.memory_space<hbm>>) target(%arg14 : memref<80xi32, #tpu.memory_space<vmem>>) target_semaphore(%run_scoped3A_56 : memref<!tpu.dma_semaphore, #tpu.memory_space<semaphore_mem>>)
      %dma_wait3A_63 = arith.constant 0 : i32
      %dma_wait3A_64 = tpu.memref_slice %arg4[%add3A, %run_scoped3A_7, %dma_wait3A_63] : memref<32x127x80xi32, #tpu.memory_space<hbm>> -> memref<1x1x80xi32, #tpu.memory_space<hbm>>
      %dma_wait3A_65 = tpu.memref_squeeze %dma_wait3A_64 : memref<1x1x80xi32, #tpu.memory_space<hbm>> -> memref<80xi32, #tpu.memory_space<hbm>>
      %dma_wait3A_66 = arith.constant 0 : i32
      %dma_wait3A_67 = tpu.memref_slice %arg4[%add3A, %run_scoped3A_7, %dma_wait3A_66] : memref<32x127x80xi32, #tpu.memory_space<hbm>> -> memref<1x1x80xi32, #tpu.memory_space<hbm>>
      %dma_wait3A_68 = tpu.memref_squeeze %dma_wait3A_67 : memref<1x1x80xi32, #tpu.memory_space<hbm>> -> memref<80xi32, #tpu.memory_space<hbm>>
      tpu.wait_dma2 semaphore(%run_scoped3A_56 : memref<!tpu.dma_semaphore, #tpu.memory_space<semaphore_mem>>) src(%dma_wait3A_68 : memref<80xi32, #tpu.memory_space<hbm>>) dst(%arg14 : memref<80xi32, #tpu.memory_space<vmem>>)
      tpu.yield
    }) : () -> ()
    %dma_start3A = arith.constant 1 : i32
    %dma_start3A_8 = arith.constant 0 : i32
    %dma_start3A_9 = tpu.memref_slice %arg3[%add3A, %dma_start3A, %dma_start3A_8] : memref<32x127x80xi32, #tpu.memory_space<hbm>> -> memref<1x1x80xi32, #tpu.memory_space<hbm>>
    %dma_start3A_10 = tpu.memref_squeeze %dma_start3A_9 : memref<1x1x80xi32, #tpu.memory_space<hbm>> -> memref<80xi32, #tpu.memory_space<hbm>>
    %dma_start3A_11 = arith.constant 0 : i32
    %dma_start3A_12 = tpu.memref_slice %arg3[%add3A, %dma_start3A, %dma_start3A_11] : memref<32x127x80xi32, #tpu.memory_space<hbm>> -> memref<1x1x80xi32, #tpu.memory_space<hbm>>
    %dma_start3A_13 = tpu.memref_squeeze %dma_start3A_12 : memref<1x1x80xi32, #tpu.memory_space<hbm>> -> memref<80xi32, #tpu.memory_space<hbm>>
    tpu.enqueue_dma source(%dma_start3A_13 : memref<80xi32, #tpu.memory_space<hbm>>) target(%arg13 : memref<80xi32, #tpu.memory_space<vmem>>) target_semaphore(%arg11 : memref<!tpu.dma_semaphore, #tpu.memory_space<semaphore_mem>>)
    %dma_start3A_14 = arith.constant 1 : i32
    %dma_start3A_15 = arith.constant 0 : i32
    %dma_start3A_16 = tpu.memref_slice %arg4[%add3A, %dma_start3A_14, %dma_start3A_15] : memref<32x127x80xi32, #tpu.memory_space<hbm>> -> memref<1x1x80xi32, #tpu.memory_space<hbm>>
    %dma_start3A_17 = tpu.memref_squeeze %dma_start3A_16 : memref<1x1x80xi32, #tpu.memory_space<hbm>> -> memref<80xi32, #tpu.memory_space<hbm>>
    %dma_start3A_18 = arith.constant 0 : i32
    %dma_start3A_19 = tpu.memref_slice %arg4[%add3A, %dma_start3A_14, %dma_start3A_18] : memref<32x127x80xi32, #tpu.memory_space<hbm>> -> memref<1x1x80xi32, #tpu.memory_space<hbm>>
    %dma_start3A_20 = tpu.memref_squeeze %dma_start3A_19 : memref<1x1x80xi32, #tpu.memory_space<hbm>> -> memref<80xi32, #tpu.memory_space<hbm>>
    tpu.enqueue_dma source(%dma_start3A_20 : memref<80xi32, #tpu.memory_space<hbm>>) target(%arg15 : memref<80xi32, #tpu.memory_space<vmem>>) target_semaphore(%arg11 : memref<!tpu.dma_semaphore, #tpu.memory_space<semaphore_mem>>)
    %dma_start3A_21 = arith.constant 0 : i32
    %dma_start3A_22 = arith.constant 0 : i32
    %dma_start3A_23 = tpu.memref_slice %arg2[%dma_start3A_21, %dma_start3A_22] : memref<10000x64xf32, #tpu.memory_space<hbm>> -> memref<10000x64xf32, #tpu.memory_space<hbm>>
    tpu.enqueue_indirect_dma source(%dma_start3A_23 : memref<10000x64xf32, #tpu.memory_space<hbm>>) target(%arg16 : memref<80x64xf32, #tpu.memory_space<vmem>>) offsets(%arg12 : memref<80xi32, #tpu.memory_space<vmem>>) semaphore(%arg10 : memref<!tpu.dma_semaphore, #tpu.memory_space<semaphore_mem>>)
    %scan3A = arith.constant 0 : i32
    %scan3A_24 = arith.constant 0 : i32
    %scan3A_25 = arith.constant 62 : i32
    %scan3A_26 = arith.addi %scan3A_24, %scan3A_25 : i32
    %scan3A_27 = arith.constant 1 : i32
    scf.for %scan3A_56 = %scan3A_24 to %scan3A_26 step %scan3A_27  : i32 {
      %mul3A_57 = arith.constant 2 : i32
      %mul3A_58 = arith.muli %mul3A_57, %scan3A_56 : i32
      %dma_wait3A_59 = arith.constant 0 : i32
      %dma_wait3A_60 = arith.constant 0 : i32
      %dma_wait3A_61 = tpu.memref_slice %arg2[%dma_wait3A_59, %dma_wait3A_60] : memref<10000x64xf32, #tpu.memory_space<hbm>> -> memref<10000x64xf32, #tpu.memory_space<hbm>>
      tpu.wait_indirect_dma semaphore(%arg10 : memref<!tpu.dma_semaphore, #tpu.memory_space<semaphore_mem>>) src(%dma_wait3A_61 : memref<10000x64xf32, #tpu.memory_space<hbm>>) dst(%arg16 : memref<80x64xf32, #tpu.memory_space<vmem>>)
      %add3A_62 = arith.constant 1 : i32
      %add3A_63 = arith.addi %mul3A_58, %add3A_62 : i32
      %dma_wait3A_64 = arith.constant 0 : i32
      %dma_wait3A_65 = tpu.memref_slice %arg3[%add3A, %add3A_63, %dma_wait3A_64] : memref<32x127x80xi32, #tpu.memory_space<hbm>> -> memref<1x1x80xi32, #tpu.memory_space<hbm>>
      %dma_wait3A_66 = tpu.memref_squeeze %dma_wait3A_65 : memref<1x1x80xi32, #tpu.memory_space<hbm>> -> memref<80xi32, #tpu.memory_space<hbm>>
      %dma_wait3A_67 = arith.constant 0 : i32
      %dma_wait3A_68 = tpu.memref_slice %arg3[%add3A, %add3A_63, %dma_wait3A_67] : memref<32x127x80xi32, #tpu.memory_space<hbm>> -> memref<1x1x80xi32, #tpu.memory_space<hbm>>
      %dma_wait3A_69 = tpu.memref_squeeze %dma_wait3A_68 : memref<1x1x80xi32, #tpu.memory_space<hbm>> -> memref<80xi32, #tpu.memory_space<hbm>>
      tpu.wait_dma2 semaphore(%arg11 : memref<!tpu.dma_semaphore, #tpu.memory_space<semaphore_mem>>) src(%dma_wait3A_69 : memref<80xi32, #tpu.memory_space<hbm>>) dst(%arg13 : memref<80xi32, #tpu.memory_space<vmem>>)
      %add3A_70 = arith.constant 1 : i32
      %add3A_71 = arith.addi %mul3A_58, %add3A_70 : i32
      %dma_wait3A_72 = arith.constant 0 : i32
      %dma_wait3A_73 = tpu.memref_slice %arg4[%add3A, %add3A_71, %dma_wait3A_72] : memref<32x127x80xi32, #tpu.memory_space<hbm>> -> memref<1x1x80xi32, #tpu.memory_space<hbm>>
      %dma_wait3A_74 = tpu.memref_squeeze %dma_wait3A_73 : memref<1x1x80xi32, #tpu.memory_space<hbm>> -> memref<80xi32, #tpu.memory_space<hbm>>
      %dma_wait3A_75 = arith.constant 0 : i32
      %dma_wait3A_76 = tpu.memref_slice %arg4[%add3A, %add3A_71, %dma_wait3A_75] : memref<32x127x80xi32, #tpu.memory_space<hbm>> -> memref<1x1x80xi32, #tpu.memory_space<hbm>>
      %dma_wait3A_77 = tpu.memref_squeeze %dma_wait3A_76 : memref<1x1x80xi32, #tpu.memory_space<hbm>> -> memref<80xi32, #tpu.memory_space<hbm>>
      tpu.wait_dma2 semaphore(%arg11 : memref<!tpu.dma_semaphore, #tpu.memory_space<semaphore_mem>>) src(%dma_wait3A_77 : memref<80xi32, #tpu.memory_space<hbm>>) dst(%arg15 : memref<80xi32, #tpu.memory_space<vmem>>)
      %dma_start3A_78 = arith.constant 0 : i32
      %dma_start3A_79 = arith.constant 0 : i32
      %dma_start3A_80 = tpu.memref_slice %arg2[%dma_start3A_78, %dma_start3A_79] : memref<10000x64xf32, #tpu.memory_space<hbm>> -> memref<10000x64xf32, #tpu.memory_space<hbm>>
      tpu.enqueue_indirect_dma source(%dma_start3A_80 : memref<10000x64xf32, #tpu.memory_space<hbm>>) target(%arg17 : memref<80x64xf32, #tpu.memory_space<vmem>>) offsets(%arg13 : memref<80xi32, #tpu.memory_space<vmem>>) semaphore(%arg10 : memref<!tpu.dma_semaphore, #tpu.memory_space<semaphore_mem>>)
      "tpu.region"() ({
        %run_scoped3A_137 = tpu.sem_alloc : memref<!tpu.dma_semaphore, #tpu.memory_space<semaphore_mem>>
        %dma_start3A_138 = arith.constant 0 : i32
        %dma_start3A_139 = arith.constant 0 : i32
        %dma_start3A_140 = tpu.memref_slice %arg20[%dma_start3A_138, %dma_start3A_139] : memref<10000x16xf32, #tpu.memory_space<vmem_shared>> -> memref<10000x16xf32, #tpu.memory_space<vmem_shared>>
        tpu.enqueue_indirect_dma source(%arg19 : memref<80x16xf32, #tpu.memory_space<vmem>>) target(%dma_start3A_140 : memref<10000x16xf32, #tpu.memory_space<vmem_shared>>) offsets(%arg14 : memref<80xi32, #tpu.memory_space<vmem>>) semaphore(%run_scoped3A_137 : memref<!tpu.dma_semaphore, #tpu.memory_space<semaphore_mem>>) {add = true}
        %dma_wait3A_141 = arith.constant 0 : i32
        %dma_wait3A_142 = arith.constant 0 : i32
        %dma_wait3A_143 = tpu.memref_slice %arg20[%dma_wait3A_141, %dma_wait3A_142] : memref<10000x16xf32, #tpu.memory_space<vmem_shared>> -> memref<10000x16xf32, #tpu.memory_space<vmem_shared>>
        tpu.wait_indirect_dma semaphore(%run_scoped3A_137 : memref<!tpu.dma_semaphore, #tpu.memory_space<semaphore_mem>>) src(%arg19 : memref<80x16xf32, #tpu.memory_space<vmem>>) dst(%dma_wait3A_143 : memref<10000x16xf32, #tpu.memory_space<vmem_shared>>)
        tpu.yield
      }) : () -> ()
      "tpu.region"() ({
        %run_scoped3A_137 = tpu.sem_alloc : memref<!tpu.dma_semaphore, #tpu.memory_space<semaphore_mem>>
        %dma_start3A_138 = arith.constant 0 : i32
        %dma_start3A_139 = arith.constant 0 : i32
        %dma_start3A_140 = tpu.memref_slice %arg18[%dma_start3A_138, %dma_start3A_139] : memref<10000x64xf32, #tpu.memory_space<vmem_shared>> -> memref<10000x64xf32, #tpu.memory_space<vmem_shared>>
        tpu.enqueue_indirect_dma source(%arg16 : memref<80x64xf32, #tpu.memory_space<vmem>>) target(%dma_start3A_140 : memref<10000x64xf32, #tpu.memory_space<vmem_shared>>) offsets(%arg14 : memref<80xi32, #tpu.memory_space<vmem>>) semaphore(%run_scoped3A_137 : memref<!tpu.dma_semaphore, #tpu.memory_space<semaphore_mem>>) {add = true}
        %dma_wait3A_141 = arith.constant 0 : i32
        %dma_wait3A_142 = arith.constant 0 : i32
        %dma_wait3A_143 = tpu.memref_slice %arg18[%dma_wait3A_141, %dma_wait3A_142] : memref<10000x64xf32, #tpu.memory_space<vmem_shared>> -> memref<10000x64xf32, #tpu.memory_space<vmem_shared>>
        tpu.wait_indirect_dma semaphore(%run_scoped3A_137 : memref<!tpu.dma_semaphore, #tpu.memory_space<semaphore_mem>>) src(%arg16 : memref<80x64xf32, #tpu.memory_space<vmem>>) dst(%dma_wait3A_143 : memref<10000x64xf32, #tpu.memory_space<vmem_shared>>)
        tpu.yield
      }) : () -> ()
      %add3A_81 = arith.constant 2 : i32
      %add3A_82 = arith.addi %mul3A_58, %add3A_81 : i32
      %dma_start3A_83 = arith.constant 0 : i32
      %dma_start3A_84 = tpu.memref_slice %arg3[%add3A, %add3A_82, %dma_start3A_83] : memref<32x127x80xi32, #tpu.memory_space<hbm>> -> memref<1x1x80xi32, #tpu.memory_space<hbm>>
      %dma_start3A_85 = tpu.memref_squeeze %dma_start3A_84 : memref<1x1x80xi32, #tpu.memory_space<hbm>> -> memref<80xi32, #tpu.memory_space<hbm>>
      %dma_start3A_86 = arith.constant 0 : i32
      %dma_start3A_87 = tpu.memref_slice %arg3[%add3A, %add3A_82, %dma_start3A_86] : memref<32x127x80xi32, #tpu.memory_space<hbm>> -> memref<1x1x80xi32, #tpu.memory_space<hbm>>
      %dma_start3A_88 = tpu.memref_squeeze %dma_start3A_87 : memref<1x1x80xi32, #tpu.memory_space<hbm>> -> memref<80xi32, #tpu.memory_space<hbm>>
      tpu.enqueue_dma source(%dma_start3A_88 : memref<80xi32, #tpu.memory_space<hbm>>) target(%arg12 : memref<80xi32, #tpu.memory_space<vmem>>) target_semaphore(%arg11 : memref<!tpu.dma_semaphore, #tpu.memory_space<semaphore_mem>>)
      %add3A_89 = arith.constant 2 : i32
      %add3A_90 = arith.addi %mul3A_58, %add3A_89 : i32
      %dma_start3A_91 = arith.constant 0 : i32
      %dma_start3A_92 = tpu.memref_slice %arg4[%add3A, %add3A_90, %dma_start3A_91] : memref<32x127x80xi32, #tpu.memory_space<hbm>> -> memref<1x1x80xi32, #tpu.memory_space<hbm>>
      %dma_start3A_93 = tpu.memref_squeeze %dma_start3A_92 : memref<1x1x80xi32, #tpu.memory_space<hbm>> -> memref<80xi32, #tpu.memory_space<hbm>>
      %dma_start3A_94 = arith.constant 0 : i32
      %dma_start3A_95 = tpu.memref_slice %arg4[%add3A, %add3A_90, %dma_start3A_94] : memref<32x127x80xi32, #tpu.memory_space<hbm>> -> memref<1x1x80xi32, #tpu.memory_space<hbm>>
      %dma_start3A_96 = tpu.memref_squeeze %dma_start3A_95 : memref<1x1x80xi32, #tpu.memory_space<hbm>> -> memref<80xi32, #tpu.memory_space<hbm>>
      tpu.enqueue_dma source(%dma_start3A_96 : memref<80xi32, #tpu.memory_space<hbm>>) target(%arg14 : memref<80xi32, #tpu.memory_space<vmem>>) target_semaphore(%arg11 : memref<!tpu.dma_semaphore, #tpu.memory_space<semaphore_mem>>)
      %add3A_97 = arith.constant 1 : i32
      %add3A_98 = arith.addi %mul3A_58, %add3A_97 : i32
      %dma_wait3A_99 = arith.constant 0 : i32
      %dma_wait3A_100 = arith.constant 0 : i32
      %dma_wait3A_101 = tpu.memref_slice %arg2[%dma_wait3A_99, %dma_wait3A_100] : memref<10000x64xf32, #tpu.memory_space<hbm>> -> memref<10000x64xf32, #tpu.memory_space<hbm>>
      tpu.wait_indirect_dma semaphore(%arg10 : memref<!tpu.dma_semaphore, #tpu.memory_space<semaphore_mem>>) src(%dma_wait3A_101 : memref<10000x64xf32, #tpu.memory_space<hbm>>) dst(%arg17 : memref<80x64xf32, #tpu.memory_space<vmem>>)
      %add3A_102 = arith.constant 1 : i32
      %add3A_103 = arith.addi %add3A_98, %add3A_102 : i32
      %dma_wait3A_104 = arith.constant 0 : i32
      %dma_wait3A_105 = tpu.memref_slice %arg3[%add3A, %add3A_103, %dma_wait3A_104] : memref<32x127x80xi32, #tpu.memory_space<hbm>> -> memref<1x1x80xi32, #tpu.memory_space<hbm>>
      %dma_wait3A_106 = tpu.memref_squeeze %dma_wait3A_105 : memref<1x1x80xi32, #tpu.memory_space<hbm>> -> memref<80xi32, #tpu.memory_space<hbm>>
      %dma_wait3A_107 = arith.constant 0 : i32
      %dma_wait3A_108 = tpu.memref_slice %arg3[%add3A, %add3A_103, %dma_wait3A_107] : memref<32x127x80xi32, #tpu.memory_space<hbm>> -> memref<1x1x80xi32, #tpu.memory_space<hbm>>
      %dma_wait3A_109 = tpu.memref_squeeze %dma_wait3A_108 : memref<1x1x80xi32, #tpu.memory_space<hbm>> -> memref<80xi32, #tpu.memory_space<hbm>>
      tpu.wait_dma2 semaphore(%arg11 : memref<!tpu.dma_semaphore, #tpu.memory_space<semaphore_mem>>) src(%dma_wait3A_109 : memref<80xi32, #tpu.memory_space<hbm>>) dst(%arg12 : memref<80xi32, #tpu.memory_space<vmem>>)
      %add3A_110 = arith.constant 1 : i32
      %add3A_111 = arith.addi %add3A_98, %add3A_110 : i32
      %dma_wait3A_112 = arith.constant 0 : i32
      %dma_wait3A_113 = tpu.memref_slice %arg4[%add3A, %add3A_111, %dma_wait3A_112] : memref<32x127x80xi32, #tpu.memory_space<hbm>> -> memref<1x1x80xi32, #tpu.memory_space<hbm>>
      %dma_wait3A_114 = tpu.memref_squeeze %dma_wait3A_113 : memref<1x1x80xi32, #tpu.memory_space<hbm>> -> memref<80xi32, #tpu.memory_space<hbm>>
      %dma_wait3A_115 = arith.constant 0 : i32
      %dma_wait3A_116 = tpu.memref_slice %arg4[%add3A, %add3A_111, %dma_wait3A_115] : memref<32x127x80xi32, #tpu.memory_space<hbm>> -> memref<1x1x80xi32, #tpu.memory_space<hbm>>
      %dma_wait3A_117 = tpu.memref_squeeze %dma_wait3A_116 : memref<1x1x80xi32, #tpu.memory_space<hbm>> -> memref<80xi32, #tpu.memory_space<hbm>>
      tpu.wait_dma2 semaphore(%arg11 : memref<!tpu.dma_semaphore, #tpu.memory_space<semaphore_mem>>) src(%dma_wait3A_117 : memref<80xi32, #tpu.memory_space<hbm>>) dst(%arg14 : memref<80xi32, #tpu.memory_space<vmem>>)
      %dma_start3A_118 = arith.constant 0 : i32
      %dma_start3A_119 = arith.constant 0 : i32
      %dma_start3A_120 = tpu.memref_slice %arg2[%dma_start3A_118, %dma_start3A_119] : memref<10000x64xf32, #tpu.memory_space<hbm>> -> memref<10000x64xf32, #tpu.memory_space<hbm>>
      tpu.enqueue_indirect_dma source(%dma_start3A_120 : memref<10000x64xf32, #tpu.memory_space<hbm>>) target(%arg16 : memref<80x64xf32, #tpu.memory_space<vmem>>) offsets(%arg12 : memref<80xi32, #tpu.memory_space<vmem>>) semaphore(%arg10 : memref<!tpu.dma_semaphore, #tpu.memory_space<semaphore_mem>>)
      "tpu.region"() ({
        %run_scoped3A_137 = tpu.sem_alloc : memref<!tpu.dma_semaphore, #tpu.memory_space<semaphore_mem>>
        %dma_start3A_138 = arith.constant 0 : i32
        %dma_start3A_139 = arith.constant 0 : i32
        %dma_start3A_140 = tpu.memref_slice %arg20[%dma_start3A_138, %dma_start3A_139] : memref<10000x16xf32, #tpu.memory_space<vmem_shared>> -> memref<10000x16xf32, #tpu.memory_space<vmem_shared>>
        tpu.enqueue_indirect_dma source(%arg19 : memref<80x16xf32, #tpu.memory_space<vmem>>) target(%dma_start3A_140 : memref<10000x16xf32, #tpu.memory_space<vmem_shared>>) offsets(%arg15 : memref<80xi32, #tpu.memory_space<vmem>>) semaphore(%run_scoped3A_137 : memref<!tpu.dma_semaphore, #tpu.memory_space<semaphore_mem>>) {add = true}
        %dma_wait3A_141 = arith.constant 0 : i32
        %dma_wait3A_142 = arith.constant 0 : i32
        %dma_wait3A_143 = tpu.memref_slice %arg20[%dma_wait3A_141, %dma_wait3A_142] : memref<10000x16xf32, #tpu.memory_space<vmem_shared>> -> memref<10000x16xf32, #tpu.memory_space<vmem_shared>>
        tpu.wait_indirect_dma semaphore(%run_scoped3A_137 : memref<!tpu.dma_semaphore, #tpu.memory_space<semaphore_mem>>) src(%arg19 : memref<80x16xf32, #tpu.memory_space<vmem>>) dst(%dma_wait3A_143 : memref<10000x16xf32, #tpu.memory_space<vmem_shared>>)
        tpu.yield
      }) : () -> ()
      "tpu.region"() ({
        %run_scoped3A_137 = tpu.sem_alloc : memref<!tpu.dma_semaphore, #tpu.memory_space<semaphore_mem>>
        %dma_start3A_138 = arith.constant 0 : i32
        %dma_start3A_139 = arith.constant 0 : i32
        %dma_start3A_140 = tpu.memref_slice %arg18[%dma_start3A_138, %dma_start3A_139] : memref<10000x64xf32, #tpu.memory_space<vmem_shared>> -> memref<10000x64xf32, #tpu.memory_space<vmem_shared>>
        tpu.enqueue_indirect_dma source(%arg17 : memref<80x64xf32, #tpu.memory_space<vmem>>) target(%dma_start3A_140 : memref<10000x64xf32, #tpu.memory_space<vmem_shared>>) offsets(%arg15 : memref<80xi32, #tpu.memory_space<vmem>>) semaphore(%run_scoped3A_137 : memref<!tpu.dma_semaphore, #tpu.memory_space<semaphore_mem>>) {add = true}
        %dma_wait3A_141 = arith.constant 0 : i32
        %dma_wait3A_142 = arith.constant 0 : i32
        %dma_wait3A_143 = tpu.memref_slice %arg18[%dma_wait3A_141, %dma_wait3A_142] : memref<10000x64xf32, #tpu.memory_space<vmem_shared>> -> memref<10000x64xf32, #tpu.memory_space<vmem_shared>>
        tpu.wait_indirect_dma semaphore(%run_scoped3A_137 : memref<!tpu.dma_semaphore, #tpu.memory_space<semaphore_mem>>) src(%arg17 : memref<80x64xf32, #tpu.memory_space<vmem>>) dst(%dma_wait3A_143 : memref<10000x64xf32, #tpu.memory_space<vmem_shared>>)
        tpu.yield
      }) : () -> ()
      %add3A_121 = arith.constant 2 : i32
      %add3A_122 = arith.addi %add3A_98, %add3A_121 : i32
      %dma_start3A_123 = arith.constant 0 : i32
      %dma_start3A_124 = tpu.memref_slice %arg3[%add3A, %add3A_122, %dma_start3A_123] : memref<32x127x80xi32, #tpu.memory_space<hbm>> -> memref<1x1x80xi32, #tpu.memory_space<hbm>>
      %dma_start3A_125 = tpu.memref_squeeze %dma_start3A_124 : memref<1x1x80xi32, #tpu.memory_space<hbm>> -> memref<80xi32, #tpu.memory_space<hbm>>
      %dma_start3A_126 = arith.constant 0 : i32
      %dma_start3A_127 = tpu.memref_slice %arg3[%add3A, %add3A_122, %dma_start3A_126] : memref<32x127x80xi32, #tpu.memory_space<hbm>> -> memref<1x1x80xi32, #tpu.memory_space<hbm>>
      %dma_start3A_128 = tpu.memref_squeeze %dma_start3A_127 : memref<1x1x80xi32, #tpu.memory_space<hbm>> -> memref<80xi32, #tpu.memory_space<hbm>>
      tpu.enqueue_dma source(%dma_start3A_128 : memref<80xi32, #tpu.memory_space<hbm>>) target(%arg13 : memref<80xi32, #tpu.memory_space<vmem>>) target_semaphore(%arg11 : memref<!tpu.dma_semaphore, #tpu.memory_space<semaphore_mem>>)
      %add3A_129 = arith.constant 2 : i32
      %add3A_130 = arith.addi %add3A_98, %add3A_129 : i32
      %dma_start3A_131 = arith.constant 0 : i32
      %dma_start3A_132 = tpu.memref_slice %arg4[%add3A, %add3A_130, %dma_start3A_131] : memref<32x127x80xi32, #tpu.memory_space<hbm>> -> memref<1x1x80xi32, #tpu.memory_space<hbm>>
      %dma_start3A_133 = tpu.memref_squeeze %dma_start3A_132 : memref<1x1x80xi32, #tpu.memory_space<hbm>> -> memref<80xi32, #tpu.memory_space<hbm>>
      %dma_start3A_134 = arith.constant 0 : i32
      %dma_start3A_135 = tpu.memref_slice %arg4[%add3A, %add3A_130, %dma_start3A_134] : memref<32x127x80xi32, #tpu.memory_space<hbm>> -> memref<1x1x80xi32, #tpu.memory_space<hbm>>
      %dma_start3A_136 = tpu.memref_squeeze %dma_start3A_135 : memref<1x1x80xi32, #tpu.memory_space<hbm>> -> memref<80xi32, #tpu.memory_space<hbm>>
      tpu.enqueue_dma source(%dma_start3A_136 : memref<80xi32, #tpu.memory_space<hbm>>) target(%arg15 : memref<80xi32, #tpu.memory_space<vmem>>) target_semaphore(%arg11 : memref<!tpu.dma_semaphore, #tpu.memory_space<semaphore_mem>>)
    }
    %scan3A_28 = arith.constant 62 : i32
    %dma_wait3A = arith.constant 0 : i32
    %dma_wait3A_29 = arith.constant 0 : i32
    %dma_wait3A_30 = tpu.memref_slice %arg2[%dma_wait3A, %dma_wait3A_29] : memref<10000x64xf32, #tpu.memory_space<hbm>> -> memref<10000x64xf32, #tpu.memory_space<hbm>>
    tpu.wait_indirect_dma semaphore(%arg10 : memref<!tpu.dma_semaphore, #tpu.memory_space<semaphore_mem>>) src(%dma_wait3A_30 : memref<10000x64xf32, #tpu.memory_space<hbm>>) dst(%arg16 : memref<80x64xf32, #tpu.memory_space<vmem>>)
    "tpu.region"() ({
      %run_scoped3A_56 = tpu.sem_alloc : memref<!tpu.dma_semaphore, #tpu.memory_space<semaphore_mem>>
      %dma_start3A_57 = arith.constant 0 : i32
      %dma_start3A_58 = arith.constant 0 : i32
      %dma_start3A_59 = tpu.memref_slice %arg20[%dma_start3A_57, %dma_start3A_58] : memref<10000x16xf32, #tpu.memory_space<vmem_shared>> -> memref<10000x16xf32, #tpu.memory_space<vmem_shared>>
      tpu.enqueue_indirect_dma source(%arg19 : memref<80x16xf32, #tpu.memory_space<vmem>>) target(%dma_start3A_59 : memref<10000x16xf32, #tpu.memory_space<vmem_shared>>) offsets(%arg14 : memref<80xi32, #tpu.memory_space<vmem>>) semaphore(%run_scoped3A_56 : memref<!tpu.dma_semaphore, #tpu.memory_space<semaphore_mem>>) {add = true}
      %dma_wait3A_60 = arith.constant 0 : i32
      %dma_wait3A_61 = arith.constant 0 : i32
      %dma_wait3A_62 = tpu.memref_slice %arg20[%dma_wait3A_60, %dma_wait3A_61] : memref<10000x16xf32, #tpu.memory_space<vmem_shared>> -> memref<10000x16xf32, #tpu.memory_space<vmem_shared>>
      tpu.wait_indirect_dma semaphore(%run_scoped3A_56 : memref<!tpu.dma_semaphore, #tpu.memory_space<semaphore_mem>>) src(%arg19 : memref<80x16xf32, #tpu.memory_space<vmem>>) dst(%dma_wait3A_62 : memref<10000x16xf32, #tpu.memory_space<vmem_shared>>)
      tpu.yield
    }) : () -> ()
    "tpu.region"() ({
      %run_scoped3A_56 = tpu.sem_alloc : memref<!tpu.dma_semaphore, #tpu.memory_space<semaphore_mem>>
      %dma_start3A_57 = arith.constant 0 : i32
      %dma_start3A_58 = arith.constant 0 : i32
      %dma_start3A_59 = tpu.memref_slice %arg18[%dma_start3A_57, %dma_start3A_58] : memref<10000x64xf32, #tpu.memory_space<vmem_shared>> -> memref<10000x64xf32, #tpu.memory_space<vmem_shared>>
      tpu.enqueue_indirect_dma source(%arg16 : memref<80x64xf32, #tpu.memory_space<vmem>>) target(%dma_start3A_59 : memref<10000x64xf32, #tpu.memory_space<vmem_shared>>) offsets(%arg14 : memref<80xi32, #tpu.memory_space<vmem>>) semaphore(%run_scoped3A_56 : memref<!tpu.dma_semaphore, #tpu.memory_space<semaphore_mem>>) {add = true}
      %dma_wait3A_60 = arith.constant 0 : i32
      %dma_wait3A_61 = arith.constant 0 : i32
      %dma_wait3A_62 = tpu.memref_slice %arg18[%dma_wait3A_60, %dma_wait3A_61] : memref<10000x64xf32, #tpu.memory_space<vmem_shared>> -> memref<10000x64xf32, #tpu.memory_space<vmem_shared>>
      tpu.wait_indirect_dma semaphore(%run_scoped3A_56 : memref<!tpu.dma_semaphore, #tpu.memory_space<semaphore_mem>>) src(%arg16 : memref<80x64xf32, #tpu.memory_space<vmem>>) dst(%dma_wait3A_62 : memref<10000x64xf32, #tpu.memory_space<vmem_shared>>)
      tpu.yield
    }) : () -> ()
    %dma_wait3A_31 = arith.constant 125 : i32
    %dma_wait3A_32 = arith.constant 0 : i32
    %dma_wait3A_33 = tpu.memref_slice %arg3[%add3A, %dma_wait3A_31, %dma_wait3A_32] : memref<32x127x80xi32, #tpu.memory_space<hbm>> -> memref<1x1x80xi32, #tpu.memory_space<hbm>>
    %dma_wait3A_34 = tpu.memref_squeeze %dma_wait3A_33 : memref<1x1x80xi32, #tpu.memory_space<hbm>> -> memref<80xi32, #tpu.memory_space<hbm>>
    %dma_wait3A_35 = arith.constant 0 : i32
    %dma_wait3A_36 = tpu.memref_slice %arg3[%add3A, %dma_wait3A_31, %dma_wait3A_35] : memref<32x127x80xi32, #tpu.memory_space<hbm>> -> memref<1x1x80xi32, #tpu.memory_space<hbm>>
    %dma_wait3A_37 = tpu.memref_squeeze %dma_wait3A_36 : memref<1x1x80xi32, #tpu.memory_space<hbm>> -> memref<80xi32, #tpu.memory_space<hbm>>
    tpu.wait_dma2 semaphore(%arg11 : memref<!tpu.dma_semaphore, #tpu.memory_space<semaphore_mem>>) src(%dma_wait3A_37 : memref<80xi32, #tpu.memory_space<hbm>>) dst(%arg13 : memref<80xi32, #tpu.memory_space<vmem>>)
    %dma_wait3A_38 = arith.constant 125 : i32
    %dma_wait3A_39 = arith.constant 0 : i32
    %dma_wait3A_40 = tpu.memref_slice %arg4[%add3A, %dma_wait3A_38, %dma_wait3A_39] : memref<32x127x80xi32, #tpu.memory_space<hbm>> -> memref<1x1x80xi32, #tpu.memory_space<hbm>>
    %dma_wait3A_41 = tpu.memref_squeeze %dma_wait3A_40 : memref<1x1x80xi32, #tpu.memory_space<hbm>> -> memref<80xi32, #tpu.memory_space<hbm>>
    %dma_wait3A_42 = arith.constant 0 : i32
    %dma_wait3A_43 = tpu.memref_slice %arg4[%add3A, %dma_wait3A_38, %dma_wait3A_42] : memref<32x127x80xi32, #tpu.memory_space<hbm>> -> memref<1x1x80xi32, #tpu.memory_space<hbm>>
    %dma_wait3A_44 = tpu.memref_squeeze %dma_wait3A_43 : memref<1x1x80xi32, #tpu.memory_space<hbm>> -> memref<80xi32, #tpu.memory_space<hbm>>
    tpu.wait_dma2 semaphore(%arg11 : memref<!tpu.dma_semaphore, #tpu.memory_space<semaphore_mem>>) src(%dma_wait3A_44 : memref<80xi32, #tpu.memory_space<hbm>>) dst(%arg15 : memref<80xi32, #tpu.memory_space<vmem>>)
    %barrier3A_45 = arith.constant 0 : index
    tpu.barrier barrier_id(%barrier3A_45)
    %lt3A_46 = arith.constant 15 : i32
    %lt3A_47 = arith.cmpi slt, %arg1, %lt3A_46 : i32
    %convert_element_type3A_48 = arith.extui %lt3A_47 : i1 to i32
    %cond3A_49 = arith.constant 0 : i32
    %cond3A_50 = arith.cmpi ne, %convert_element_type3A_48, %cond3A_49 : i32
    scf.if %cond3A_50 {
      %mul3A_56 = arith.constant 624 : i32
      %mul3A_57 = arith.muli %arg1, %mul3A_56 : i32
      %multiple_of3A = tpu.assume_multiple %mul3A_57, 8 : i32
      "tpu.region"() ({
        %run_scoped3A_58 = tpu.sem_alloc : memref<!tpu.dma_semaphore, #tpu.memory_space<semaphore_mem>>
        %dma_start3A_59 = arith.constant 0 : i32
        %dma_start3A_60 = tpu.memref_slice %arg8[%arg0, %multiple_of3A, %dma_start3A_59] : memref<2x10000x64xf32, #tpu.memory_space<hbm>> -> memref<1x624x64xf32, #tpu.memory_space<hbm>>
        %dma_start3A_61 = tpu.memref_squeeze %dma_start3A_60 : memref<1x624x64xf32, #tpu.memory_space<hbm>> -> memref<624x64xf32, #tpu.memory_space<hbm>>
        %dma_start3A_62 = arith.constant 0 : i32
        %dma_start3A_63 = tpu.memref_slice %arg18[%multiple_of3A, %dma_start3A_62] : memref<10000x64xf32, #tpu.memory_space<vmem_shared>> -> memref<624x64xf32, #tpu.memory_space<vmem_shared>>
        tpu.enqueue_dma source(%dma_start3A_63 : memref<624x64xf32, #tpu.memory_space<vmem_shared>>) target(%dma_start3A_61 : memref<624x64xf32, #tpu.memory_space<hbm>>) target_semaphore(%run_scoped3A_58 : memref<!tpu.dma_semaphore, #tpu.memory_space<semaphore_mem>>)
        %dma_wait3A_64 = arith.constant 0 : i32
        %dma_wait3A_65 = tpu.memref_slice %arg8[%arg0, %multiple_of3A, %dma_wait3A_64] : memref<2x10000x64xf32, #tpu.memory_space<hbm>> -> memref<1x624x64xf32, #tpu.memory_space<hbm>>
        %dma_wait3A_66 = tpu.memref_squeeze %dma_wait3A_65 : memref<1x624x64xf32, #tpu.memory_space<hbm>> -> memref<624x64xf32, #tpu.memory_space<hbm>>
        %dma_wait3A_67 = arith.constant 0 : i32
        %dma_wait3A_68 = tpu.memref_slice %arg18[%multiple_of3A, %dma_wait3A_67] : memref<10000x64xf32, #tpu.memory_space<vmem_shared>> -> memref<624x64xf32, #tpu.memory_space<vmem_shared>>
        tpu.wait_dma2 semaphore(%run_scoped3A_58 : memref<!tpu.dma_semaphore, #tpu.memory_space<semaphore_mem>>) src(%dma_wait3A_68 : memref<624x64xf32, #tpu.memory_space<vmem_shared>>) dst(%dma_wait3A_66 : memref<624x64xf32, #tpu.memory_space<hbm>>)
        tpu.yield
      }) : () -> ()
      "tpu.region"() ({
        %run_scoped3A_58 = tpu.sem_alloc : memref<!tpu.dma_semaphore, #tpu.memory_space<semaphore_mem>>
        %dma_start3A_59 = arith.constant 0 : i32
        %dma_start3A_60 = tpu.memref_slice %arg9[%arg0, %multiple_of3A, %dma_start3A_59] : memref<2x10000x16xf32, #tpu.memory_space<hbm>> -> memref<1x624x16xf32, #tpu.memory_space<hbm>>
        %dma_start3A_61 = tpu.memref_squeeze %dma_start3A_60 : memref<1x624x16xf32, #tpu.memory_space<hbm>> -> memref<624x16xf32, #tpu.memory_space<hbm>>
        %dma_start3A_62 = arith.constant 0 : i32
        %dma_start3A_63 = tpu.memref_slice %arg20[%multiple_of3A, %dma_start3A_62] : memref<10000x16xf32, #tpu.memory_space<vmem_shared>> -> memref<624x16xf32, #tpu.memory_space<vmem_shared>>
        tpu.enqueue_dma source(%dma_start3A_63 : memref<624x16xf32, #tpu.memory_space<vmem_shared>>) target(%dma_start3A_61 : memref<624x16xf32, #tpu.memory_space<hbm>>) target_semaphore(%run_scoped3A_58 : memref<!tpu.dma_semaphore, #tpu.memory_space<semaphore_mem>>)
        %dma_wait3A_64 = arith.constant 0 : i32
        %dma_wait3A_65 = tpu.memref_slice %arg9[%arg0, %multiple_of3A, %dma_wait3A_64] : memref<2x10000x16xf32, #tpu.memory_space<hbm>> -> memref<1x624x16xf32, #tpu.memory_space<hbm>>
        %dma_wait3A_66 = tpu.memref_squeeze %dma_wait3A_65 : memref<1x624x16xf32, #tpu.memory_space<hbm>> -> memref<624x16xf32, #tpu.memory_space<hbm>>
        %dma_wait3A_67 = arith.constant 0 : i32
        %dma_wait3A_68 = tpu.memref_slice %arg20[%multiple_of3A, %dma_wait3A_67] : memref<10000x16xf32, #tpu.memory_space<vmem_shared>> -> memref<624x16xf32, #tpu.memory_space<vmem_shared>>
        tpu.wait_dma2 semaphore(%run_scoped3A_58 : memref<!tpu.dma_semaphore, #tpu.memory_space<semaphore_mem>>) src(%dma_wait3A_68 : memref<624x16xf32, #tpu.memory_space<vmem_shared>>) dst(%dma_wait3A_66 : memref<624x16xf32, #tpu.memory_space<hbm>>)
        tpu.yield
      }) : () -> ()
    } else {
    }
    %eq3A_51 = arith.constant 15 : i32
    %eq3A_52 = arith.cmpi eq, %arg1, %eq3A_51 : i32
    %convert_element_type3A_53 = arith.extui %eq3A_52 : i1 to i32
    %cond3A_54 = arith.constant 0 : i32
    %cond3A_55 = arith.cmpi ne, %convert_element_type3A_53, %cond3A_54 : i32
    scf.if %cond3A_55 {
      "tpu.region"() ({
        %run_scoped3A_56 = tpu.sem_alloc : memref<!tpu.dma_semaphore, #tpu.memory_space<semaphore_mem>>
        %dma_start3A_57 = arith.constant 9360 : i32
        %dma_start3A_58 = arith.constant 0 : i32
        %dma_start3A_59 = tpu.memref_slice %arg8[%arg0, %dma_start3A_57, %dma_start3A_58] : memref<2x10000x64xf32, #tpu.memory_space<hbm>> -> memref<1x640x64xf32, #tpu.memory_space<hbm>>
        %dma_start3A_60 = tpu.memref_squeeze %dma_start3A_59 : memref<1x640x64xf32, #tpu.memory_space<hbm>> -> memref<640x64xf32, #tpu.memory_space<hbm>>
        %dma_start3A_61 = arith.constant 9360 : i32
        %dma_start3A_62 = arith.constant 0 : i32
        %dma_start3A_63 = tpu.memref_slice %arg18[%dma_start3A_61, %dma_start3A_62] : memref<10000x64xf32, #tpu.memory_space<vmem_shared>> -> memref<640x64xf32, #tpu.memory_space<vmem_shared>>
        tpu.enqueue_dma source(%dma_start3A_63 : memref<640x64xf32, #tpu.memory_space<vmem_shared>>) target(%dma_start3A_60 : memref<640x64xf32, #tpu.memory_space<hbm>>) target_semaphore(%run_scoped3A_56 : memref<!tpu.dma_semaphore, #tpu.memory_space<semaphore_mem>>)
        %dma_wait3A_64 = arith.constant 9360 : i32
        %dma_wait3A_65 = arith.constant 0 : i32
        %dma_wait3A_66 = tpu.memref_slice %arg8[%arg0, %dma_wait3A_64, %dma_wait3A_65] : memref<2x10000x64xf32, #tpu.memory_space<hbm>> -> memref<1x640x64xf32, #tpu.memory_space<hbm>>
        %dma_wait3A_67 = tpu.memref_squeeze %dma_wait3A_66 : memref<1x640x64xf32, #tpu.memory_space<hbm>> -> memref<640x64xf32, #tpu.memory_space<hbm>>
        %dma_wait3A_68 = arith.constant 9360 : i32
        %dma_wait3A_69 = arith.constant 0 : i32
        %dma_wait3A_70 = tpu.memref_slice %arg18[%dma_wait3A_68, %dma_wait3A_69] : memref<10000x64xf32, #tpu.memory_space<vmem_shared>> -> memref<640x64xf32, #tpu.memory_space<vmem_shared>>
        tpu.wait_dma2 semaphore(%run_scoped3A_56 : memref<!tpu.dma_semaphore, #tpu.memory_space<semaphore_mem>>) src(%dma_wait3A_70 : memref<640x64xf32, #tpu.memory_space<vmem_shared>>) dst(%dma_wait3A_67 : memref<640x64xf32, #tpu.memory_space<hbm>>)
        tpu.yield
      }) : () -> ()
      "tpu.region"() ({
        %run_scoped3A_56 = tpu.sem_alloc : memref<!tpu.dma_semaphore, #tpu.memory_space<semaphore_mem>>
        %dma_start3A_57 = arith.constant 9360 : i32
        %dma_start3A_58 = arith.constant 0 : i32
        %dma_start3A_59 = tpu.memref_slice %arg9[%arg0, %dma_start3A_57, %dma_start3A_58] : memref<2x10000x16xf32, #tpu.memory_space<hbm>> -> memref<1x640x16xf32, #tpu.memory_space<hbm>>
        %dma_start3A_60 = tpu.memref_squeeze %dma_start3A_59 : memref<1x640x16xf32, #tpu.memory_space<hbm>> -> memref<640x16xf32, #tpu.memory_space<hbm>>
        %dma_start3A_61 = arith.constant 9360 : i32
        %dma_start3A_62 = arith.constant 0 : i32
        %dma_start3A_63 = tpu.memref_slice %arg20[%dma_start3A_61, %dma_start3A_62] : memref<10000x16xf32, #tpu.memory_space<vmem_shared>> -> memref<640x16xf32, #tpu.memory_space<vmem_shared>>
        tpu.enqueue_dma source(%dma_start3A_63 : memref<640x16xf32, #tpu.memory_space<vmem_shared>>) target(%dma_start3A_60 : memref<640x16xf32, #tpu.memory_space<hbm>>) target_semaphore(%run_scoped3A_56 : memref<!tpu.dma_semaphore, #tpu.memory_space<semaphore_mem>>)
        %dma_wait3A_64 = arith.constant 9360 : i32
        %dma_wait3A_65 = arith.constant 0 : i32
        %dma_wait3A_66 = tpu.memref_slice %arg9[%arg0, %dma_wait3A_64, %dma_wait3A_65] : memref<2x10000x16xf32, #tpu.memory_space<hbm>> -> memref<1x640x16xf32, #tpu.memory_space<hbm>>
        %dma_wait3A_67 = tpu.memref_squeeze %dma_wait3A_66 : memref<1x640x16xf32, #tpu.memory_space<hbm>> -> memref<640x16xf32, #tpu.memory_space<hbm>>
        %dma_wait3A_68 = arith.constant 9360 : i32
        %dma_wait3A_69 = arith.constant 0 : i32
        %dma_wait3A_70 = tpu.memref_slice %arg20[%dma_wait3A_68, %dma_wait3A_69] : memref<10000x16xf32, #tpu.memory_space<vmem_shared>> -> memref<640x16xf32, #tpu.memory_space<vmem_shared>>
        tpu.wait_dma2 semaphore(%run_scoped3A_56 : memref<!tpu.dma_semaphore, #tpu.memory_space<semaphore_mem>>) src(%dma_wait3A_70 : memref<640x16xf32, #tpu.memory_space<vmem_shared>>) dst(%dma_wait3A_67 : memref<640x16xf32, #tpu.memory_space<hbm>>)
        tpu.yield
      }) : () -> ()
    } else {
    }
    return
  }
}

#map = affine_map<(d0, d1) -> (0, 0)>
#map1 = affine_map<(d0, d1) -> (0, 0, 0)>
module attributes {stable_mosaic.version = 14 : i64} {
  func.func @sc_agg_d64(%arg0: i32, %arg1: i32, %arg2: memref<10000x64xf32, #tpu.memory_space<hbm>>, %arg3: memref<32x127x80xi32, #tpu.memory_space<hbm>>, %arg4: memref<32x127x80xi32, #tpu.memory_space<hbm>>, %arg5: memref<10000x64xf32, #tpu.memory_space<hbm>>, %arg6: memref<2x10000x64xf32, #tpu.memory_space<hbm>>, %arg7: memref<!tpu.dma_semaphore, #tpu.memory_space<semaphore_mem>>, %arg8: memref<!tpu.dma_semaphore, #tpu.memory_space<semaphore_mem>>, %arg9: memref<80xi32, #tpu.memory_space<vmem>>, %arg10: memref<80xi32, #tpu.memory_space<vmem>>, %arg11: memref<80xi32, #tpu.memory_space<vmem>>, %arg12: memref<80xi32, #tpu.memory_space<vmem>>, %arg13: memref<80x64xf32, #tpu.memory_space<vmem>>, %arg14: memref<80x64xf32, #tpu.memory_space<vmem>>, %arg15: memref<10000x64xf32, #tpu.memory_space<vmem_shared>>) attributes {dimension_semantics = [#tpu.dimension_semantics<core_parallel>, #tpu.dimension_semantics<subcore_parallel>], iteration_bounds = array<i64: 2, 16>, scalar_prefetch = 0 : i64, scratch_operands = 9 : i64, tpu.core_type = #tpu.core_type<sc_vector_subcore>, window_params = [{transform_indices = #map}, {transform_indices = #map1}, {transform_indices = #map1}, {transform_indices = #map}, {transform_indices = #map1}]} {
    %mul3A = arith.constant 2 : i32
    %mul3A_0 = arith.muli %arg1, %mul3A : i32
    %add3A = arith.addi %mul3A_0, %arg0 : i32
    %lt3A = arith.constant 15 : i32
    %lt3A_1 = arith.cmpi slt, %arg1, %lt3A : i32
    %convert_element_type3A = arith.extui %lt3A_1 : i1 to i32
    %cond3A = arith.constant 0 : i32
    %cond3A_2 = arith.cmpi ne, %convert_element_type3A, %cond3A : i32
    scf.if %cond3A_2 {
      %mul3A_56 = arith.constant 624 : i32
      %mul3A_57 = arith.muli %arg1, %mul3A_56 : i32
      %multiple_of3A = tpu.assume_multiple %mul3A_57, 8 : i32
      "tpu.region"() ({
        %run_scoped3A_58 = tpu.sem_alloc : memref<!tpu.dma_semaphore, #tpu.memory_space<semaphore_mem>>
        %dma_start3A_59 = arith.constant 0 : i32
        %dma_start3A_60 = tpu.memref_slice %arg15[%multiple_of3A, %dma_start3A_59] : memref<10000x64xf32, #tpu.memory_space<vmem_shared>> -> memref<624x64xf32, #tpu.memory_space<vmem_shared>>
        %dma_start3A_61 = arith.constant 0 : i32
        %dma_start3A_62 = tpu.memref_slice %arg5[%multiple_of3A, %dma_start3A_61] : memref<10000x64xf32, #tpu.memory_space<hbm>> -> memref<624x64xf32, #tpu.memory_space<hbm>>
        tpu.enqueue_dma source(%dma_start3A_62 : memref<624x64xf32, #tpu.memory_space<hbm>>) target(%dma_start3A_60 : memref<624x64xf32, #tpu.memory_space<vmem_shared>>) target_semaphore(%run_scoped3A_58 : memref<!tpu.dma_semaphore, #tpu.memory_space<semaphore_mem>>)
        %dma_wait3A_63 = arith.constant 0 : i32
        %dma_wait3A_64 = tpu.memref_slice %arg15[%multiple_of3A, %dma_wait3A_63] : memref<10000x64xf32, #tpu.memory_space<vmem_shared>> -> memref<624x64xf32, #tpu.memory_space<vmem_shared>>
        %dma_wait3A_65 = arith.constant 0 : i32
        %dma_wait3A_66 = tpu.memref_slice %arg5[%multiple_of3A, %dma_wait3A_65] : memref<10000x64xf32, #tpu.memory_space<hbm>> -> memref<624x64xf32, #tpu.memory_space<hbm>>
        tpu.wait_dma2 semaphore(%run_scoped3A_58 : memref<!tpu.dma_semaphore, #tpu.memory_space<semaphore_mem>>) src(%dma_wait3A_66 : memref<624x64xf32, #tpu.memory_space<hbm>>) dst(%dma_wait3A_64 : memref<624x64xf32, #tpu.memory_space<vmem_shared>>)
        tpu.yield
      }) : () -> ()
    } else {
    }
    %eq3A = arith.constant 15 : i32
    %eq3A_3 = arith.cmpi eq, %arg1, %eq3A : i32
    %convert_element_type3A_4 = arith.extui %eq3A_3 : i1 to i32
    %cond3A_5 = arith.constant 0 : i32
    %cond3A_6 = arith.cmpi ne, %convert_element_type3A_4, %cond3A_5 : i32
    scf.if %cond3A_6 {
      "tpu.region"() ({
        %run_scoped3A_56 = tpu.sem_alloc : memref<!tpu.dma_semaphore, #tpu.memory_space<semaphore_mem>>
        %dma_start3A_57 = arith.constant 9360 : i32
        %dma_start3A_58 = arith.constant 0 : i32
        %dma_start3A_59 = tpu.memref_slice %arg15[%dma_start3A_57, %dma_start3A_58] : memref<10000x64xf32, #tpu.memory_space<vmem_shared>> -> memref<640x64xf32, #tpu.memory_space<vmem_shared>>
        %dma_start3A_60 = arith.constant 9360 : i32
        %dma_start3A_61 = arith.constant 0 : i32
        %dma_start3A_62 = tpu.memref_slice %arg5[%dma_start3A_60, %dma_start3A_61] : memref<10000x64xf32, #tpu.memory_space<hbm>> -> memref<640x64xf32, #tpu.memory_space<hbm>>
        tpu.enqueue_dma source(%dma_start3A_62 : memref<640x64xf32, #tpu.memory_space<hbm>>) target(%dma_start3A_59 : memref<640x64xf32, #tpu.memory_space<vmem_shared>>) target_semaphore(%run_scoped3A_56 : memref<!tpu.dma_semaphore, #tpu.memory_space<semaphore_mem>>)
        %dma_wait3A_63 = arith.constant 9360 : i32
        %dma_wait3A_64 = arith.constant 0 : i32
        %dma_wait3A_65 = tpu.memref_slice %arg15[%dma_wait3A_63, %dma_wait3A_64] : memref<10000x64xf32, #tpu.memory_space<vmem_shared>> -> memref<640x64xf32, #tpu.memory_space<vmem_shared>>
        %dma_wait3A_66 = arith.constant 9360 : i32
        %dma_wait3A_67 = arith.constant 0 : i32
        %dma_wait3A_68 = tpu.memref_slice %arg5[%dma_wait3A_66, %dma_wait3A_67] : memref<10000x64xf32, #tpu.memory_space<hbm>> -> memref<640x64xf32, #tpu.memory_space<hbm>>
        tpu.wait_dma2 semaphore(%run_scoped3A_56 : memref<!tpu.dma_semaphore, #tpu.memory_space<semaphore_mem>>) src(%dma_wait3A_68 : memref<640x64xf32, #tpu.memory_space<hbm>>) dst(%dma_wait3A_65 : memref<640x64xf32, #tpu.memory_space<vmem_shared>>)
        tpu.yield
      }) : () -> ()
    } else {
    }
    %barrier3A = arith.constant 0 : index
    tpu.barrier barrier_id(%barrier3A)
    %run_scoped3A = arith.constant 0 : i32
    "tpu.region"() ({
      %run_scoped3A_56 = tpu.sem_alloc : memref<!tpu.dma_semaphore, #tpu.memory_space<semaphore_mem>>
      %dma_start3A_57 = arith.constant 0 : i32
      %dma_start3A_58 = tpu.memref_slice %arg3[%add3A, %run_scoped3A, %dma_start3A_57] : memref<32x127x80xi32, #tpu.memory_space<hbm>> -> memref<1x1x80xi32, #tpu.memory_space<hbm>>
      %dma_start3A_59 = tpu.memref_squeeze %dma_start3A_58 : memref<1x1x80xi32, #tpu.memory_space<hbm>> -> memref<80xi32, #tpu.memory_space<hbm>>
      %dma_start3A_60 = arith.constant 0 : i32
      %dma_start3A_61 = tpu.memref_slice %arg3[%add3A, %run_scoped3A, %dma_start3A_60] : memref<32x127x80xi32, #tpu.memory_space<hbm>> -> memref<1x1x80xi32, #tpu.memory_space<hbm>>
      %dma_start3A_62 = tpu.memref_squeeze %dma_start3A_61 : memref<1x1x80xi32, #tpu.memory_space<hbm>> -> memref<80xi32, #tpu.memory_space<hbm>>
      tpu.enqueue_dma source(%dma_start3A_62 : memref<80xi32, #tpu.memory_space<hbm>>) target(%arg9 : memref<80xi32, #tpu.memory_space<vmem>>) target_semaphore(%run_scoped3A_56 : memref<!tpu.dma_semaphore, #tpu.memory_space<semaphore_mem>>)
      %dma_wait3A_63 = arith.constant 0 : i32
      %dma_wait3A_64 = tpu.memref_slice %arg3[%add3A, %run_scoped3A, %dma_wait3A_63] : memref<32x127x80xi32, #tpu.memory_space<hbm>> -> memref<1x1x80xi32, #tpu.memory_space<hbm>>
      %dma_wait3A_65 = tpu.memref_squeeze %dma_wait3A_64 : memref<1x1x80xi32, #tpu.memory_space<hbm>> -> memref<80xi32, #tpu.memory_space<hbm>>
      %dma_wait3A_66 = arith.constant 0 : i32
      %dma_wait3A_67 = tpu.memref_slice %arg3[%add3A, %run_scoped3A, %dma_wait3A_66] : memref<32x127x80xi32, #tpu.memory_space<hbm>> -> memref<1x1x80xi32, #tpu.memory_space<hbm>>
      %dma_wait3A_68 = tpu.memref_squeeze %dma_wait3A_67 : memref<1x1x80xi32, #tpu.memory_space<hbm>> -> memref<80xi32, #tpu.memory_space<hbm>>
      tpu.wait_dma2 semaphore(%run_scoped3A_56 : memref<!tpu.dma_semaphore, #tpu.memory_space<semaphore_mem>>) src(%dma_wait3A_68 : memref<80xi32, #tpu.memory_space<hbm>>) dst(%arg9 : memref<80xi32, #tpu.memory_space<vmem>>)
      tpu.yield
    }) : () -> ()
    %run_scoped3A_7 = arith.constant 0 : i32
    "tpu.region"() ({
      %run_scoped3A_56 = tpu.sem_alloc : memref<!tpu.dma_semaphore, #tpu.memory_space<semaphore_mem>>
      %dma_start3A_57 = arith.constant 0 : i32
      %dma_start3A_58 = tpu.memref_slice %arg4[%add3A, %run_scoped3A_7, %dma_start3A_57] : memref<32x127x80xi32, #tpu.memory_space<hbm>> -> memref<1x1x80xi32, #tpu.memory_space<hbm>>
      %dma_start3A_59 = tpu.memref_squeeze %dma_start3A_58 : memref<1x1x80xi32, #tpu.memory_space<hbm>> -> memref<80xi32, #tpu.memory_space<hbm>>
      %dma_start3A_60 = arith.constant 0 : i32
      %dma_start3A_61 = tpu.memref_slice %arg4[%add3A, %run_scoped3A_7, %dma_start3A_60] : memref<32x127x80xi32, #tpu.memory_space<hbm>> -> memref<1x1x80xi32, #tpu.memory_space<hbm>>
      %dma_start3A_62 = tpu.memref_squeeze %dma_start3A_61 : memref<1x1x80xi32, #tpu.memory_space<hbm>> -> memref<80xi32, #tpu.memory_space<hbm>>
      tpu.enqueue_dma source(%dma_start3A_62 : memref<80xi32, #tpu.memory_space<hbm>>) target(%arg11 : memref<80xi32, #tpu.memory_space<vmem>>) target_semaphore(%run_scoped3A_56 : memref<!tpu.dma_semaphore, #tpu.memory_space<semaphore_mem>>)
      %dma_wait3A_63 = arith.constant 0 : i32
      %dma_wait3A_64 = tpu.memref_slice %arg4[%add3A, %run_scoped3A_7, %dma_wait3A_63] : memref<32x127x80xi32, #tpu.memory_space<hbm>> -> memref<1x1x80xi32, #tpu.memory_space<hbm>>
      %dma_wait3A_65 = tpu.memref_squeeze %dma_wait3A_64 : memref<1x1x80xi32, #tpu.memory_space<hbm>> -> memref<80xi32, #tpu.memory_space<hbm>>
      %dma_wait3A_66 = arith.constant 0 : i32
      %dma_wait3A_67 = tpu.memref_slice %arg4[%add3A, %run_scoped3A_7, %dma_wait3A_66] : memref<32x127x80xi32, #tpu.memory_space<hbm>> -> memref<1x1x80xi32, #tpu.memory_space<hbm>>
      %dma_wait3A_68 = tpu.memref_squeeze %dma_wait3A_67 : memref<1x1x80xi32, #tpu.memory_space<hbm>> -> memref<80xi32, #tpu.memory_space<hbm>>
      tpu.wait_dma2 semaphore(%run_scoped3A_56 : memref<!tpu.dma_semaphore, #tpu.memory_space<semaphore_mem>>) src(%dma_wait3A_68 : memref<80xi32, #tpu.memory_space<hbm>>) dst(%arg11 : memref<80xi32, #tpu.memory_space<vmem>>)
      tpu.yield
    }) : () -> ()
    %dma_start3A = arith.constant 1 : i32
    %dma_start3A_8 = arith.constant 0 : i32
    %dma_start3A_9 = tpu.memref_slice %arg3[%add3A, %dma_start3A, %dma_start3A_8] : memref<32x127x80xi32, #tpu.memory_space<hbm>> -> memref<1x1x80xi32, #tpu.memory_space<hbm>>
    %dma_start3A_10 = tpu.memref_squeeze %dma_start3A_9 : memref<1x1x80xi32, #tpu.memory_space<hbm>> -> memref<80xi32, #tpu.memory_space<hbm>>
    %dma_start3A_11 = arith.constant 0 : i32
    %dma_start3A_12 = tpu.memref_slice %arg3[%add3A, %dma_start3A, %dma_start3A_11] : memref<32x127x80xi32, #tpu.memory_space<hbm>> -> memref<1x1x80xi32, #tpu.memory_space<hbm>>
    %dma_start3A_13 = tpu.memref_squeeze %dma_start3A_12 : memref<1x1x80xi32, #tpu.memory_space<hbm>> -> memref<80xi32, #tpu.memory_space<hbm>>
    tpu.enqueue_dma source(%dma_start3A_13 : memref<80xi32, #tpu.memory_space<hbm>>) target(%arg10 : memref<80xi32, #tpu.memory_space<vmem>>) target_semaphore(%arg8 : memref<!tpu.dma_semaphore, #tpu.memory_space<semaphore_mem>>)
    %dma_start3A_14 = arith.constant 1 : i32
    %dma_start3A_15 = arith.constant 0 : i32
    %dma_start3A_16 = tpu.memref_slice %arg4[%add3A, %dma_start3A_14, %dma_start3A_15] : memref<32x127x80xi32, #tpu.memory_space<hbm>> -> memref<1x1x80xi32, #tpu.memory_space<hbm>>
    %dma_start3A_17 = tpu.memref_squeeze %dma_start3A_16 : memref<1x1x80xi32, #tpu.memory_space<hbm>> -> memref<80xi32, #tpu.memory_space<hbm>>
    %dma_start3A_18 = arith.constant 0 : i32
    %dma_start3A_19 = tpu.memref_slice %arg4[%add3A, %dma_start3A_14, %dma_start3A_18] : memref<32x127x80xi32, #tpu.memory_space<hbm>> -> memref<1x1x80xi32, #tpu.memory_space<hbm>>
    %dma_start3A_20 = tpu.memref_squeeze %dma_start3A_19 : memref<1x1x80xi32, #tpu.memory_space<hbm>> -> memref<80xi32, #tpu.memory_space<hbm>>
    tpu.enqueue_dma source(%dma_start3A_20 : memref<80xi32, #tpu.memory_space<hbm>>) target(%arg12 : memref<80xi32, #tpu.memory_space<vmem>>) target_semaphore(%arg8 : memref<!tpu.dma_semaphore, #tpu.memory_space<semaphore_mem>>)
    %dma_start3A_21 = arith.constant 0 : i32
    %dma_start3A_22 = arith.constant 0 : i32
    %dma_start3A_23 = tpu.memref_slice %arg2[%dma_start3A_21, %dma_start3A_22] : memref<10000x64xf32, #tpu.memory_space<hbm>> -> memref<10000x64xf32, #tpu.memory_space<hbm>>
    tpu.enqueue_indirect_dma source(%dma_start3A_23 : memref<10000x64xf32, #tpu.memory_space<hbm>>) target(%arg13 : memref<80x64xf32, #tpu.memory_space<vmem>>) offsets(%arg9 : memref<80xi32, #tpu.memory_space<vmem>>) semaphore(%arg7 : memref<!tpu.dma_semaphore, #tpu.memory_space<semaphore_mem>>)
    %scan3A = arith.constant 0 : i32
    %scan3A_24 = arith.constant 0 : i32
    %scan3A_25 = arith.constant 62 : i32
    %scan3A_26 = arith.addi %scan3A_24, %scan3A_25 : i32
    %scan3A_27 = arith.constant 1 : i32
    scf.for %scan3A_56 = %scan3A_24 to %scan3A_26 step %scan3A_27  : i32 {
      %mul3A_57 = arith.constant 2 : i32
      %mul3A_58 = arith.muli %mul3A_57, %scan3A_56 : i32
      %dma_wait3A_59 = arith.constant 0 : i32
      %dma_wait3A_60 = arith.constant 0 : i32
      %dma_wait3A_61 = tpu.memref_slice %arg2[%dma_wait3A_59, %dma_wait3A_60] : memref<10000x64xf32, #tpu.memory_space<hbm>> -> memref<10000x64xf32, #tpu.memory_space<hbm>>
      tpu.wait_indirect_dma semaphore(%arg7 : memref<!tpu.dma_semaphore, #tpu.memory_space<semaphore_mem>>) src(%dma_wait3A_61 : memref<10000x64xf32, #tpu.memory_space<hbm>>) dst(%arg13 : memref<80x64xf32, #tpu.memory_space<vmem>>)
      %add3A_62 = arith.constant 1 : i32
      %add3A_63 = arith.addi %mul3A_58, %add3A_62 : i32
      %dma_wait3A_64 = arith.constant 0 : i32
      %dma_wait3A_65 = tpu.memref_slice %arg3[%add3A, %add3A_63, %dma_wait3A_64] : memref<32x127x80xi32, #tpu.memory_space<hbm>> -> memref<1x1x80xi32, #tpu.memory_space<hbm>>
      %dma_wait3A_66 = tpu.memref_squeeze %dma_wait3A_65 : memref<1x1x80xi32, #tpu.memory_space<hbm>> -> memref<80xi32, #tpu.memory_space<hbm>>
      %dma_wait3A_67 = arith.constant 0 : i32
      %dma_wait3A_68 = tpu.memref_slice %arg3[%add3A, %add3A_63, %dma_wait3A_67] : memref<32x127x80xi32, #tpu.memory_space<hbm>> -> memref<1x1x80xi32, #tpu.memory_space<hbm>>
      %dma_wait3A_69 = tpu.memref_squeeze %dma_wait3A_68 : memref<1x1x80xi32, #tpu.memory_space<hbm>> -> memref<80xi32, #tpu.memory_space<hbm>>
      tpu.wait_dma2 semaphore(%arg8 : memref<!tpu.dma_semaphore, #tpu.memory_space<semaphore_mem>>) src(%dma_wait3A_69 : memref<80xi32, #tpu.memory_space<hbm>>) dst(%arg10 : memref<80xi32, #tpu.memory_space<vmem>>)
      %add3A_70 = arith.constant 1 : i32
      %add3A_71 = arith.addi %mul3A_58, %add3A_70 : i32
      %dma_wait3A_72 = arith.constant 0 : i32
      %dma_wait3A_73 = tpu.memref_slice %arg4[%add3A, %add3A_71, %dma_wait3A_72] : memref<32x127x80xi32, #tpu.memory_space<hbm>> -> memref<1x1x80xi32, #tpu.memory_space<hbm>>
      %dma_wait3A_74 = tpu.memref_squeeze %dma_wait3A_73 : memref<1x1x80xi32, #tpu.memory_space<hbm>> -> memref<80xi32, #tpu.memory_space<hbm>>
      %dma_wait3A_75 = arith.constant 0 : i32
      %dma_wait3A_76 = tpu.memref_slice %arg4[%add3A, %add3A_71, %dma_wait3A_75] : memref<32x127x80xi32, #tpu.memory_space<hbm>> -> memref<1x1x80xi32, #tpu.memory_space<hbm>>
      %dma_wait3A_77 = tpu.memref_squeeze %dma_wait3A_76 : memref<1x1x80xi32, #tpu.memory_space<hbm>> -> memref<80xi32, #tpu.memory_space<hbm>>
      tpu.wait_dma2 semaphore(%arg8 : memref<!tpu.dma_semaphore, #tpu.memory_space<semaphore_mem>>) src(%dma_wait3A_77 : memref<80xi32, #tpu.memory_space<hbm>>) dst(%arg12 : memref<80xi32, #tpu.memory_space<vmem>>)
      %dma_start3A_78 = arith.constant 0 : i32
      %dma_start3A_79 = arith.constant 0 : i32
      %dma_start3A_80 = tpu.memref_slice %arg2[%dma_start3A_78, %dma_start3A_79] : memref<10000x64xf32, #tpu.memory_space<hbm>> -> memref<10000x64xf32, #tpu.memory_space<hbm>>
      tpu.enqueue_indirect_dma source(%dma_start3A_80 : memref<10000x64xf32, #tpu.memory_space<hbm>>) target(%arg14 : memref<80x64xf32, #tpu.memory_space<vmem>>) offsets(%arg10 : memref<80xi32, #tpu.memory_space<vmem>>) semaphore(%arg7 : memref<!tpu.dma_semaphore, #tpu.memory_space<semaphore_mem>>)
      "tpu.region"() ({
        %run_scoped3A_137 = tpu.sem_alloc : memref<!tpu.dma_semaphore, #tpu.memory_space<semaphore_mem>>
        %dma_start3A_138 = arith.constant 0 : i32
        %dma_start3A_139 = arith.constant 0 : i32
        %dma_start3A_140 = tpu.memref_slice %arg15[%dma_start3A_138, %dma_start3A_139] : memref<10000x64xf32, #tpu.memory_space<vmem_shared>> -> memref<10000x64xf32, #tpu.memory_space<vmem_shared>>
        tpu.enqueue_indirect_dma source(%arg13 : memref<80x64xf32, #tpu.memory_space<vmem>>) target(%dma_start3A_140 : memref<10000x64xf32, #tpu.memory_space<vmem_shared>>) offsets(%arg11 : memref<80xi32, #tpu.memory_space<vmem>>) semaphore(%run_scoped3A_137 : memref<!tpu.dma_semaphore, #tpu.memory_space<semaphore_mem>>) {add = true}
        %dma_wait3A_141 = arith.constant 0 : i32
        %dma_wait3A_142 = arith.constant 0 : i32
        %dma_wait3A_143 = tpu.memref_slice %arg15[%dma_wait3A_141, %dma_wait3A_142] : memref<10000x64xf32, #tpu.memory_space<vmem_shared>> -> memref<10000x64xf32, #tpu.memory_space<vmem_shared>>
        tpu.wait_indirect_dma semaphore(%run_scoped3A_137 : memref<!tpu.dma_semaphore, #tpu.memory_space<semaphore_mem>>) src(%arg13 : memref<80x64xf32, #tpu.memory_space<vmem>>) dst(%dma_wait3A_143 : memref<10000x64xf32, #tpu.memory_space<vmem_shared>>)
        tpu.yield
      }) : () -> ()
      %add3A_81 = arith.constant 2 : i32
      %add3A_82 = arith.addi %mul3A_58, %add3A_81 : i32
      %dma_start3A_83 = arith.constant 0 : i32
      %dma_start3A_84 = tpu.memref_slice %arg3[%add3A, %add3A_82, %dma_start3A_83] : memref<32x127x80xi32, #tpu.memory_space<hbm>> -> memref<1x1x80xi32, #tpu.memory_space<hbm>>
      %dma_start3A_85 = tpu.memref_squeeze %dma_start3A_84 : memref<1x1x80xi32, #tpu.memory_space<hbm>> -> memref<80xi32, #tpu.memory_space<hbm>>
      %dma_start3A_86 = arith.constant 0 : i32
      %dma_start3A_87 = tpu.memref_slice %arg3[%add3A, %add3A_82, %dma_start3A_86] : memref<32x127x80xi32, #tpu.memory_space<hbm>> -> memref<1x1x80xi32, #tpu.memory_space<hbm>>
      %dma_start3A_88 = tpu.memref_squeeze %dma_start3A_87 : memref<1x1x80xi32, #tpu.memory_space<hbm>> -> memref<80xi32, #tpu.memory_space<hbm>>
      tpu.enqueue_dma source(%dma_start3A_88 : memref<80xi32, #tpu.memory_space<hbm>>) target(%arg9 : memref<80xi32, #tpu.memory_space<vmem>>) target_semaphore(%arg8 : memref<!tpu.dma_semaphore, #tpu.memory_space<semaphore_mem>>)
      %add3A_89 = arith.constant 2 : i32
      %add3A_90 = arith.addi %mul3A_58, %add3A_89 : i32
      %dma_start3A_91 = arith.constant 0 : i32
      %dma_start3A_92 = tpu.memref_slice %arg4[%add3A, %add3A_90, %dma_start3A_91] : memref<32x127x80xi32, #tpu.memory_space<hbm>> -> memref<1x1x80xi32, #tpu.memory_space<hbm>>
      %dma_start3A_93 = tpu.memref_squeeze %dma_start3A_92 : memref<1x1x80xi32, #tpu.memory_space<hbm>> -> memref<80xi32, #tpu.memory_space<hbm>>
      %dma_start3A_94 = arith.constant 0 : i32
      %dma_start3A_95 = tpu.memref_slice %arg4[%add3A, %add3A_90, %dma_start3A_94] : memref<32x127x80xi32, #tpu.memory_space<hbm>> -> memref<1x1x80xi32, #tpu.memory_space<hbm>>
      %dma_start3A_96 = tpu.memref_squeeze %dma_start3A_95 : memref<1x1x80xi32, #tpu.memory_space<hbm>> -> memref<80xi32, #tpu.memory_space<hbm>>
      tpu.enqueue_dma source(%dma_start3A_96 : memref<80xi32, #tpu.memory_space<hbm>>) target(%arg11 : memref<80xi32, #tpu.memory_space<vmem>>) target_semaphore(%arg8 : memref<!tpu.dma_semaphore, #tpu.memory_space<semaphore_mem>>)
      %add3A_97 = arith.constant 1 : i32
      %add3A_98 = arith.addi %mul3A_58, %add3A_97 : i32
      %dma_wait3A_99 = arith.constant 0 : i32
      %dma_wait3A_100 = arith.constant 0 : i32
      %dma_wait3A_101 = tpu.memref_slice %arg2[%dma_wait3A_99, %dma_wait3A_100] : memref<10000x64xf32, #tpu.memory_space<hbm>> -> memref<10000x64xf32, #tpu.memory_space<hbm>>
      tpu.wait_indirect_dma semaphore(%arg7 : memref<!tpu.dma_semaphore, #tpu.memory_space<semaphore_mem>>) src(%dma_wait3A_101 : memref<10000x64xf32, #tpu.memory_space<hbm>>) dst(%arg14 : memref<80x64xf32, #tpu.memory_space<vmem>>)
      %add3A_102 = arith.constant 1 : i32
      %add3A_103 = arith.addi %add3A_98, %add3A_102 : i32
      %dma_wait3A_104 = arith.constant 0 : i32
      %dma_wait3A_105 = tpu.memref_slice %arg3[%add3A, %add3A_103, %dma_wait3A_104] : memref<32x127x80xi32, #tpu.memory_space<hbm>> -> memref<1x1x80xi32, #tpu.memory_space<hbm>>
      %dma_wait3A_106 = tpu.memref_squeeze %dma_wait3A_105 : memref<1x1x80xi32, #tpu.memory_space<hbm>> -> memref<80xi32, #tpu.memory_space<hbm>>
      %dma_wait3A_107 = arith.constant 0 : i32
      %dma_wait3A_108 = tpu.memref_slice %arg3[%add3A, %add3A_103, %dma_wait3A_107] : memref<32x127x80xi32, #tpu.memory_space<hbm>> -> memref<1x1x80xi32, #tpu.memory_space<hbm>>
      %dma_wait3A_109 = tpu.memref_squeeze %dma_wait3A_108 : memref<1x1x80xi32, #tpu.memory_space<hbm>> -> memref<80xi32, #tpu.memory_space<hbm>>
      tpu.wait_dma2 semaphore(%arg8 : memref<!tpu.dma_semaphore, #tpu.memory_space<semaphore_mem>>) src(%dma_wait3A_109 : memref<80xi32, #tpu.memory_space<hbm>>) dst(%arg9 : memref<80xi32, #tpu.memory_space<vmem>>)
      %add3A_110 = arith.constant 1 : i32
      %add3A_111 = arith.addi %add3A_98, %add3A_110 : i32
      %dma_wait3A_112 = arith.constant 0 : i32
      %dma_wait3A_113 = tpu.memref_slice %arg4[%add3A, %add3A_111, %dma_wait3A_112] : memref<32x127x80xi32, #tpu.memory_space<hbm>> -> memref<1x1x80xi32, #tpu.memory_space<hbm>>
      %dma_wait3A_114 = tpu.memref_squeeze %dma_wait3A_113 : memref<1x1x80xi32, #tpu.memory_space<hbm>> -> memref<80xi32, #tpu.memory_space<hbm>>
      %dma_wait3A_115 = arith.constant 0 : i32
      %dma_wait3A_116 = tpu.memref_slice %arg4[%add3A, %add3A_111, %dma_wait3A_115] : memref<32x127x80xi32, #tpu.memory_space<hbm>> -> memref<1x1x80xi32, #tpu.memory_space<hbm>>
      %dma_wait3A_117 = tpu.memref_squeeze %dma_wait3A_116 : memref<1x1x80xi32, #tpu.memory_space<hbm>> -> memref<80xi32, #tpu.memory_space<hbm>>
      tpu.wait_dma2 semaphore(%arg8 : memref<!tpu.dma_semaphore, #tpu.memory_space<semaphore_mem>>) src(%dma_wait3A_117 : memref<80xi32, #tpu.memory_space<hbm>>) dst(%arg11 : memref<80xi32, #tpu.memory_space<vmem>>)
      %dma_start3A_118 = arith.constant 0 : i32
      %dma_start3A_119 = arith.constant 0 : i32
      %dma_start3A_120 = tpu.memref_slice %arg2[%dma_start3A_118, %dma_start3A_119] : memref<10000x64xf32, #tpu.memory_space<hbm>> -> memref<10000x64xf32, #tpu.memory_space<hbm>>
      tpu.enqueue_indirect_dma source(%dma_start3A_120 : memref<10000x64xf32, #tpu.memory_space<hbm>>) target(%arg13 : memref<80x64xf32, #tpu.memory_space<vmem>>) offsets(%arg9 : memref<80xi32, #tpu.memory_space<vmem>>) semaphore(%arg7 : memref<!tpu.dma_semaphore, #tpu.memory_space<semaphore_mem>>)
      "tpu.region"() ({
        %run_scoped3A_137 = tpu.sem_alloc : memref<!tpu.dma_semaphore, #tpu.memory_space<semaphore_mem>>
        %dma_start3A_138 = arith.constant 0 : i32
        %dma_start3A_139 = arith.constant 0 : i32
        %dma_start3A_140 = tpu.memref_slice %arg15[%dma_start3A_138, %dma_start3A_139] : memref<10000x64xf32, #tpu.memory_space<vmem_shared>> -> memref<10000x64xf32, #tpu.memory_space<vmem_shared>>
        tpu.enqueue_indirect_dma source(%arg14 : memref<80x64xf32, #tpu.memory_space<vmem>>) target(%dma_start3A_140 : memref<10000x64xf32, #tpu.memory_space<vmem_shared>>) offsets(%arg12 : memref<80xi32, #tpu.memory_space<vmem>>) semaphore(%run_scoped3A_137 : memref<!tpu.dma_semaphore, #tpu.memory_space<semaphore_mem>>) {add = true}
        %dma_wait3A_141 = arith.constant 0 : i32
        %dma_wait3A_142 = arith.constant 0 : i32
        %dma_wait3A_143 = tpu.memref_slice %arg15[%dma_wait3A_141, %dma_wait3A_142] : memref<10000x64xf32, #tpu.memory_space<vmem_shared>> -> memref<10000x64xf32, #tpu.memory_space<vmem_shared>>
        tpu.wait_indirect_dma semaphore(%run_scoped3A_137 : memref<!tpu.dma_semaphore, #tpu.memory_space<semaphore_mem>>) src(%arg14 : memref<80x64xf32, #tpu.memory_space<vmem>>) dst(%dma_wait3A_143 : memref<10000x64xf32, #tpu.memory_space<vmem_shared>>)
        tpu.yield
      }) : () -> ()
      %add3A_121 = arith.constant 2 : i32
      %add3A_122 = arith.addi %add3A_98, %add3A_121 : i32
      %dma_start3A_123 = arith.constant 0 : i32
      %dma_start3A_124 = tpu.memref_slice %arg3[%add3A, %add3A_122, %dma_start3A_123] : memref<32x127x80xi32, #tpu.memory_space<hbm>> -> memref<1x1x80xi32, #tpu.memory_space<hbm>>
      %dma_start3A_125 = tpu.memref_squeeze %dma_start3A_124 : memref<1x1x80xi32, #tpu.memory_space<hbm>> -> memref<80xi32, #tpu.memory_space<hbm>>
      %dma_start3A_126 = arith.constant 0 : i32
      %dma_start3A_127 = tpu.memref_slice %arg3[%add3A, %add3A_122, %dma_start3A_126] : memref<32x127x80xi32, #tpu.memory_space<hbm>> -> memref<1x1x80xi32, #tpu.memory_space<hbm>>
      %dma_start3A_128 = tpu.memref_squeeze %dma_start3A_127 : memref<1x1x80xi32, #tpu.memory_space<hbm>> -> memref<80xi32, #tpu.memory_space<hbm>>
      tpu.enqueue_dma source(%dma_start3A_128 : memref<80xi32, #tpu.memory_space<hbm>>) target(%arg10 : memref<80xi32, #tpu.memory_space<vmem>>) target_semaphore(%arg8 : memref<!tpu.dma_semaphore, #tpu.memory_space<semaphore_mem>>)
      %add3A_129 = arith.constant 2 : i32
      %add3A_130 = arith.addi %add3A_98, %add3A_129 : i32
      %dma_start3A_131 = arith.constant 0 : i32
      %dma_start3A_132 = tpu.memref_slice %arg4[%add3A, %add3A_130, %dma_start3A_131] : memref<32x127x80xi32, #tpu.memory_space<hbm>> -> memref<1x1x80xi32, #tpu.memory_space<hbm>>
      %dma_start3A_133 = tpu.memref_squeeze %dma_start3A_132 : memref<1x1x80xi32, #tpu.memory_space<hbm>> -> memref<80xi32, #tpu.memory_space<hbm>>
      %dma_start3A_134 = arith.constant 0 : i32
      %dma_start3A_135 = tpu.memref_slice %arg4[%add3A, %add3A_130, %dma_start3A_134] : memref<32x127x80xi32, #tpu.memory_space<hbm>> -> memref<1x1x80xi32, #tpu.memory_space<hbm>>
      %dma_start3A_136 = tpu.memref_squeeze %dma_start3A_135 : memref<1x1x80xi32, #tpu.memory_space<hbm>> -> memref<80xi32, #tpu.memory_space<hbm>>
      tpu.enqueue_dma source(%dma_start3A_136 : memref<80xi32, #tpu.memory_space<hbm>>) target(%arg12 : memref<80xi32, #tpu.memory_space<vmem>>) target_semaphore(%arg8 : memref<!tpu.dma_semaphore, #tpu.memory_space<semaphore_mem>>)
    }
    %scan3A_28 = arith.constant 62 : i32
    %dma_wait3A = arith.constant 0 : i32
    %dma_wait3A_29 = arith.constant 0 : i32
    %dma_wait3A_30 = tpu.memref_slice %arg2[%dma_wait3A, %dma_wait3A_29] : memref<10000x64xf32, #tpu.memory_space<hbm>> -> memref<10000x64xf32, #tpu.memory_space<hbm>>
    tpu.wait_indirect_dma semaphore(%arg7 : memref<!tpu.dma_semaphore, #tpu.memory_space<semaphore_mem>>) src(%dma_wait3A_30 : memref<10000x64xf32, #tpu.memory_space<hbm>>) dst(%arg13 : memref<80x64xf32, #tpu.memory_space<vmem>>)
    "tpu.region"() ({
      %run_scoped3A_56 = tpu.sem_alloc : memref<!tpu.dma_semaphore, #tpu.memory_space<semaphore_mem>>
      %dma_start3A_57 = arith.constant 0 : i32
      %dma_start3A_58 = arith.constant 0 : i32
      %dma_start3A_59 = tpu.memref_slice %arg15[%dma_start3A_57, %dma_start3A_58] : memref<10000x64xf32, #tpu.memory_space<vmem_shared>> -> memref<10000x64xf32, #tpu.memory_space<vmem_shared>>
      tpu.enqueue_indirect_dma source(%arg13 : memref<80x64xf32, #tpu.memory_space<vmem>>) target(%dma_start3A_59 : memref<10000x64xf32, #tpu.memory_space<vmem_shared>>) offsets(%arg11 : memref<80xi32, #tpu.memory_space<vmem>>) semaphore(%run_scoped3A_56 : memref<!tpu.dma_semaphore, #tpu.memory_space<semaphore_mem>>) {add = true}
      %dma_wait3A_60 = arith.constant 0 : i32
      %dma_wait3A_61 = arith.constant 0 : i32
      %dma_wait3A_62 = tpu.memref_slice %arg15[%dma_wait3A_60, %dma_wait3A_61] : memref<10000x64xf32, #tpu.memory_space<vmem_shared>> -> memref<10000x64xf32, #tpu.memory_space<vmem_shared>>
      tpu.wait_indirect_dma semaphore(%run_scoped3A_56 : memref<!tpu.dma_semaphore, #tpu.memory_space<semaphore_mem>>) src(%arg13 : memref<80x64xf32, #tpu.memory_space<vmem>>) dst(%dma_wait3A_62 : memref<10000x64xf32, #tpu.memory_space<vmem_shared>>)
      tpu.yield
    }) : () -> ()
    %dma_wait3A_31 = arith.constant 125 : i32
    %dma_wait3A_32 = arith.constant 0 : i32
    %dma_wait3A_33 = tpu.memref_slice %arg3[%add3A, %dma_wait3A_31, %dma_wait3A_32] : memref<32x127x80xi32, #tpu.memory_space<hbm>> -> memref<1x1x80xi32, #tpu.memory_space<hbm>>
    %dma_wait3A_34 = tpu.memref_squeeze %dma_wait3A_33 : memref<1x1x80xi32, #tpu.memory_space<hbm>> -> memref<80xi32, #tpu.memory_space<hbm>>
    %dma_wait3A_35 = arith.constant 0 : i32
    %dma_wait3A_36 = tpu.memref_slice %arg3[%add3A, %dma_wait3A_31, %dma_wait3A_35] : memref<32x127x80xi32, #tpu.memory_space<hbm>> -> memref<1x1x80xi32, #tpu.memory_space<hbm>>
    %dma_wait3A_37 = tpu.memref_squeeze %dma_wait3A_36 : memref<1x1x80xi32, #tpu.memory_space<hbm>> -> memref<80xi32, #tpu.memory_space<hbm>>
    tpu.wait_dma2 semaphore(%arg8 : memref<!tpu.dma_semaphore, #tpu.memory_space<semaphore_mem>>) src(%dma_wait3A_37 : memref<80xi32, #tpu.memory_space<hbm>>) dst(%arg10 : memref<80xi32, #tpu.memory_space<vmem>>)
    %dma_wait3A_38 = arith.constant 125 : i32
    %dma_wait3A_39 = arith.constant 0 : i32
    %dma_wait3A_40 = tpu.memref_slice %arg4[%add3A, %dma_wait3A_38, %dma_wait3A_39] : memref<32x127x80xi32, #tpu.memory_space<hbm>> -> memref<1x1x80xi32, #tpu.memory_space<hbm>>
    %dma_wait3A_41 = tpu.memref_squeeze %dma_wait3A_40 : memref<1x1x80xi32, #tpu.memory_space<hbm>> -> memref<80xi32, #tpu.memory_space<hbm>>
    %dma_wait3A_42 = arith.constant 0 : i32
    %dma_wait3A_43 = tpu.memref_slice %arg4[%add3A, %dma_wait3A_38, %dma_wait3A_42] : memref<32x127x80xi32, #tpu.memory_space<hbm>> -> memref<1x1x80xi32, #tpu.memory_space<hbm>>
    %dma_wait3A_44 = tpu.memref_squeeze %dma_wait3A_43 : memref<1x1x80xi32, #tpu.memory_space<hbm>> -> memref<80xi32, #tpu.memory_space<hbm>>
    tpu.wait_dma2 semaphore(%arg8 : memref<!tpu.dma_semaphore, #tpu.memory_space<semaphore_mem>>) src(%dma_wait3A_44 : memref<80xi32, #tpu.memory_space<hbm>>) dst(%arg12 : memref<80xi32, #tpu.memory_space<vmem>>)
    %barrier3A_45 = arith.constant 0 : index
    tpu.barrier barrier_id(%barrier3A_45)
    %lt3A_46 = arith.constant 15 : i32
    %lt3A_47 = arith.cmpi slt, %arg1, %lt3A_46 : i32
    %convert_element_type3A_48 = arith.extui %lt3A_47 : i1 to i32
    %cond3A_49 = arith.constant 0 : i32
    %cond3A_50 = arith.cmpi ne, %convert_element_type3A_48, %cond3A_49 : i32
    scf.if %cond3A_50 {
      %mul3A_56 = arith.constant 624 : i32
      %mul3A_57 = arith.muli %arg1, %mul3A_56 : i32
      %multiple_of3A = tpu.assume_multiple %mul3A_57, 8 : i32
      "tpu.region"() ({
        %run_scoped3A_58 = tpu.sem_alloc : memref<!tpu.dma_semaphore, #tpu.memory_space<semaphore_mem>>
        %dma_start3A_59 = arith.constant 0 : i32
        %dma_start3A_60 = tpu.memref_slice %arg6[%arg0, %multiple_of3A, %dma_start3A_59] : memref<2x10000x64xf32, #tpu.memory_space<hbm>> -> memref<1x624x64xf32, #tpu.memory_space<hbm>>
        %dma_start3A_61 = tpu.memref_squeeze %dma_start3A_60 : memref<1x624x64xf32, #tpu.memory_space<hbm>> -> memref<624x64xf32, #tpu.memory_space<hbm>>
        %dma_start3A_62 = arith.constant 0 : i32
        %dma_start3A_63 = tpu.memref_slice %arg15[%multiple_of3A, %dma_start3A_62] : memref<10000x64xf32, #tpu.memory_space<vmem_shared>> -> memref<624x64xf32, #tpu.memory_space<vmem_shared>>
        tpu.enqueue_dma source(%dma_start3A_63 : memref<624x64xf32, #tpu.memory_space<vmem_shared>>) target(%dma_start3A_61 : memref<624x64xf32, #tpu.memory_space<hbm>>) target_semaphore(%run_scoped3A_58 : memref<!tpu.dma_semaphore, #tpu.memory_space<semaphore_mem>>)
        %dma_wait3A_64 = arith.constant 0 : i32
        %dma_wait3A_65 = tpu.memref_slice %arg6[%arg0, %multiple_of3A, %dma_wait3A_64] : memref<2x10000x64xf32, #tpu.memory_space<hbm>> -> memref<1x624x64xf32, #tpu.memory_space<hbm>>
        %dma_wait3A_66 = tpu.memref_squeeze %dma_wait3A_65 : memref<1x624x64xf32, #tpu.memory_space<hbm>> -> memref<624x64xf32, #tpu.memory_space<hbm>>
        %dma_wait3A_67 = arith.constant 0 : i32
        %dma_wait3A_68 = tpu.memref_slice %arg15[%multiple_of3A, %dma_wait3A_67] : memref<10000x64xf32, #tpu.memory_space<vmem_shared>> -> memref<624x64xf32, #tpu.memory_space<vmem_shared>>
        tpu.wait_dma2 semaphore(%run_scoped3A_58 : memref<!tpu.dma_semaphore, #tpu.memory_space<semaphore_mem>>) src(%dma_wait3A_68 : memref<624x64xf32, #tpu.memory_space<vmem_shared>>) dst(%dma_wait3A_66 : memref<624x64xf32, #tpu.memory_space<hbm>>)
        tpu.yield
      }) : () -> ()
    } else {
    }
    %eq3A_51 = arith.constant 15 : i32
    %eq3A_52 = arith.cmpi eq, %arg1, %eq3A_51 : i32
    %convert_element_type3A_53 = arith.extui %eq3A_52 : i1 to i32
    %cond3A_54 = arith.constant 0 : i32
    %cond3A_55 = arith.cmpi ne, %convert_element_type3A_53, %cond3A_54 : i32
    scf.if %cond3A_55 {
      "tpu.region"() ({
        %run_scoped3A_56 = tpu.sem_alloc : memref<!tpu.dma_semaphore, #tpu.memory_space<semaphore_mem>>
        %dma_start3A_57 = arith.constant 9360 : i32
        %dma_start3A_58 = arith.constant 0 : i32
        %dma_start3A_59 = tpu.memref_slice %arg6[%arg0, %dma_start3A_57, %dma_start3A_58] : memref<2x10000x64xf32, #tpu.memory_space<hbm>> -> memref<1x640x64xf32, #tpu.memory_space<hbm>>
        %dma_start3A_60 = tpu.memref_squeeze %dma_start3A_59 : memref<1x640x64xf32, #tpu.memory_space<hbm>> -> memref<640x64xf32, #tpu.memory_space<hbm>>
        %dma_start3A_61 = arith.constant 9360 : i32
        %dma_start3A_62 = arith.constant 0 : i32
        %dma_start3A_63 = tpu.memref_slice %arg15[%dma_start3A_61, %dma_start3A_62] : memref<10000x64xf32, #tpu.memory_space<vmem_shared>> -> memref<640x64xf32, #tpu.memory_space<vmem_shared>>
        tpu.enqueue_dma source(%dma_start3A_63 : memref<640x64xf32, #tpu.memory_space<vmem_shared>>) target(%dma_start3A_60 : memref<640x64xf32, #tpu.memory_space<hbm>>) target_semaphore(%run_scoped3A_56 : memref<!tpu.dma_semaphore, #tpu.memory_space<semaphore_mem>>)
        %dma_wait3A_64 = arith.constant 9360 : i32
        %dma_wait3A_65 = arith.constant 0 : i32
        %dma_wait3A_66 = tpu.memref_slice %arg6[%arg0, %dma_wait3A_64, %dma_wait3A_65] : memref<2x10000x64xf32, #tpu.memory_space<hbm>> -> memref<1x640x64xf32, #tpu.memory_space<hbm>>
        %dma_wait3A_67 = tpu.memref_squeeze %dma_wait3A_66 : memref<1x640x64xf32, #tpu.memory_space<hbm>> -> memref<640x64xf32, #tpu.memory_space<hbm>>
        %dma_wait3A_68 = arith.constant 9360 : i32
        %dma_wait3A_69 = arith.constant 0 : i32
        %dma_wait3A_70 = tpu.memref_slice %arg15[%dma_wait3A_68, %dma_wait3A_69] : memref<10000x64xf32, #tpu.memory_space<vmem_shared>> -> memref<640x64xf32, #tpu.memory_space<vmem_shared>>
        tpu.wait_dma2 semaphore(%run_scoped3A_56 : memref<!tpu.dma_semaphore, #tpu.memory_space<semaphore_mem>>) src(%dma_wait3A_70 : memref<640x64xf32, #tpu.memory_space<vmem_shared>>) dst(%dma_wait3A_67 : memref<640x64xf32, #tpu.memory_space<hbm>>)
        tpu.yield
      }) : () -> ()
    } else {
    }
    return
  }
}

module attributes {stable_mosaic.version = 14 : i64} {
  func.func @tc_pre(%arg0: memref<10000x128xf32, #tpu.memory_space<vmem>>, %arg1: memref<128x128xf32, #tpu.memory_space<vmem>>, %arg2: memref<10000x128xf32, #tpu.memory_space<vmem>>) attributes {dimension_semantics = [], scalar_prefetch = 0 : i64, scratch_operands = 0 : i64, tpu.core_type = #tpu.core_type<tc>} {
    %get3A = arith.constant 0 : index
    %get3A_0 = arith.constant 0 : index
    %get3A_1 = vector.load %arg0[%get3A, %get3A_0] : memref<10000x128xf32, #tpu.memory_space<vmem>>, vector<10000x128xf32>
    %get3A_2 = arith.constant 0 : index
    %get3A_3 = arith.constant 0 : index
    %get3A_4 = vector.load %arg1[%get3A_2, %get3A_3] : memref<128x128xf32, #tpu.memory_space<vmem>>, vector<128x128xf32>
    %dot_general3A = arith.constant dense<0.000000e+00> : vector<10000x128xf32>
    %dot_general3A_5 = tpu.matmul %get3A_1, %get3A_4, %dot_general3A {dimension_numbers = #tpu.dot_dimension_numbers<[1], [0], [0], [1], [0, 0, 1, 1], [], []>, transpose_lhs_hint = false} : vector<10000x128xf32>, vector<128x128xf32>, vector<10000x128xf32> -> vector<10000x128xf32>
    %swap3A = arith.constant 0 : index
    %swap3A_6 = arith.constant 0 : index
    %swap3A_7 = vector.load %arg2[%swap3A, %swap3A_6] : memref<10000x128xf32, #tpu.memory_space<vmem>>, vector<10000x128xf32>
    tpu.vector_store %arg2[%swap3A, %swap3A_6], %dot_general3A_5 {strides = array<i32>} : memref<10000x128xf32, #tpu.memory_space<vmem>>, vector<10000x128xf32>,
    return
  }
}

module attributes {stable_mosaic.version = 14 : i64} {
  func.func @tc_l1(%arg0: memref<2x10000x64xf32, #tpu.memory_space<vmem>>, %arg1: memref<2x10000x16xf32, #tpu.memory_space<vmem>>, %arg2: memref<10000x64xf32, #tpu.memory_space<vmem>>, %arg3: memref<1x64xf32, #tpu.memory_space<vmem>>, %arg4: memref<1x64xf32, #tpu.memory_space<vmem>>, %arg5: memref<1x64xf32, #tpu.memory_space<vmem>>, %arg6: memref<10000x64xf32, #tpu.memory_space<vmem>>) attributes {dimension_semantics = [], scalar_prefetch = 0 : i64, scratch_operands = 0 : i64, tpu.core_type = #tpu.core_type<tc>} {
    %get3A = arith.constant 0 : index
    %get3A_0 = arith.constant 0 : index
    %get3A_1 = arith.constant 0 : index
    %get3A_2 = vector.load %arg1[%get3A, %get3A_0, %get3A_1] : memref<2x10000x16xf32, #tpu.memory_space<vmem>>, vector<1x10000x1xf32>
    %get3A_3 = vector.shape_cast %get3A_2 : vector<1x10000x1xf32> to vector<10000x1xf32>
    %get3A_4 = arith.constant 1 : index
    %get3A_5 = arith.constant 0 : index
    %get3A_6 = arith.constant 0 : index
    %get3A_7 = vector.load %arg1[%get3A_4, %get3A_5, %get3A_6] : memref<2x10000x16xf32, #tpu.memory_space<vmem>>, vector<1x10000x1xf32>
    %get3A_8 = vector.shape_cast %get3A_7 : vector<1x10000x1xf32> to vector<10000x1xf32>
    %add3A = arith.addf %get3A_3, %get3A_8 : vector<10000x1xf32>
    %get3A_9 = arith.constant 0 : index
    %get3A_10 = arith.constant 0 : index
    %get3A_11 = arith.constant 0 : index
    %get3A_12 = vector.load %arg0[%get3A_9, %get3A_10, %get3A_11] : memref<2x10000x64xf32, #tpu.memory_space<vmem>>, vector<1x10000x64xf32>
    %get3A_13 = vector.shape_cast %get3A_12 : vector<1x10000x64xf32> to vector<10000x64xf32>
    %get3A_14 = arith.constant 1 : index
    %get3A_15 = arith.constant 0 : index
    %get3A_16 = arith.constant 0 : index
    %get3A_17 = vector.load %arg0[%get3A_14, %get3A_15, %get3A_16] : memref<2x10000x64xf32, #tpu.memory_space<vmem>>, vector<1x10000x64xf32>
    %get3A_18 = vector.shape_cast %get3A_17 : vector<1x10000x64xf32> to vector<10000x64xf32>
    %add3A_19 = arith.addf %get3A_13, %get3A_18 : vector<10000x64xf32>
    %max3A = arith.constant 1.000000e+00 : f32
    %max3A_20 = vector.broadcast %max3A : f32 to vector<10000x1xf32>
    %max3A_21 = arith.maximumf %add3A, %max3A_20 : vector<10000x1xf32>
    %div3A = vector.broadcast %max3A_21 : vector<10000x1xf32> to vector<10000x64xf32>
    %div3A_22 = arith.divf %add3A_19, %div3A : vector<10000x64xf32>
    %get3A_23 = arith.constant 0 : index
    %get3A_24 = arith.constant 0 : index
    %get3A_25 = vector.load %arg3[%get3A_23, %get3A_24] : memref<1x64xf32, #tpu.memory_space<vmem>>, vector<1x64xf32>
    %add3A_26 = vector.broadcast %get3A_25 : vector<1x64xf32> to vector<10000x64xf32>
    %add3A_27 = arith.addf %div3A_22, %add3A_26 : vector<10000x64xf32>
    %get3A_28 = arith.constant 0 : index
    %get3A_29 = arith.constant 0 : index
    %get3A_30 = vector.load %arg2[%get3A_28, %get3A_29] : memref<10000x64xf32, #tpu.memory_space<vmem>>, vector<10000x64xf32>
    %add3A_31 = arith.addf %add3A_27, %get3A_30 : vector<10000x64xf32>
    %get3A_32 = arith.constant 0 : index
    %get3A_33 = arith.constant 0 : index
    %get3A_34 = vector.load %arg4[%get3A_32, %get3A_33] : memref<1x64xf32, #tpu.memory_space<vmem>>, vector<1x64xf32>
    %get3A_35 = arith.constant 0 : index
    %get3A_36 = arith.constant 0 : index
    %get3A_37 = vector.load %arg5[%get3A_35, %get3A_36] : memref<1x64xf32, #tpu.memory_space<vmem>>, vector<1x64xf32>
    %reduce_sum3A = arith.constant dense<0.000000e+00> : vector<64xf32>
    %reduce_sum3A_38 = vector.multi_reduction <add>, %add3A_31, %reduce_sum3A [0] : vector<10000x64xf32> to vector<64xf32>
    %broadcast_in_dim3A = vector.shape_cast %reduce_sum3A_38 : vector<64xf32> to vector<1x64xf32>
    %div3A_39 = arith.constant 1.000000e+04 : f32
    %div3A_40 = vector.broadcast %div3A_39 : f32 to vector<1x64xf32>
    %div3A_41 = arith.divf %broadcast_in_dim3A, %div3A_40 : vector<1x64xf32>
    %sub3A = vector.broadcast %div3A_41 : vector<1x64xf32> to vector<10000x64xf32>
    %sub3A_42 = arith.subf %add3A_31, %sub3A : vector<10000x64xf32>
    %sub3A_43 = vector.broadcast %div3A_41 : vector<1x64xf32> to vector<10000x64xf32>
    %sub3A_44 = arith.subf %add3A_31, %sub3A_43 : vector<10000x64xf32>
    %mul3A = arith.mulf %sub3A_42, %sub3A_44 : vector<10000x64xf32>
    %reduce_sum3A_45 = arith.constant dense<0.000000e+00> : vector<64xf32>
    %reduce_sum3A_46 = vector.multi_reduction <add>, %mul3A, %reduce_sum3A_45 [0] : vector<10000x64xf32> to vector<64xf32>
    %broadcast_in_dim3A_47 = vector.shape_cast %reduce_sum3A_46 : vector<64xf32> to vector<1x64xf32>
    %div3A_48 = arith.constant 1.000000e+04 : f32
    %div3A_49 = vector.broadcast %div3A_48 : f32 to vector<1x64xf32>
    %div3A_50 = arith.divf %broadcast_in_dim3A_47, %div3A_49 : vector<1x64xf32>
    %sub3A_51 = vector.broadcast %div3A_41 : vector<1x64xf32> to vector<10000x64xf32>
    %sub3A_52 = arith.subf %add3A_31, %sub3A_51 : vector<10000x64xf32>
    %mul3A_53 = vector.broadcast %get3A_34 : vector<1x64xf32> to vector<10000x64xf32>
    %mul3A_54 = arith.mulf %mul3A_53, %sub3A_52 : vector<10000x64xf32>
    %add3A_55 = arith.constant 9.99999974E-6 : f32
    %add3A_56 = vector.broadcast %add3A_55 : f32 to vector<1x64xf32>
    %add3A_57 = arith.addf %div3A_50, %add3A_56 : vector<1x64xf32>
    %rsqrt3A = math.rsqrt %add3A_57 : vector<1x64xf32>
    %mul3A_58 = vector.broadcast %rsqrt3A : vector<1x64xf32> to vector<10000x64xf32>
    %mul3A_59 = arith.mulf %mul3A_54, %mul3A_58 : vector<10000x64xf32>
    %add3A_60 = vector.broadcast %get3A_37 : vector<1x64xf32> to vector<10000x64xf32>
    %add3A_61 = arith.addf %mul3A_59, %add3A_60 : vector<10000x64xf32>
    %max3A_62 = arith.constant 0.000000e+00 : f32
    %max3A_63 = vector.broadcast %max3A_62 : f32 to vector<10000x64xf32>
    %max3A_64 = arith.maximumf %add3A_61, %max3A_63 : vector<10000x64xf32>
    %swap3A = arith.constant 0 : index
    %swap3A_65 = arith.constant 0 : index
    %swap3A_66 = vector.load %arg6[%swap3A, %swap3A_65] : memref<10000x64xf32, #tpu.memory_space<vmem>>, vector<10000x64xf32>
    tpu.vector_store %arg6[%swap3A, %swap3A_65], %max3A_64 {strides = array<i32>} : memref<10000x64xf32, #tpu.memory_space<vmem>>, vector<10000x64xf32>,
    return
  }
}

module attributes {stable_mosaic.version = 14 : i64} {
  func.func @tc_l2(%arg0: memref<2x10000x64xf32, #tpu.memory_space<vmem>>, %arg1: memref<2x10000x16xf32, #tpu.memory_space<vmem>>, %arg2: memref<10000x64xf32, #tpu.memory_space<vmem>>, %arg3: memref<64x128xf32, #tpu.memory_space<vmem>>, %arg4: memref<1x128xf32, #tpu.memory_space<vmem>>, %arg5: memref<64x128xf32, #tpu.memory_space<vmem>>, %arg6: memref<1x128xf32, #tpu.memory_space<vmem>>, %arg7: memref<1x128xf32, #tpu.memory_space<vmem>>, %arg8: memref<10000x128xf32, #tpu.memory_space<vmem>>) attributes {dimension_semantics = [], scalar_prefetch = 0 : i64, scratch_operands = 0 : i64, tpu.core_type = #tpu.core_type<tc>} {
    %get3A = arith.constant 0 : index
    %get3A_0 = arith.constant 0 : index
    %get3A_1 = arith.constant 0 : index
    %get3A_2 = vector.load %arg1[%get3A, %get3A_0, %get3A_1] : memref<2x10000x16xf32, #tpu.memory_space<vmem>>, vector<1x10000x1xf32>
    %get3A_3 = vector.shape_cast %get3A_2 : vector<1x10000x1xf32> to vector<10000x1xf32>
    %get3A_4 = arith.constant 1 : index
    %get3A_5 = arith.constant 0 : index
    %get3A_6 = arith.constant 0 : index
    %get3A_7 = vector.load %arg1[%get3A_4, %get3A_5, %get3A_6] : memref<2x10000x16xf32, #tpu.memory_space<vmem>>, vector<1x10000x1xf32>
    %get3A_8 = vector.shape_cast %get3A_7 : vector<1x10000x1xf32> to vector<10000x1xf32>
    %add3A = arith.addf %get3A_3, %get3A_8 : vector<10000x1xf32>
    %get3A_9 = arith.constant 0 : index
    %get3A_10 = arith.constant 0 : index
    %get3A_11 = arith.constant 0 : index
    %get3A_12 = vector.load %arg0[%get3A_9, %get3A_10, %get3A_11] : memref<2x10000x64xf32, #tpu.memory_space<vmem>>, vector<1x10000x64xf32>
    %get3A_13 = vector.shape_cast %get3A_12 : vector<1x10000x64xf32> to vector<10000x64xf32>
    %get3A_14 = arith.constant 1 : index
    %get3A_15 = arith.constant 0 : index
    %get3A_16 = arith.constant 0 : index
    %get3A_17 = vector.load %arg0[%get3A_14, %get3A_15, %get3A_16] : memref<2x10000x64xf32, #tpu.memory_space<vmem>>, vector<1x10000x64xf32>
    %get3A_18 = vector.shape_cast %get3A_17 : vector<1x10000x64xf32> to vector<10000x64xf32>
    %add3A_19 = arith.addf %get3A_13, %get3A_18 : vector<10000x64xf32>
    %max3A = arith.constant 1.000000e+00 : f32
    %max3A_20 = vector.broadcast %max3A : f32 to vector<10000x1xf32>
    %max3A_21 = arith.maximumf %add3A, %max3A_20 : vector<10000x1xf32>
    %div3A = vector.broadcast %max3A_21 : vector<10000x1xf32> to vector<10000x64xf32>
    %div3A_22 = arith.divf %add3A_19, %div3A : vector<10000x64xf32>
    %get3A_23 = arith.constant 0 : index
    %get3A_24 = arith.constant 0 : index
    %get3A_25 = vector.load %arg3[%get3A_23, %get3A_24] : memref<64x128xf32, #tpu.memory_space<vmem>>, vector<64x128xf32>
    %dot_general3A = arith.constant dense<0.000000e+00> : vector<10000x128xf32>
    %dot_general3A_26 = tpu.matmul %div3A_22, %get3A_25, %dot_general3A {dimension_numbers = #tpu.dot_dimension_numbers<[1], [0], [0], [1], [0, 0, 1, 1], [], []>, transpose_lhs_hint = false} : vector<10000x64xf32>, vector<64x128xf32>, vector<10000x128xf32> -> vector<10000x128xf32>
    %get3A_27 = arith.constant 0 : index
    %get3A_28 = arith.constant 0 : index
    %get3A_29 = vector.load %arg4[%get3A_27, %get3A_28] : memref<1x128xf32, #tpu.memory_space<vmem>>, vector<1x128xf32>
    %add3A_30 = vector.broadcast %get3A_29 : vector<1x128xf32> to vector<10000x128xf32>
    %add3A_31 = arith.addf %dot_general3A_26, %add3A_30 : vector<10000x128xf32>
    %get3A_32 = arith.constant 0 : index
    %get3A_33 = arith.constant 0 : index
    %get3A_34 = vector.load %arg2[%get3A_32, %get3A_33] : memref<10000x64xf32, #tpu.memory_space<vmem>>, vector<10000x64xf32>
    %get3A_35 = arith.constant 0 : index
    %get3A_36 = arith.constant 0 : index
    %get3A_37 = vector.load %arg5[%get3A_35, %get3A_36] : memref<64x128xf32, #tpu.memory_space<vmem>>, vector<64x128xf32>
    %dot_general3A_38 = arith.constant dense<0.000000e+00> : vector<10000x128xf32>
    %dot_general3A_39 = tpu.matmul %get3A_34, %get3A_37, %dot_general3A_38 {dimension_numbers = #tpu.dot_dimension_numbers<[1], [0], [0], [1], [0, 0, 1, 1], [], []>, transpose_lhs_hint = false} : vector<10000x64xf32>, vector<64x128xf32>, vector<10000x128xf32> -> vector<10000x128xf32>
    %add3A_40 = arith.addf %add3A_31, %dot_general3A_39 : vector<10000x128xf32>
    %get3A_41 = arith.constant 0 : index
    %get3A_42 = arith.constant 0 : index
    %get3A_43 = vector.load %arg6[%get3A_41, %get3A_42] : memref<1x128xf32, #tpu.memory_space<vmem>>, vector<1x128xf32>
    %get3A_44 = arith.constant 0 : index
    %get3A_45 = arith.constant 0 : index
    %get3A_46 = vector.load %arg7[%get3A_44, %get3A_45] : memref<1x128xf32, #tpu.memory_space<vmem>>, vector<1x128xf32>
    %reduce_sum3A = arith.constant dense<0.000000e+00> : vector<128xf32>
    %reduce_sum3A_47 = vector.multi_reduction <add>, %add3A_40, %reduce_sum3A [0] : vector<10000x128xf32> to vector<128xf32>
    %broadcast_in_dim3A = vector.shape_cast %reduce_sum3A_47 : vector<128xf32> to vector<1x128xf32>
    %div3A_48 = arith.constant 1.000000e+04 : f32
    %div3A_49 = vector.broadcast %div3A_48 : f32 to vector<1x128xf32>
    %div3A_50 = arith.divf %broadcast_in_dim3A, %div3A_49 : vector<1x128xf32>
    %sub3A = vector.broadcast %div3A_50 : vector<1x128xf32> to vector<10000x128xf32>
    %sub3A_51 = arith.subf %add3A_40, %sub3A : vector<10000x128xf32>
    %sub3A_52 = vector.broadcast %div3A_50 : vector<1x128xf32> to vector<10000x128xf32>
    %sub3A_53 = arith.subf %add3A_40, %sub3A_52 : vector<10000x128xf32>
    %mul3A = arith.mulf %sub3A_51, %sub3A_53 : vector<10000x128xf32>
    %reduce_sum3A_54 = arith.constant dense<0.000000e+00> : vector<128xf32>
    %reduce_sum3A_55 = vector.multi_reduction <add>, %mul3A, %reduce_sum3A_54 [0] : vector<10000x128xf32> to vector<128xf32>
    %broadcast_in_dim3A_56 = vector.shape_cast %reduce_sum3A_55 : vector<128xf32> to vector<1x128xf32>
    %div3A_57 = arith.constant 1.000000e+04 : f32
    %div3A_58 = vector.broadcast %div3A_57 : f32 to vector<1x128xf32>
    %div3A_59 = arith.divf %broadcast_in_dim3A_56, %div3A_58 : vector<1x128xf32>
    %sub3A_60 = vector.broadcast %div3A_50 : vector<1x128xf32> to vector<10000x128xf32>
    %sub3A_61 = arith.subf %add3A_40, %sub3A_60 : vector<10000x128xf32>
    %mul3A_62 = vector.broadcast %get3A_43 : vector<1x128xf32> to vector<10000x128xf32>
    %mul3A_63 = arith.mulf %mul3A_62, %sub3A_61 : vector<10000x128xf32>
    %add3A_64 = arith.constant 9.99999974E-6 : f32
    %add3A_65 = vector.broadcast %add3A_64 : f32 to vector<1x128xf32>
    %add3A_66 = arith.addf %div3A_59, %add3A_65 : vector<1x128xf32>
    %rsqrt3A = math.rsqrt %add3A_66 : vector<1x128xf32>
    %mul3A_67 = vector.broadcast %rsqrt3A : vector<1x128xf32> to vector<10000x128xf32>
    %mul3A_68 = arith.mulf %mul3A_63, %mul3A_67 : vector<10000x128xf32>
    %add3A_69 = vector.broadcast %get3A_46 : vector<1x128xf32> to vector<10000x128xf32>
    %add3A_70 = arith.addf %mul3A_68, %add3A_69 : vector<10000x128xf32>
    %max3A_71 = arith.constant 0.000000e+00 : f32
    %max3A_72 = vector.broadcast %max3A_71 : f32 to vector<10000x128xf32>
    %max3A_73 = arith.maximumf %add3A_70, %max3A_72 : vector<10000x128xf32>
    %swap3A = arith.constant 0 : index
    %swap3A_74 = arith.constant 0 : index
    %swap3A_75 = vector.load %arg8[%swap3A, %swap3A_74] : memref<10000x128xf32, #tpu.memory_space<vmem>>, vector<10000x128xf32>
    tpu.vector_store %arg8[%swap3A, %swap3A_74], %max3A_73 {strides = array<i32>} : memref<10000x128xf32, #tpu.memory_space<vmem>>, vector<10000x128xf32>,
    return
  }
}

module attributes {stable_mosaic.version = 14 : i64} {
  func.func @tc_l3(%arg0: memref<2x10000x128xf32, #tpu.memory_space<vmem>>, %arg1: memref<2x10000x16xf32, #tpu.memory_space<vmem>>, %arg2: memref<10000x128xf32, #tpu.memory_space<vmem>>, %arg3: memref<128x256xf32, #tpu.memory_space<vmem>>, %arg4: memref<1x256xf32, #tpu.memory_space<vmem>>, %arg5: memref<128x256xf32, #tpu.memory_space<vmem>>, %arg6: memref<1x256xf32, #tpu.memory_space<vmem>>, %arg7: memref<1x256xf32, #tpu.memory_space<vmem>>, %arg8: memref<256x2xf32, #tpu.memory_space<vmem>>, %arg9: memref<1x2xf32, #tpu.memory_space<vmem>>, %arg10: memref<10000x2xf32, #tpu.memory_space<vmem>>) attributes {dimension_semantics = [], scalar_prefetch = 0 : i64, scratch_operands = 0 : i64, tpu.core_type = #tpu.core_type<tc>} {
    %get3A = arith.constant 0 : index
    %get3A_0 = arith.constant 0 : index
    %get3A_1 = arith.constant 0 : index
    %get3A_2 = vector.load %arg1[%get3A, %get3A_0, %get3A_1] : memref<2x10000x16xf32, #tpu.memory_space<vmem>>, vector<1x10000x1xf32>
    %get3A_3 = vector.shape_cast %get3A_2 : vector<1x10000x1xf32> to vector<10000x1xf32>
    %get3A_4 = arith.constant 1 : index
    %get3A_5 = arith.constant 0 : index
    %get3A_6 = arith.constant 0 : index
    %get3A_7 = vector.load %arg1[%get3A_4, %get3A_5, %get3A_6] : memref<2x10000x16xf32, #tpu.memory_space<vmem>>, vector<1x10000x1xf32>
    %get3A_8 = vector.shape_cast %get3A_7 : vector<1x10000x1xf32> to vector<10000x1xf32>
    %add3A = arith.addf %get3A_3, %get3A_8 : vector<10000x1xf32>
    %get3A_9 = arith.constant 0 : index
    %get3A_10 = arith.constant 0 : index
    %get3A_11 = arith.constant 0 : index
    %get3A_12 = vector.load %arg0[%get3A_9, %get3A_10, %get3A_11] : memref<2x10000x128xf32, #tpu.memory_space<vmem>>, vector<1x10000x128xf32>
    %get3A_13 = vector.shape_cast %get3A_12 : vector<1x10000x128xf32> to vector<10000x128xf32>
    %get3A_14 = arith.constant 1 : index
    %get3A_15 = arith.constant 0 : index
    %get3A_16 = arith.constant 0 : index
    %get3A_17 = vector.load %arg0[%get3A_14, %get3A_15, %get3A_16] : memref<2x10000x128xf32, #tpu.memory_space<vmem>>, vector<1x10000x128xf32>
    %get3A_18 = vector.shape_cast %get3A_17 : vector<1x10000x128xf32> to vector<10000x128xf32>
    %add3A_19 = arith.addf %get3A_13, %get3A_18 : vector<10000x128xf32>
    %max3A = arith.constant 1.000000e+00 : f32
    %max3A_20 = vector.broadcast %max3A : f32 to vector<10000x1xf32>
    %max3A_21 = arith.maximumf %add3A, %max3A_20 : vector<10000x1xf32>
    %div3A = vector.broadcast %max3A_21 : vector<10000x1xf32> to vector<10000x128xf32>
    %div3A_22 = arith.divf %add3A_19, %div3A : vector<10000x128xf32>
    %get3A_23 = arith.constant 0 : index
    %get3A_24 = arith.constant 0 : index
    %get3A_25 = vector.load %arg3[%get3A_23, %get3A_24] : memref<128x256xf32, #tpu.memory_space<vmem>>, vector<128x256xf32>
    %dot_general3A = arith.constant dense<0.000000e+00> : vector<10000x256xf32>
    %dot_general3A_26 = tpu.matmul %div3A_22, %get3A_25, %dot_general3A {dimension_numbers = #tpu.dot_dimension_numbers<[1], [0], [0], [1], [0, 0, 1, 1], [], []>, transpose_lhs_hint = false} : vector<10000x128xf32>, vector<128x256xf32>, vector<10000x256xf32> -> vector<10000x256xf32>
    %get3A_27 = arith.constant 0 : index
    %get3A_28 = arith.constant 0 : index
    %get3A_29 = vector.load %arg4[%get3A_27, %get3A_28] : memref<1x256xf32, #tpu.memory_space<vmem>>, vector<1x256xf32>
    %add3A_30 = vector.broadcast %get3A_29 : vector<1x256xf32> to vector<10000x256xf32>
    %add3A_31 = arith.addf %dot_general3A_26, %add3A_30 : vector<10000x256xf32>
    %get3A_32 = arith.constant 0 : index
    %get3A_33 = arith.constant 0 : index
    %get3A_34 = vector.load %arg2[%get3A_32, %get3A_33] : memref<10000x128xf32, #tpu.memory_space<vmem>>, vector<10000x128xf32>
    %get3A_35 = arith.constant 0 : index
    %get3A_36 = arith.constant 0 : index
    %get3A_37 = vector.load %arg5[%get3A_35, %get3A_36] : memref<128x256xf32, #tpu.memory_space<vmem>>, vector<128x256xf32>
    %dot_general3A_38 = arith.constant dense<0.000000e+00> : vector<10000x256xf32>
    %dot_general3A_39 = tpu.matmul %get3A_34, %get3A_37, %dot_general3A_38 {dimension_numbers = #tpu.dot_dimension_numbers<[1], [0], [0], [1], [0, 0, 1, 1], [], []>, transpose_lhs_hint = false} : vector<10000x128xf32>, vector<128x256xf32>, vector<10000x256xf32> -> vector<10000x256xf32>
    %add3A_40 = arith.addf %add3A_31, %dot_general3A_39 : vector<10000x256xf32>
    %get3A_41 = arith.constant 0 : index
    %get3A_42 = arith.constant 0 : index
    %get3A_43 = vector.load %arg6[%get3A_41, %get3A_42] : memref<1x256xf32, #tpu.memory_space<vmem>>, vector<1x256xf32>
    %get3A_44 = arith.constant 0 : index
    %get3A_45 = arith.constant 0 : index
    %get3A_46 = vector.load %arg7[%get3A_44, %get3A_45] : memref<1x256xf32, #tpu.memory_space<vmem>>, vector<1x256xf32>
    %reduce_sum3A = arith.constant dense<0.000000e+00> : vector<256xf32>
    %reduce_sum3A_47 = vector.multi_reduction <add>, %add3A_40, %reduce_sum3A [0] : vector<10000x256xf32> to vector<256xf32>
    %broadcast_in_dim3A = vector.shape_cast %reduce_sum3A_47 : vector<256xf32> to vector<1x256xf32>
    %div3A_48 = arith.constant 1.000000e+04 : f32
    %div3A_49 = vector.broadcast %div3A_48 : f32 to vector<1x256xf32>
    %div3A_50 = arith.divf %broadcast_in_dim3A, %div3A_49 : vector<1x256xf32>
    %sub3A = vector.broadcast %div3A_50 : vector<1x256xf32> to vector<10000x256xf32>
    %sub3A_51 = arith.subf %add3A_40, %sub3A : vector<10000x256xf32>
    %sub3A_52 = vector.broadcast %div3A_50 : vector<1x256xf32> to vector<10000x256xf32>
    %sub3A_53 = arith.subf %add3A_40, %sub3A_52 : vector<10000x256xf32>
    %mul3A = arith.mulf %sub3A_51, %sub3A_53 : vector<10000x256xf32>
    %reduce_sum3A_54 = arith.constant dense<0.000000e+00> : vector<256xf32>
    %reduce_sum3A_55 = vector.multi_reduction <add>, %mul3A, %reduce_sum3A_54 [0] : vector<10000x256xf32> to vector<256xf32>
    %broadcast_in_dim3A_56 = vector.shape_cast %reduce_sum3A_55 : vector<256xf32> to vector<1x256xf32>
    %div3A_57 = arith.constant 1.000000e+04 : f32
    %div3A_58 = vector.broadcast %div3A_57 : f32 to vector<1x256xf32>
    %div3A_59 = arith.divf %broadcast_in_dim3A_56, %div3A_58 : vector<1x256xf32>
    %sub3A_60 = vector.broadcast %div3A_50 : vector<1x256xf32> to vector<10000x256xf32>
    %sub3A_61 = arith.subf %add3A_40, %sub3A_60 : vector<10000x256xf32>
    %mul3A_62 = vector.broadcast %get3A_43 : vector<1x256xf32> to vector<10000x256xf32>
    %mul3A_63 = arith.mulf %mul3A_62, %sub3A_61 : vector<10000x256xf32>
    %add3A_64 = arith.constant 9.99999974E-6 : f32
    %add3A_65 = vector.broadcast %add3A_64 : f32 to vector<1x256xf32>
    %add3A_66 = arith.addf %div3A_59, %add3A_65 : vector<1x256xf32>
    %rsqrt3A = math.rsqrt %add3A_66 : vector<1x256xf32>
    %mul3A_67 = vector.broadcast %rsqrt3A : vector<1x256xf32> to vector<10000x256xf32>
    %mul3A_68 = arith.mulf %mul3A_63, %mul3A_67 : vector<10000x256xf32>
    %add3A_69 = vector.broadcast %get3A_46 : vector<1x256xf32> to vector<10000x256xf32>
    %add3A_70 = arith.addf %mul3A_68, %add3A_69 : vector<10000x256xf32>
    %max3A_71 = arith.constant 0.000000e+00 : f32
    %max3A_72 = vector.broadcast %max3A_71 : f32 to vector<10000x256xf32>
    %max3A_73 = arith.maximumf %add3A_70, %max3A_72 : vector<10000x256xf32>
    %get3A_74 = arith.constant 0 : index
    %get3A_75 = arith.constant 0 : index
    %get3A_76 = vector.load %arg8[%get3A_74, %get3A_75] : memref<256x2xf32, #tpu.memory_space<vmem>>, vector<256x2xf32>
    %dot_general3A_77 = arith.constant dense<0.000000e+00> : vector<10000x2xf32>
    %dot_general3A_78 = tpu.matmul %max3A_73, %get3A_76, %dot_general3A_77 {dimension_numbers = #tpu.dot_dimension_numbers<[1], [0], [0], [1], [0, 0, 1, 1], [], []>, transpose_lhs_hint = false} : vector<10000x256xf32>, vector<256x2xf32>, vector<10000x2xf32> -> vector<10000x2xf32>
    %get3A_79 = arith.constant 0 : index
    %get3A_80 = arith.constant 0 : index
    %get3A_81 = vector.load %arg9[%get3A_79, %get3A_80] : memref<1x2xf32, #tpu.memory_space<vmem>>, vector<1x2xf32>
    %add3A_82 = vector.broadcast %get3A_81 : vector<1x2xf32> to vector<10000x2xf32>
    %add3A_83 = arith.addf %dot_general3A_78, %add3A_82 : vector<10000x2xf32>
    %swap3A = arith.constant 0 : index
    %swap3A_84 = arith.constant 0 : index
    %swap3A_85 = vector.load %arg10[%swap3A, %swap3A_84] : memref<10000x2xf32, #tpu.memory_space<vmem>>, vector<10000x2xf32>
    tpu.vector_store %arg10[%swap3A, %swap3A_84], %add3A_83 {strides = array<i32>} : memref<10000x2xf32, #tpu.memory_space<vmem>>, vector<10000x2xf32>,
    return
  }
}

</mosaic_0001>

<sc_bundles>
// kernel: sc_agg_d128.3.cloned.1.call-start
scs
__scs_entry_jumppad:
0x0: {  	(pc) =	sbr.rel $0x88, $3  }
0x1: {  	(tag) =	ssettag $0x0;
	lr =	simm.s32 $0x1  }
0x2: {  	[smem:$0x3F8E] =	sst lr;
	_ =	strace $0xD0000000  }
0x3: {  	_ = 	snop  }
0x4: {  	_ = 	snop  }
0x5: {  	_ = 	snop  }
0x6: {  	_ = 	snop  }
0x7: {  	_ = 	snop  }
__scs_overlays_trampoline_lowered:
0x8: {  	[smem:$0x3F9D] =	sst s0  }
0x9: {  	[smem:$0x3F9E] =	sst s1  }
0xa: {  	[smem:$0x3F9F] =	sst s2  }
0xb: {  	[smem:$0x3FA0] =	sst s3  }
0xc: {  	[smem:$0x3FA1] =	sst s4  }
0xd: {  	[smem:$0x3FA2] =	sst s5  }
0xe: {  	[smem:$0x3FA3] =	sst s6  }
0xf: {  	[smem:$0x3FA4] =	sst s7  }
0x10: {  	[smem:$0x3FA5] =	sst s8  }
0x11: {  	[smem:$0x3FA6] =	sst s9;
	s0 =	simm.s32 @!p0 $0x0  }
0x12: {  	s1 =	sld [smem:$0x3F8C];
	s0 =	simm.s32 @p0 $0x1  }
0x13: {  	[smem:$0x3FA7] =	sst s0;
	s0 =	simm.s32 @!p1 $0x0  }
0x14: {  	s2 =	sld [smem:$0x3F8B];
	s0 =	simm.s32 @p1 $0x1  }
0x15: {  	[smem:$0x3FA8] =	sst s0;
	s0 =	simm.s32 @!p2 $0x0  }
0x16: {  	s3 =	sld [smem:$0x3FDB];
	s0 =	simm.s32 @p2 $0x1  }
0x17: {  	s4 =	simm.s32 $0x1BF5;
	[smem:$0x3FAA] =	sst s0  }
0x18: {  	s0 =	sld [smem:$0x3F8D];
	_ =	swait.ge [sflag:s4], $0x0  }
0x19: {  	s7 =	sld [smem:$0x3F8E]  }
0x1a: {  	s8 =	sadd.s32 $0xFFFFE003, lr  }
0x1b: {  	s9 =	sadd.s32 $0xFFFFFEF7, lr;
	s5 =	simm.s32 $0xFFFFFFFF;
	p2 =	slt.u32 s8, $0xFFFFF086  }
0x1c: {  	p1 =	slt.u32 s9, $0xF7A;
	s5 =	simm.s32 @!p2 $0x0  }
0x1d: {  	s5 =	simm.s32 @p1 $0x1;
	p0 =	seq.s32 s7, s2  }
0x1e: {  	s7 =	smul.u32 @!p0 $0xF7A, s2;
	p2 =	seq.s32 @!p0 s5, $0x0  }
0x1f: {  	s9 =	smul.u32 $0xF7A, s1;
	s8 =	simm.s32 @!p0 $0x1BF5;
	p2 =	por !p2, p0  }
0x20: {  	[sflag:s8] =	ssyncset.s32 @!p0 $0xFFFFF086;
	s6 =	sadd.s32 @!p0 s3, s7;
	s7 =	simm.s32 @!p0 $0x108  }
0x21: {  	s3 =	sadd.s32 s3, s9;
	s6 =	sadd.s32 @!p0 $0x88, s6;
	s7 =	simm.s32 @p2 $0x1082  }
0x22: {  	[simem:s7], [sflag:s8] =	dma.local @!p0 [hbm:s6], $0xF7A  }
0x23: {  	s9 =	sor.u32 $0xD0000000, s2;
	s6 =	simm.s32 $0x108;
	_ =	swait.ge @!p0 [sflag:s8], $0x0  }
0x24: {  	s3 =	sadd.s32 $0x88, s3;
	s6 =	simm.s32 @!p1 $0x1082;
	[sflag:s4] =	ssyncset.s32 $0xFFFFF086  }
0x25: {  	[simem:s6], [sflag:s4] =	dma.local [hbm:s3], $0xF7A  }
0x26: {  	[smem:$0x3F8E] =	sst s1;
	(tag) =	ssettag s2;
	_ =	strace s9  }
0x27: {  	s1 =	sld [smem:$0x3F9E]  }
0x28: {  	s2 =	sld [smem:$0x3F9F]  }
0x29: {  	s4 =	sld [smem:$0x3FA1]  }
0x2a: {  	p0 =	seq.s32 s5, $0x0;
	s5 =	sld [smem:$0x3FA2]  }
0x2b: {  	s6 =	sld [smem:$0x3FA3]  }
0x2c: {  	s7 =	sld [smem:$0x3FA4]  }
0x2d: {  	s3 =	simm.s32 $0x108;
	s8 =	sld [smem:$0x3FA5]  }
0x2e: {  	s3 =	simm.s32 @!p0 $0x1082;
	s9 =	sld [smem:$0x3FA6]  }
0x2f: {  	lr =	sadd.s32 s0, s3;
	s0 =	sld [smem:$0x3F9D]  }
0x30: {  	s3 =	sld [smem:$0x3FA0]  }
0x31: {  	[smem:$0x3FA9] =	sst s10  }
0x32: {  	s10 =	sld [smem:$0x3FA7];
	_ =	sdelay $0x3  }
0x33: {  	p0 =	seq.s32 s10, $0x1;
	s10 =	sld [smem:$0x3FA9];
	_ =	sdelay $0x3  }
0x34: {  	[smem:$0x3FA9] =	sst s10  }
0x35: {  	s10 =	sld [smem:$0x3FA8];
	_ =	sdelay $0x3  }
0x36: {  	p1 =	seq.s32 s10, $0x1;
	s10 =	sld [smem:$0x3FA9];
	_ =	sdelay $0x3  }
0x37: {  	[smem:$0x3FA9] =	sst s10  }
0x38: {  	s10 =	sld [smem:$0x3FAA]  }
0x39: {  	_ = 	snop;
	(pc) =	sbr.ind lr, $3  }
0x3a: {  	_ = 	snop  }
0x3b: {  	_ = 	snop  }
0x3c: {  	p2 =	seq.s32 s10, $0x1;
	s10 =	sld [smem:$0x3FA9]  }
0x3d: {  	_ =	shalt  }
0x3e: {  	_ =	shalt  }
0x3f: {  	_ =	shalt  }
0x40: {  	_ =	shalt  }
0x41: {  	_ =	shalt  }
0x42: {  	_ =	shalt  }
0x43: {  	_ =	shalt  }
0x44: {  	_ =	shalt  }
0x45: {  	_ =	shalt  }
0x46: {  	_ =	shalt  }
0x47: {  	_ =	shalt  }
0x48: {  	_ =	shalt  }
0x49: {  	_ =	shalt  }
0x4a: {  	_ =	shalt  }
0x4b: {  	_ =	shalt  }
0x4c: {  	_ =	shalt  }
0x4d: {  	_ =	shalt  }
0x4e: {  	_ =	shalt  }
0x4f: {  	_ =	shalt  }
0x50: {  	_ =	shalt  }
0x51: {  	_ =	shalt  }
0x52: {  	_ =	shalt  }
0x53: {  	_ =	shalt  }
0x54: {  	_ =	shalt  }
0x55: {  	_ =	shalt  }
0x56: {  	_ =	shalt  }
0x57: {  	_ =	shalt  }
0x58: {  	_ =	shalt  }
0x59: {  	_ =	shalt  }
0x5a: {  	_ =	shalt  }
0x5b: {  	_ =	shalt  }
0x5c: {  	_ =	shalt  }
0x5d: {  	_ =	shalt  }
0x5e: {  	_ =	shalt  }
0x5f: {  	_ =	shalt  }
0x60: {  	_ =	shalt  }
0x61: {  	_ =	shalt  }
0x62: {  	_ =	shalt  }
0x63: {  	_ =	shalt  }
0x64: {  	_ =	shalt  }
0x65: {  	_ =	shalt  }
0x66: {  	_ =	shalt  }
0x67: {  	_ =	shalt  }
0x68: {  	_ =	shalt  }
0x69: {  	_ =	shalt  }
0x6a: {  	_ =	shalt  }
0x6b: {  	_ =	shalt  }
0x6c: {  	_ =	shalt  }
0x6d: {  	_ =	shalt  }
0x6e: {  	_ =	shalt  }
0x6f: {  	_ =	shalt  }
0x70: {  	_ =	shalt  }
0x71: {  	_ =	shalt  }
0x72: {  	_ =	shalt  }
0x73: {  	_ =	shalt  }
0x74: {  	_ =	shalt  }
0x75: {  	_ =	shalt  }
0x76: {  	_ =	shalt  }
0x77: {  	_ =	shalt  }
0x78: {  	_ =	shalt  }
0x79: {  	_ =	shalt  }
0x7a: {  	_ =	shalt  }
0x7b: {  	_ =	shalt  }
0x7c: {  	_ =	shalt  }
0x7d: {  	_ =	shalt  }
0x7e: {  	_ =	shalt  }
0x7f: {  	_ =	shalt  }
0x80: {  	_ =	shalt  }
0x81: {  	_ =	shalt  }
0x82: {  	_ =	shalt  }
0x83: {  	_ =	shalt  }
0x84: {  	_ =	shalt  }
0x85: {  	_ =	shalt  }
0x86: {  	_ =	shalt  }
0x87: {  	_ =	shalt  }
.Lfunc_end0:
.L_simem_size_0:
called_computation.2_lowered:
.L_overlay_start_0:
0x88: {  	s2 =	sld [smem:$0x3FD9]  }
0x89: {  	s3 =	sld [smem:$0x3FFE];
	_ =	sdelay $0x1  }
0x8a: {  	s1 =	srdreg.scid  }
0x8b: {  	s0 =	sand.u32 $0x1, s1  }
0x8c: {  	s16 =	sshll.u32 s0, $0xA;
	s2 =	sadd.s32 s3, s2  }
0x8d: {  	s2 =	sadd.s32 s2, s16  }
0x8e: {  	[smem:$0x3FB5] =	sst s2  }
0x8f: {  	_ = 	snop  }
0x90: {  	(tm) =	ssettm $0x1  }
0x91: {  	s17 =	sld [smem:$0x3FFB];
	_ =	sdelay $0x3  }
0x92: {  	_ =	strace s17  }
0x93: {  	s2 =	sld [smem:$0x3FFC];
	_ =	sdelay $0x3  }
0x94: {  	_ =	strace s2  }
0x95: {  	s2 =	sld [smem:$0x3FFD];
	_ =	sdelay $0x3  }
0x96: {  	_ =	strace s2  }
0x97: {  	_ =	strace $0x8FFFFFFF  }
0x98: {  	s18 =	sld [smem:$0x3FDB];
	_ =	sdelay $0x1  }
0x99: {  	s19 =	simm.s32 $_scs_section_size  }
0x9a: {  	s4 =	simm.s32 $_size__tile_overlayer_lowered;
	s5 =	simm.s32 $_tile_overlayer_lowered  }
0x9b: {  	s22 =	simm.s32 $0x1BFF;
	s21 =	sshll.u32 s5, $0x1;
	s2 =	sadd.s32 s19, s18  }
0x9c: {  	s6 =	simm.s32 $0x0;
	s20 =	sshll.u32 s4, $0x1;
	s4 =	sadd.s32 s21, s2  }
0x9d: {  	[timem:s6], [sflag:s22] =	dma.local [hbm:s4], s20  }
0x9e: {  	_ =	swait.ge [sflag:s22], s20  }
0x9f: {  	s3 =	ssub.s32 $0x0, s20;
	[sflag:s22] =	ssyncset.done $0x0  }
0xa0: {  	[sflag:s22] =	ssyncadd.s32 s3;
	_ =	sdelay $0x1  }
0xa1: {  	s23 =	simm.s32 $0x1B8B  }
0xa2: {  	_ =	swait.ge [sflag:s23], $0x1  }
0xa3: {  	[sflag:s23] =	ssyncset.done $0x0  }
0xa4: {  	s25 =	simm.s32 $0x1B8E;
	s24 =	sld [smem:$0x3FFE];
	[sflag:s23] =	ssyncadd.s32 $0xFFFFFFFF  }
0xa5: {  	s26 =	simm.s32 $execute0_lowered;
	[smem:$0x3FD2] =	sst s25  }
0xa6: {  	s4 =	sshll.u32 s26, $0x1;
	_ =	strace $0x8000004C;
	[dreg:$0x1] =	wrdreg $0xFFFFFFFF  }
0xa7: {  	s28 =	simm.s32 $_size_execute0_lowered;
	s2 =	sadd.s32 s2, s4;
	[dreg:$0x0] =	wrdreg $0x0  }
0xa8: {  	s4 =	sshll.u32 s28, $0x1;
	[dreg:$0x2] =	wrdreg s2  }
0xa9: {  	[dreg:$0x3] =	wrdreg s4  }
0xaa: {  	[dreg:$0x4] =	wrdreg $0xC0  }
0xab: {  	_ =	task [dreg:s6], $0x5FFFF  }
0xac: {  	[dreg:$0x1] =	wrdreg $0xFFFFFFFF  }
0xad: {  	[dreg:$0x0] =	wrdreg $0x60  }
0xae: {  	[dreg:$0x2] =	wrdreg s24  }
0xaf: {  	[dreg:$0x3] =	wrdreg $0x51400  }
0xb0: {  	[dreg:$0x4] =	wrdreg $0x9  }
0xb1: {  	_ =	task.clear_ibuf [dreg:s6], $0x5FFFF;
	_ =	strace $0x9000004C  }
0xb2: {  	s29 =	simm.s32 $0x9;
	_ =	strace $0x8000004E  }
0xb3: {  	_ =	swait.ge [sflag:s29], $0x1  }
0xb4: {  	[sflag:s29] =	ssyncadd.s32 $0xFFFFFFFF  }
0xb5: {  	_ =	strace $0x9000004E  }
0xb6: {  	_ =	sfence  }
0xb7: {  	s30 =	sld [smem:$0x0];
	_ =	sdelay $0x2  }
0xb8: {  	s31 =	sshll.u32 s1, $0xD;
	s1 =	sshrl.u32 s1, $0x2  }
0xb9: {  	s3 =	sand.u32 $0x4000, s31;
	s1 =	sadd.s32 s1, s30  }
0xba: {  	s0 =	sor.u32 s3, s0;
	s1 =	sshll.u32 s1, $0x11  }
0xbb: {  	s0 =	sor.u32 s1, s0  }
0xbc: {  	s0 =	sadd.s32 $0x8F2B, s0  }
0xbd: {  	[sflag:s0] =	ssyncadd.remote.s32 $0x1  }
0xbe: {  	_ =	sfence.sel $0xFFFF  }
0xbf: {  	[dreg:$0x0] =	wrdreg $0xFFFFFFFF;
	(pc) =	sbr.abs _section_cstart, $3  }
0xc0: {  	[dreg:$0x1] =	wrdreg $0xFFFFFFFF  }
0xc1: {  	_ =	task.clear_ibuf [dreg:s6], $0x2FFFF;
	_ =	strace $0x9FFFFFFF  }
0xc2: {  	(tm) =	ssettm $0x7FFFFFFF  }
0xc3: {  	_ =	shalt  }
tec
execute0_lowered:
.L_overlay_start_1:
0x0: {  	(tag) =	ssettag $0x1  }
0x1: {  	s0 =	rddreg [dreg:$0x0]  }
0x2: {  	s1 =	rddreg [dreg:$0x1]  }
0x3: {  	s3 =	simm.s32 $0x0;
	s21 =	stileid.u32;
	s7 =	srdreg.scid  }
0x4: {  	s28 =	simm.s32 $0x2;
	s29 =	simm.s32 $0x2940;
	s30 =	simm.s32 $0x0  }
0x5: {  	[smem:$0x7FF] =	sst s3;
	s4 =	sadd.s32 $0x8D000, s0;
	s2 =	smul.u32 $0x13800, s21  }
0x6: {  	s5 =	sadd.s32 $0x17400, s0;
	s6 =	sadd.s32 $0x21400, s0;
	s7 =	sand.u32 $0x1, s7  }
0x7: {  	s10 =	sshll.u32 s21, $0x1;
	s16 =	sadd.s32 $0xDB400, s0;
	s19 =	sadd.s32 $0x124800, s1  }
0x8: {  	s15 =	smul.u32 $0x4F60, s21;
	p0 =	seq.s32 s21, $0xF;
	s21 =	simm.s32 $0x3  }
0x9: {  	_ =	strace $0x8000004D;
	s9 =	ssub.s32 $0x2, s7;
	s18 =	smul.u32 $0x138800, s7  }
0xa: {  	s10 =	sor.u32 s7, s10;
	[dreg:$0x5] =	wrdreg s19;
	s7 =	smul.u32 $0x27B0, s7  }
0xb: {  	s8 =	sshrl.u32 s2, $0x3;
	s11 =	sshrl.u32 s9, $0x1;
	s10 =	smul.u32 $0x27B0, s10  }
0xc: {  	s17 =	sadd.s32 s2, s1;
	s8 =	sadd.s32 s8, s0;
	s9 =	ssub.s32 s9, s11  }
0xd: {  	[dreg:$0x3] =	wrdreg s17;
	s0 =	sadd.s32 $0xD8B00, s0;
	s22 =	sadd.s32 s2, s18  }
0xe: {  	s23 =	sadd.s32 s7, s15;
	s24 =	sshrl.u32 s18, $0x3;
	s8 =	sadd.s32 $0xB4200, s8  }
0xf: {  	s12 =	sshrl.u32 s10, $0x3;
	[dreg:$0x6] =	wrdreg s0;
	s0 =	sshrl.u32 s22, $0x3  }
0x10: {  	s25 =	sadd.s32 $0xF0, s23;
	s26 =	sadd.s32 s16, s24;
	s17 =	smax.u32 s9, $0x1  }
0x11: {  	s22 =	simm.s32 $0xA0;
	s24 =	simm.s32 $0xF0;
	[dreg:$0x4] =	wrdreg s8  }
0x12: {  	s20 =	sadd.s32 $0xA, s12;
	s10 =	sadd.s32 s5, s12;
	s12 =	sadd.s32 s6, s12  }
0x13: {  	s15 =	sadd.s32 s16, s0;
	s31 =	sshrl.u32 s25, $0x3;
	s16 =	sadd.s32 $0x24900, s26  }
0x14: {  	s25 =	simm.s32 $0x140;
	s26 =	simm.s32 $0x1;
	[dreg:$0x7] =	wrdreg s10  }
0x15: {  	s13 =	sadd.s32 s5, s20;
	s14 =	sadd.s32 s6, s20;
	s18 =	sadd.s32 s31, s6  }
0x16: {  	s19 =	sadd.s32 s31, s5;
	s20 =	sadd.s32 $0xA0, s23;
	s23 =	simm.s32 $0x50  }
.LBB2_1:
0x17: {  	s0 =	rddreg [dreg:$0x5]  }
0x18: {  	s2 =	rddreg [dreg:$0x6];
	s31 =	sshrl.u32 @p0 s0, $0x3;
	s0 =	simm.s32 @p0 $0x1FC3  }
0x19: {  	[spmem:s31], [sflag:s0] =	dma.local @p0 [hbm:s2], $0x2800  }
0x1a: {  	s0 =	simm.s32 @p0 $0x3  }
0x1b: {  	s2 =	stileid.u32;
	_ =	swait.ge @p0 [sflag:s0], $0x2800  }
0x1c: {  	s2 =	sshll.u32 @!p0 s2, $0x6;
	[sflag:s0] =	ssyncset.done @p0 $0x0  }
0x1d: {  	[sflag:s0] =	ssyncadd.s32 @p0 $0xFFFFD800;
	s0 =	sor.u32 @!p0 $0x1C03, s2;
	s2 =	rddreg [dreg:$0x3]  }
0x1e: {  	s7 =	rddreg [dreg:$0x4];
	s2 =	sshrl.u32 @!p0 s2, $0x3  }
0x1f: {  	[spmem:s2], [sflag:s0] =	dma.local @!p0 [hbm:s7], $0x2700  }
0x20: {  	s7 =	simm.s32 @!p0 $0x3  }
0x21: {  	_ =	swait.ge @!p0 [sflag:s7], $0x2700  }
0x22: {  	[sflag:s7] =	ssyncset.done @!p0 $0x0  }
0x23: {  	[sflag:s7] =	ssyncadd.s32 @!p0 $0xFFFFD900  }
0x24: {  	[bflag:$0x0] =	sbarrier.arrive $0xFFFF  }
0x25: {  	s9 =	rddreg [dreg:$0x7]  }
0x26: {  	[tilespmem:s3], [sflag:$0x3] =	stream.linear.gather [hbm4b:s9+s3], $0x50, $0x38;
	[tilespmem:$0x189C0] =	vst v63  }
0x27: {  	_ =	swait.ge [sflag:s21], $0x50  }
0x28: {  	[sflag:s21] =	ssyncset.done $0x0  }
0x29: {  	[sflag:s21] =	ssyncadd.s32 $0xFFFFFFB0  }
0x2a: {  	[tilespmem:s22], [sflag:$0x3] =	stream.linear.gather [hbm4b:s12+s3], $0x50, $0x38;
	[tilespmem:$0x189C0] =	vst v63  }
0x2b: {  	_ =	swait.ge [sflag:s21], $0x50  }
0x2c: {  	[sflag:s21] =	ssyncset.done $0x0  }
0x2d: {  	[sflag:s21] =	ssyncadd.s32 $0xFFFFFFB0  }
0x2e: {  	[tilespmem:s23], [sflag:$0x2] =	stream.linear.gather [hbm4b:s13+s3], $0x50, $0x38;
	[tilespmem:$0x189C0] =	vst v63  }
0x2f: {  	_ = 	snop  }
0x30: {  	[tilespmem:s24], [sflag:$0x2] =	stream.linear.gather [hbm4b:s14+s3], $0x50, $0x38;
	[tilespmem:$0x189C0] =	vst v63  }
0x31: {  	_ = 	snop  }
0x32: {  	[tilespmem:s25], [sflag:$0x1] =	stream.indirect.gather [hbm4b:s4+s23], $0x80, s3, s23, $0xb8;
	[tilespmem:$0x189C0] =	vst v63  }
0x33: {  	_ =	swait.ge [sflag:s26], $0x2800  }
0x34: {  	[sflag:s26] =	ssyncset.done $0x0  }
0x35: {  	[sflag:s26] =	ssyncadd.s32 $0xFFFFD800  }
0x36: {  	_ =	swait.ge [sflag:s28], $0x50  }
0x37: {  	[sflag:s28] =	ssyncset.done $0x0  }
0x38: {  	[sflag:s28] =	ssyncadd.s32 $0xFFFFFFB0  }
0x39: {  	_ =	swait.ge [sflag:s28], $0x50  }
0x3a: {  	[sflag:s28] =	ssyncset.done $0x0  }
0x3b: {  	[sflag:s28] =	ssyncadd.s32 $0xFFFFFFB0  }
0x3c: {  	[tilespmem:s29], [sflag:$0x1] =	stream.indirect.gather [hbm4b:s4+s23], $0x80, s23, s23, $0xb8;
	[tilespmem:$0x189C0] =	vst v63  }
0x3d: {  	_ = 	snop  }
0x3e: {  	[spmem:s1] =	stream.indirect.scatter.add.f32 [tilespmem:s25], [sflag:$0x3], $0x80, s22, s23, $0xb8;
	[tilespmem:$0x189C0] =	vst v63  }
0x3f: {  	_ =	swait.ge [sflag:s21], $0x2800  }
0x40: {  	s10 =	sshrl.u32 s20, $0x3;
	[sflag:s21] =	ssyncset.done $0x0  }
0x41: {  	s8 =	sadd.s32 s5, s10;
	[sflag:s21] =	ssyncadd.s32 $0xFFFFD800  }
0x42: {  	[tilespmem:s3], [sflag:$0x2] =	stream.linear.gather [hbm4b:s8+s3], $0x50, $0x38;
	[tilespmem:$0x189C0] =	vst v63  }
0x43: {  	s7 =	sadd.s32 s6, s10  }
0x44: {  	[tilespmem:s22], [sflag:$0x2] =	stream.linear.gather [hbm4b:s7+s3], $0x50, $0x38;
	[tilespmem:$0x189C0] =	vst v63  }
0x45: {  	_ =	swait.ge [sflag:s26], $0x2800  }
0x46: {  	[sflag:s26] =	ssyncset.done $0x0  }
0x47: {  	[sflag:s26] =	ssyncadd.s32 $0xFFFFD800  }
0x48: {  	_ =	swait.ge [sflag:s28], $0x50  }
0x49: {  	[sflag:s28] =	ssyncset.done $0x0  }
0x4a: {  	[sflag:s28] =	ssyncadd.s32 $0xFFFFFFB0  }
0x4b: {  	_ =	swait.ge [sflag:s28], $0x50  }
0x4c: {  	[sflag:s28] =	ssyncset.done $0x0  }
0x4d: {  	[sflag:s28] =	ssyncadd.s32 $0xFFFFFFB0  }
0x4e: {  	[tilespmem:s25], [sflag:$0x1] =	stream.indirect.gather [hbm4b:s4+s23], $0x80, s3, s23, $0xb8;
	[tilespmem:$0x189C0] =	vst v63  }
0x4f: {  	_ = 	snop  }
0x50: {  	[spmem:s1] =	stream.indirect.scatter.add.f32 [tilespmem:s29], [sflag:$0x3], $0x80, s24, s23, $0xb8;
	[tilespmem:$0x189C0] =	vst v63  }
0x51: {  	_ =	swait.ge [sflag:s21], $0x2800  }
0x52: {  	s11 =	sadd.s32 $0x0, s19;
	s9 =	sadd.s32 $0x0, s18;
	[sflag:s21] =	ssyncset.done $0x0  }
0x53: {  	s8 =	sadd.s32 $0xA0, s20;
	s7 =	simm.s32 $0x14;
	[sflag:s21] =	ssyncadd.s32 $0xFFFFD800  }
0x54: {  	[tilespmem:s23], [sflag:$0x2] =	stream.linear.gather [hbm4b:s11+s3], $0x50, $0x38;
	[tilespmem:$0x189C0] =	vst v63  }
.LBB2_2:
0x55: {  	[tilespmem:s24], [sflag:$0x2] =	stream.linear.gather [hbm4b:s9+s3], $0x50, $0x38;
	[tilespmem:$0x189C0] =	vst v63  }
0x56: {  	s9 =	smov.u32 s7  }
0x57: {  	p1 =	sne.s32 s7, $0x4C4;
	s7 =	sadd.s32 $0x14, s7;
	_ =	swait.ge [sflag:s26], $0x2800  }
0x58: {  	[sflag:s26] =	ssyncset.done $0x0  }
0x59: {  	[sflag:s26] =	ssyncadd.s32 $0xFFFFD800  }
0x5a: {  	_ =	swait.ge [sflag:s28], $0x50  }
0x5b: {  	[sflag:s28] =	ssyncset.done $0x0  }
0x5c: {  	[sflag:s28] =	ssyncadd.s32 $0xFFFFFFB0  }
0x5d: {  	_ =	swait.ge [sflag:s28], $0x50  }
0x5e: {  	[sflag:s28] =	ssyncset.done $0x0  }
0x5f: {  	[sflag:s28] =	ssyncadd.s32 $0xFFFFFFB0  }
0x60: {  	[tilespmem:s29], [sflag:$0x1] =	stream.indirect.gather [hbm4b:s4+s23], $0x80, s23, s23, $0xb8;
	[tilespmem:$0x189C0] =	vst v63  }
0x61: {  	_ = 	snop  }
0x62: {  	[spmem:s1] =	stream.indirect.scatter.add.f32 [tilespmem:s25], [sflag:$0x3], $0x80, s22, s23, $0xb8;
	[tilespmem:$0x189C0] =	vst v63  }
0x63: {  	_ =	swait.ge [sflag:s21], $0x2800  }
0x64: {  	s10 =	sshrl.u32 s8, $0x3;
	[sflag:s21] =	ssyncset.done $0x0  }
0x65: {  	s11 =	sadd.s32 s5, s10;
	[sflag:s21] =	ssyncadd.s32 $0xFFFFD800  }
0x66: {  	[tilespmem:s3], [sflag:$0x2] =	stream.linear.gather [hbm4b:s11+s3], $0x50, $0x38;
	[tilespmem:$0x189C0] =	vst v63  }
0x67: {  	s10 =	sadd.s32 s6, s10  }
0x68: {  	[tilespmem:s22], [sflag:$0x2] =	stream.linear.gather [hbm4b:s10+s3], $0x50, $0x38;
	[tilespmem:$0x189C0] =	vst v63  }
0x69: {  	_ =	swait.ge [sflag:s26], $0x2800  }
0x6a: {  	[sflag:s26] =	ssyncset.done $0x0  }
0x6b: {  	[sflag:s26] =	ssyncadd.s32 $0xFFFFD800  }
0x6c: {  	_ =	swait.ge [sflag:s28], $0x50  }
0x6d: {  	[sflag:s28] =	ssyncset.done $0x0  }
0x6e: {  	[sflag:s28] =	ssyncadd.s32 $0xFFFFFFB0  }
0x6f: {  	_ =	swait.ge [sflag:s28], $0x50  }
0x70: {  	[sflag:s28] =	ssyncset.done $0x0  }
0x71: {  	[sflag:s28] =	ssyncadd.s32 $0xFFFFFFB0  }
0x72: {  	[tilespmem:s25], [sflag:$0x1] =	stream.indirect.gather [hbm4b:s4+s23], $0x80, s3, s23, $0xb8;
	[tilespmem:$0x189C0] =	vst v63  }
0x73: {  	_ = 	snop  }
0x74: {  	[spmem:s1] =	stream.indirect.scatter.add.f32 [tilespmem:s29], [sflag:$0x3], $0x80, s24, s23, $0xb8;
	[tilespmem:$0x189C0] =	vst v63  }
.Ltmp0:
0x75: {  	_ =	swait.ge [sflag:s21], $0x2800;
	(pc) =	sbr.rel @p1 .LBB2_2-.Ltmp0, $4  }
0x76: {  	[sflag:s21] =	ssyncset.done $0x0  }
0x77: {  	s10 =	sadd.s32 s9, s19;
	[sflag:s21] =	ssyncadd.s32 $0xFFFFD800  }
0x78: {  	[tilespmem:s23], [sflag:$0x2] =	stream.linear.gather [hbm4b:s10+s3], $0x50, $0x38;
	[tilespmem:$0x189C0] =	vst v63  }
0x79: {  	s8 =	sadd.s32 $0xA0, s8;
	s9 =	sadd.s32 s9, s18  }
0x7a: {  	[tilespmem:s24], [sflag:$0x2] =	stream.linear.gather [hbm4b:s9+s3], $0x50, $0x38;
	[tilespmem:$0x189C0] =	vst v63  }
0x7b: {  	_ =	swait.ge [sflag:s26], $0x2800  }
0x7c: {  	[sflag:s26] =	ssyncset.done $0x0  }
0x7d: {  	[sflag:s26] =	ssyncadd.s32 $0xFFFFD800  }
0x7e: {  	[spmem:s1] =	stream.indirect.scatter.add.f32 [tilespmem:s25], [sflag:$0x3], $0x80, s22, s23, $0xb8;
	[tilespmem:$0x189C0] =	vst v63  }
0x7f: {  	_ =	swait.ge [sflag:s21], $0x2800  }
0x80: {  	[sflag:s21] =	ssyncset.done $0x0  }
0x81: {  	[sflag:s21] =	ssyncadd.s32 $0xFFFFD800  }
0x82: {  	_ =	swait.ge [sflag:s28], $0x50  }
0x83: {  	[sflag:s28] =	ssyncset.done $0x0  }
0x84: {  	[sflag:s28] =	ssyncadd.s32 $0xFFFFFFB0  }
0x85: {  	_ =	swait.ge [sflag:s28], $0x50  }
0x86: {  	[sflag:s28] =	ssyncset.done $0x0  }
0x87: {  	[sflag:s28] =	ssyncadd.s32 $0xFFFFFFB0  }
0x88: {  	s7 =	simm.s32 @p0 $0x1FC3;
	[bflag:$0x0] =	sbarrier.arrive $0xFFFF  }
0x89: {  	[hbm:s16], [sflag:s7] =	dma.local @p0 [spmem:s31], $0x2800  }
0x8a: {  	s7 =	simm.s32 @p0 $0x3  }
0x8b: {  	_ =	swait.ge @p0 [sflag:s7], $0x2800  }
0x8c: {  	s30 =	sadd.s32 $0x1, s30;
	[sflag:s7] =	ssyncset.done @p0 $0x0  }
0x8d: {  	p1 =	sne.s32 s30, s17;
	[sflag:s7] =	ssyncadd.s32 @p0 $0xFFFFD800  }
0x8e: {  	[hbm:s15], [sflag:s0] =	dma.local @!p0 [spmem:s2], $0x2700  }
.Ltmp1:
0x8f: {  	_ = 	snop;
	(pc) =	sbr.rel @p1 .LBB2_1-.Ltmp1, $4  }
0x90: {  	s0 =	simm.s32 @!p0 $0x3  }
0x91: {  	_ =	swait.ge @!p0 [sflag:s0], $0x2700  }
0x92: {  	[sflag:s0] =	ssyncset.done @!p0 $0x0  }
0x93: {  	[sflag:s0] =	ssyncadd.s32 @!p0 $0xFFFFD900  }
0x94: {  	_ =	sfence.sel $0x180000  }
0x95: {  	[bflag:$0x0] =	sbarrier.arrive $0xFFFF  }
0x96: {  	_ =	strace $0x9000004D  }
0x97: {  	s0 =	stileid.u32;
	[bflag:$0x2] =	sbarrier.arrive $0xFFFF  }
0x98: {  	p0 =	sne.s32 s0, $0x0;
	s0 =	rddreg [dreg:$0x2]  }
0x99: {  	s0 =	sadd.s32 @!p0 $0x100000, s0  }
0x9a: {  	[sflag:s0] =	ssyncadd.tile.s32 @!p0 $0x1;
	_ =	shalt  }
.Lfunc_end2:
_tile_overlayer_lowered:
.L_overlay_start_2:
0x9b: {  	(tag) =	ssettag $0x2  }
0x9c: {  	s0 =	rddreg [dreg:$0x0];
	s2 =	stileid.u32  }
0x9d: {  	s1 =	rddreg [dreg:$0x1];
	p0 =	sne.s32 s2, $0x0  }
0x9e: {  	s3 =	rddreg [dreg:$0x2];
	[bflag:$0x3] =	sbarrier.arrive $0xFFFF;
	s2 =	simm.s32 @!p0 $0x1C03  }
0x9f: {  	[timem:s3], [sflag:s2] =	dma.local @!p0 [hbm:s0], s1  }
0xa0: {  	s0 =	simm.s32 @!p0 $0x3  }
0xa1: {  	_ =	swait.ge @!p0 [sflag:s0], s1  }
0xa2: {  	s1 =	ssub.s32 @!p0 $0x0, s1;
	[sflag:s0] =	ssyncset.done @!p0 $0x0  }
0xa3: {  	[sflag:s0] =	ssyncadd.s32 @!p0 s1  }
0xa4: {  	[bflag:$0x3] =	sbarrier.arrive $0xFFFF  }
0xa5: {  	_ =	shalt  }

// kernel: sc_agg_d64.3.cloned.1.call-start
scs
__scs_entry_jumppad:
0x0: {  	(pc) =	sbr.rel $0x88, $3  }
0x1: {  	(tag) =	ssettag $0x0;
	lr =	simm.s32 $0x1  }
0x2: {  	[smem:$0x3F8E] =	sst lr;
	_ =	strace $0xD0000000  }
0x3: {  	_ = 	snop  }
0x4: {  	_ = 	snop  }
0x5: {  	_ = 	snop  }
0x6: {  	_ = 	snop  }
0x7: {  	_ = 	snop  }
__scs_overlays_trampoline_lowered:
0x8: {  	[smem:$0x3F9D] =	sst s0  }
0x9: {  	[smem:$0x3F9E] =	sst s1  }
0xa: {  	[smem:$0x3F9F] =	sst s2  }
0xb: {  	[smem:$0x3FA0] =	sst s3  }
0xc: {  	[smem:$0x3FA1] =	sst s4  }
0xd: {  	[smem:$0x3FA2] =	sst s5  }
0xe: {  	[smem:$0x3FA3] =	sst s6  }
0xf: {  	[smem:$0x3FA4] =	sst s7  }
0x10: {  	[smem:$0x3FA5] =	sst s8  }
0x11: {  	[smem:$0x3FA6] =	sst s9;
	s0 =	simm.s32 @!p0 $0x0  }
0x12: {  	s1 =	sld [smem:$0x3F8C];
	s0 =	simm.s32 @p0 $0x1  }
0x13: {  	[smem:$0x3FA7] =	sst s0;
	s0 =	simm.s32 @!p1 $0x0  }
0x14: {  	s2 =	sld [smem:$0x3F8B];
	s0 =	simm.s32 @p1 $0x1  }
0x15: {  	[smem:$0x3FA8] =	sst s0;
	s0 =	simm.s32 @!p2 $0x0  }
0x16: {  	s3 =	sld [smem:$0x3FDB];
	s0 =	simm.s32 @p2 $0x1  }
0x17: {  	s4 =	simm.s32 $0x1BF5;
	[smem:$0x3FAA] =	sst s0  }
0x18: {  	s0 =	sld [smem:$0x3F8D];
	_ =	swait.ge [sflag:s4], $0x0  }
0x19: {  	s7 =	sld [smem:$0x3F8E]  }
0x1a: {  	s8 =	sadd.s32 $0xFFFFE003, lr  }
0x1b: {  	s9 =	sadd.s32 $0xFFFFFEF7, lr;
	s5 =	simm.s32 $0xFFFFFFFF;
	p2 =	slt.u32 s8, $0xFFFFF086  }
0x1c: {  	p1 =	slt.u32 s9, $0xF7A;
	s5 =	simm.s32 @!p2 $0x0  }
0x1d: {  	s5 =	simm.s32 @p1 $0x1;
	p0 =	seq.s32 s7, s2  }
0x1e: {  	s7 =	smul.u32 @!p0 $0xF7A, s2;
	p2 =	seq.s32 @!p0 s5, $0x0  }
0x1f: {  	s9 =	smul.u32 $0xF7A, s1;
	s8 =	simm.s32 @!p0 $0x1BF5;
	p2 =	por !p2, p0  }
0x20: {  	[sflag:s8] =	ssyncset.s32 @!p0 $0xFFFFF086;
	s6 =	sadd.s32 @!p0 s3, s7;
	s7 =	simm.s32 @!p0 $0x108  }
0x21: {  	s3 =	sadd.s32 s3, s9;
	s6 =	sadd.s32 @!p0 $0x88, s6;
	s7 =	simm.s32 @p2 $0x1082  }
0x22: {  	[simem:s7], [sflag:s8] =	dma.local @!p0 [hbm:s6], $0xF7A  }
0x23: {  	s9 =	sor.u32 $0xD0000000, s2;
	s6 =	simm.s32 $0x108;
	_ =	swait.ge @!p0 [sflag:s8], $0x0  }
0x24: {  	s3 =	sadd.s32 $0x88, s3;
	s6 =	simm.s32 @!p1 $0x1082;
	[sflag:s4] =	ssyncset.s32 $0xFFFFF086  }
0x25: {  	[simem:s6], [sflag:s4] =	dma.local [hbm:s3], $0xF7A  }
0x26: {  	[smem:$0x3F8E] =	sst s1;
	(tag) =	ssettag s2;
	_ =	strace s9  }
0x27: {  	s1 =	sld [smem:$0x3F9E]  }
0x28: {  	s2 =	sld [smem:$0x3F9F]  }
0x29: {  	s4 =	sld [smem:$0x3FA1]  }
0x2a: {  	p0 =	seq.s32 s5, $0x0;
	s5 =	sld [smem:$0x3FA2]  }
0x2b: {  	s6 =	sld [smem:$0x3FA3]  }
0x2c: {  	s7 =	sld [smem:$0x3FA4]  }
0x2d: {  	s3 =	simm.s32 $0x108;
	s8 =	sld [smem:$0x3FA5]  }
0x2e: {  	s3 =	simm.s32 @!p0 $0x1082;
	s9 =	sld [smem:$0x3FA6]  }
0x2f: {  	lr =	sadd.s32 s0, s3;
	s0 =	sld [smem:$0x3F9D]  }
0x30: {  	s3 =	sld [smem:$0x3FA0]  }
0x31: {  	[smem:$0x3FA9] =	sst s10  }
0x32: {  	s10 =	sld [smem:$0x3FA7];
	_ =	sdelay $0x3  }
0x33: {  	p0 =	seq.s32 s10, $0x1;
	s10 =	sld [smem:$0x3FA9];
	_ =	sdelay $0x3  }
0x34: {  	[smem:$0x3FA9] =	sst s10  }
0x35: {  	s10 =	sld [smem:$0x3FA8];
	_ =	sdelay $0x3  }
0x36: {  	p1 =	seq.s32 s10, $0x1;
	s10 =	sld [smem:$0x3FA9];
	_ =	sdelay $0x3  }
0x37: {  	[smem:$0x3FA9] =	sst s10  }
0x38: {  	s10 =	sld [smem:$0x3FAA]  }
0x39: {  	_ = 	snop;
	(pc) =	sbr.ind lr, $3  }
0x3a: {  	_ = 	snop  }
0x3b: {  	_ = 	snop  }
0x3c: {  	p2 =	seq.s32 s10, $0x1;
	s10 =	sld [smem:$0x3FA9]  }
0x3d: {  	_ =	shalt  }
0x3e: {  	_ =	shalt  }
0x3f: {  	_ =	shalt  }
0x40: {  	_ =	shalt  }
0x41: {  	_ =	shalt  }
0x42: {  	_ =	shalt  }
0x43: {  	_ =	shalt  }
0x44: {  	_ =	shalt  }
0x45: {  	_ =	shalt  }
0x46: {  	_ =	shalt  }
0x47: {  	_ =	shalt  }
0x48: {  	_ =	shalt  }
0x49: {  	_ =	shalt  }
0x4a: {  	_ =	shalt  }
0x4b: {  	_ =	shalt  }
0x4c: {  	_ =	shalt  }
0x4d: {  	_ =	shalt  }
0x4e: {  	_ =	shalt  }
0x4f: {  	_ =	shalt  }
0x50: {  	_ =	shalt  }
0x51: {  	_ =	shalt  }
0x52: {  	_ =	shalt  }
0x53: {  	_ =	shalt  }
0x54: {  	_ =	shalt  }
0x55: {  	_ =	shalt  }
0x56: {  	_ =	shalt  }
0x57: {  	_ =	shalt  }
0x58: {  	_ =	shalt  }
0x59: {  	_ =	shalt  }
0x5a: {  	_ =	shalt  }
0x5b: {  	_ =	shalt  }
0x5c: {  	_ =	shalt  }
0x5d: {  	_ =	shalt  }
0x5e: {  	_ =	shalt  }
0x5f: {  	_ =	shalt  }
0x60: {  	_ =	shalt  }
0x61: {  	_ =	shalt  }
0x62: {  	_ =	shalt  }
0x63: {  	_ =	shalt  }
0x64: {  	_ =	shalt  }
0x65: {  	_ =	shalt  }
0x66: {  	_ =	shalt  }
0x67: {  	_ =	shalt  }
0x68: {  	_ =	shalt  }
0x69: {  	_ =	shalt  }
0x6a: {  	_ =	shalt  }
0x6b: {  	_ =	shalt  }
0x6c: {  	_ =	shalt  }
0x6d: {  	_ =	shalt  }
0x6e: {  	_ =	shalt  }
0x6f: {  	_ =	shalt  }
0x70: {  	_ =	shalt  }
0x71: {  	_ =	shalt  }
0x72: {  	_ =	shalt  }
0x73: {  	_ =	shalt  }
0x74: {  	_ =	shalt  }
0x75: {  	_ =	shalt  }
0x76: {  	_ =	shalt  }
0x77: {  	_ =	shalt  }
0x78: {  	_ =	shalt  }
0x79: {  	_ =	shalt  }
0x7a: {  	_ =	shalt  }
0x7b: {  	_ =	shalt  }
0x7c: {  	_ =	shalt  }
0x7d: {  	_ =	shalt  }
0x7e: {  	_ =	shalt  }
0x7f: {  	_ =	shalt  }
0x80: {  	_ =	shalt  }
0x81: {  	_ =	shalt  }
0x82: {  	_ =	shalt  }
0x83: {  	_ =	shalt  }
0x84: {  	_ =	shalt  }
0x85: {  	_ =	shalt  }
0x86: {  	_ =	shalt  }
0x87: {  	_ =	shalt  }
.Lfunc_end0:
.L_simem_size_0:
called_computation.1_lowered:
.L_overlay_start_0:
0x88: {  	s2 =	sld [smem:$0x3FD9]  }
0x89: {  	s3 =	sld [smem:$0x3FFE];
	_ =	sdelay $0x1  }
0x8a: {  	s1 =	srdreg.scid  }
0x8b: {  	s0 =	sand.u32 $0x1, s1  }
0x8c: {  	s16 =	sshll.u32 s0, $0xA;
	s2 =	sadd.s32 s3, s2  }
0x8d: {  	s2 =	sadd.s32 s2, s16  }
0x8e: {  	[smem:$0x3FB5] =	sst s2  }
0x8f: {  	_ = 	snop  }
0x90: {  	(tm) =	ssettm $0x1  }
0x91: {  	s17 =	sld [smem:$0x3FFB];
	_ =	sdelay $0x3  }
0x92: {  	_ =	strace s17  }
0x93: {  	s2 =	sld [smem:$0x3FFC];
	_ =	sdelay $0x3  }
0x94: {  	_ =	strace s2  }
0x95: {  	s2 =	sld [smem:$0x3FFD];
	_ =	sdelay $0x3  }
0x96: {  	_ =	strace s2  }
0x97: {  	_ =	strace $0x8FFFFFFF  }
0x98: {  	s18 =	sld [smem:$0x3FDB];
	_ =	sdelay $0x1  }
0x99: {  	s19 =	simm.s32 $_scs_section_size  }
0x9a: {  	s4 =	simm.s32 $_size__tile_overlayer_lowered;
	s5 =	simm.s32 $_tile_overlayer_lowered  }
0x9b: {  	s22 =	simm.s32 $0x1BFF;
	s21 =	sshll.u32 s5, $0x1;
	s2 =	sadd.s32 s19, s18  }
0x9c: {  	s6 =	simm.s32 $0x0;
	s20 =	sshll.u32 s4, $0x1;
	s4 =	sadd.s32 s21, s2  }
0x9d: {  	[timem:s6], [sflag:s22] =	dma.local [hbm:s4], s20  }
0x9e: {  	_ =	swait.ge [sflag:s22], s20  }
0x9f: {  	s3 =	ssub.s32 $0x0, s20;
	[sflag:s22] =	ssyncset.done $0x0  }
0xa0: {  	[sflag:s22] =	ssyncadd.s32 s3;
	_ =	sdelay $0x1  }
0xa1: {  	s23 =	simm.s32 $0x1B8B  }
0xa2: {  	_ =	swait.ge [sflag:s23], $0x1  }
0xa3: {  	[sflag:s23] =	ssyncset.done $0x0  }
0xa4: {  	s25 =	simm.s32 $0x1B8E;
	s24 =	sld [smem:$0x3FFE];
	[sflag:s23] =	ssyncadd.s32 $0xFFFFFFFF  }
0xa5: {  	s26 =	simm.s32 $execute0_lowered;
	[smem:$0x3FD2] =	sst s25  }
0xa6: {  	s4 =	sshll.u32 s26, $0x1;
	_ =	strace $0x80000049;
	[dreg:$0x1] =	wrdreg $0xFFFFFFFF  }
0xa7: {  	s28 =	simm.s32 $_size_execute0_lowered;
	s2 =	sadd.s32 s2, s4;
	[dreg:$0x0] =	wrdreg $0x0  }
0xa8: {  	s4 =	sshll.u32 s28, $0x1;
	[dreg:$0x2] =	wrdreg s2  }
0xa9: {  	[dreg:$0x3] =	wrdreg s4  }
0xaa: {  	[dreg:$0x4] =	wrdreg $0xC0  }
0xab: {  	_ =	task [dreg:s6], $0x5FFFF  }
0xac: {  	[dreg:$0x1] =	wrdreg $0xFFFFFFFF  }
0xad: {  	[dreg:$0x0] =	wrdreg $0x60  }
0xae: {  	[dreg:$0x2] =	wrdreg s24  }
0xaf: {  	[dreg:$0x3] =	wrdreg $0x29400  }
0xb0: {  	[dreg:$0x4] =	wrdreg $0x9  }
0xb1: {  	_ =	task.clear_ibuf [dreg:s6], $0x5FFFF;
	_ =	strace $0x90000049  }
0xb2: {  	s29 =	simm.s32 $0x9;
	_ =	strace $0x8000004B  }
0xb3: {  	_ =	swait.ge [sflag:s29], $0x1  }
0xb4: {  	[sflag:s29] =	ssyncadd.s32 $0xFFFFFFFF  }
0xb5: {  	_ =	strace $0x9000004B  }
0xb6: {  	_ =	sfence  }
0xb7: {  	s30 =	sld [smem:$0x0];
	_ =	sdelay $0x2  }
0xb8: {  	s31 =	sshll.u32 s1, $0xD;
	s1 =	sshrl.u32 s1, $0x2  }
0xb9: {  	s3 =	sand.u32 $0x4000, s31;
	s1 =	sadd.s32 s1, s30  }
0xba: {  	s0 =	sor.u32 s3, s0;
	s1 =	sshll.u32 s1, $0x11  }
0xbb: {  	s0 =	sor.u32 s1, s0  }
0xbc: {  	s0 =	sadd.s32 $0x8F2B, s0  }
0xbd: {  	[sflag:s0] =	ssyncadd.remote.s32 $0x1  }
0xbe: {  	_ =	sfence.sel $0xFFFF  }
0xbf: {  	[dreg:$0x0] =	wrdreg $0xFFFFFFFF;
	(pc) =	sbr.abs _section_cstart, $3  }
0xc0: {  	[dreg:$0x1] =	wrdreg $0xFFFFFFFF  }
0xc1: {  	_ =	task.clear_ibuf [dreg:s6], $0x2FFFF;
	_ =	strace $0x9FFFFFFF  }
0xc2: {  	(tm) =	ssettm $0x7FFFFFFF  }
0xc3: {  	_ =	shalt  }
tec
execute0_lowered:
.L_overlay_start_1:
0x0: {  	(tag) =	ssettag $0x1  }
0x1: {  	s0 =	rddreg [dreg:$0x0]  }
0x2: {  	s1 =	rddreg [dreg:$0x1]  }
0x3: {  	s3 =	simm.s32 $0x0;
	s21 =	stileid.u32;
	s7 =	srdreg.scid  }
0x4: {  	s28 =	simm.s32 $0x2;
	s29 =	simm.s32 $0x1540;
	s30 =	simm.s32 $0x0  }
0x5: {  	[smem:$0x7FF] =	sst s3;
	s4 =	sadd.s32 $0x3A00, s0;
	s2 =	smul.u32 $0x9C00, s21  }
0x6: {  	s5 =	sadd.s32 $0x17400, s0;
	s6 =	sadd.s32 $0x21400, s0;
	s7 =	sand.u32 $0x1, s7  }
0x7: {  	s10 =	sshll.u32 s21, $0x1;
	s16 =	sadd.s32 $0x8D000, s0;
	s19 =	sadd.s32 $0x92400, s1  }
0x8: {  	s15 =	smul.u32 $0x4F60, s21;
	p0 =	seq.s32 s21, $0xF;
	s21 =	simm.s32 $0x3  }
0x9: {  	_ =	strace $0x8000004A;
	s9 =	ssub.s32 $0x2, s7;
	s18 =	smul.u32 $0x9C400, s7  }
0xa: {  	s10 =	sor.u32 s7, s10;
	[dreg:$0x5] =	wrdreg s19;
	s7 =	smul.u32 $0x27B0, s7  }
0xb: {  	s8 =	sshrl.u32 s2, $0x3;
	s11 =	sshrl.u32 s9, $0x1;
	s10 =	smul.u32 $0x27B0, s10  }
0xc: {  	s17 =	sadd.s32 s2, s1;
	s8 =	sadd.s32 s8, s0;
	s9 =	ssub.s32 s9, s11  }
0xd: {  	[dreg:$0x3] =	wrdreg s17;
	s0 =	sadd.s32 $0x3D880, s0;
	s22 =	sadd.s32 s2, s18  }
0xe: {  	s23 =	sadd.s32 s7, s15;
	s24 =	sshrl.u32 s18, $0x3;
	s8 =	sadd.s32 $0x2B400, s8  }
0xf: {  	s12 =	sshrl.u32 s10, $0x3;
	[dreg:$0x6] =	wrdreg s0;
	s0 =	sshrl.u32 s22, $0x3  }
0x10: {  	s25 =	sadd.s32 $0xF0, s23;
	s26 =	sadd.s32 s16, s24;
	s17 =	smax.u32 s9, $0x1  }
0x11: {  	s22 =	simm.s32 $0xA0;
	s24 =	simm.s32 $0xF0;
	[dreg:$0x4] =	wrdreg s8  }
0x12: {  	s20 =	sadd.s32 $0xA, s12;
	s10 =	sadd.s32 s5, s12;
	s12 =	sadd.s32 s6, s12  }
0x13: {  	s15 =	sadd.s32 s16, s0;
	s31 =	sshrl.u32 s25, $0x3;
	s16 =	sadd.s32 $0x12480, s26  }
0x14: {  	s25 =	simm.s32 $0x140;
	s26 =	simm.s32 $0x1;
	[dreg:$0x7] =	wrdreg s10  }
0x15: {  	s13 =	sadd.s32 s5, s20;
	s14 =	sadd.s32 s6, s20;
	s18 =	sadd.s32 s31, s6  }
0x16: {  	s19 =	sadd.s32 s31, s5;
	s20 =	sadd.s32 $0xA0, s23;
	s23 =	simm.s32 $0x50  }
.LBB2_1:
0x17: {  	s0 =	rddreg [dreg:$0x5]  }
0x18: {  	s2 =	rddreg [dreg:$0x6];
	s31 =	sshrl.u32 @p0 s0, $0x3;
	s0 =	simm.s32 @p0 $0x1FC3  }
0x19: {  	[spmem:s31], [sflag:s0] =	dma.local @p0 [hbm:s2], $0x1400  }
0x1a: {  	s0 =	simm.s32 @p0 $0x3  }
0x1b: {  	s2 =	stileid.u32;
	_ =	swait.ge @p0 [sflag:s0], $0x1400  }
0x1c: {  	s2 =	sshll.u32 @!p0 s2, $0x6;
	[sflag:s0] =	ssyncset.done @p0 $0x0  }
0x1d: {  	[sflag:s0] =	ssyncadd.s32 @p0 $0xFFFFEC00;
	s0 =	sor.u32 @!p0 $0x1C03, s2;
	s2 =	rddreg [dreg:$0x3]  }
0x1e: {  	s7 =	rddreg [dreg:$0x4];
	s2 =	sshrl.u32 @!p0 s2, $0x3  }
0x1f: {  	[spmem:s2], [sflag:s0] =	dma.local @!p0 [hbm:s7], $0x1380  }
0x20: {  	s7 =	simm.s32 @!p0 $0x3  }
0x21: {  	_ =	swait.ge @!p0 [sflag:s7], $0x1380  }
0x22: {  	[sflag:s7] =	ssyncset.done @!p0 $0x0  }
0x23: {  	[sflag:s7] =	ssyncadd.s32 @!p0 $0xFFFFEC80  }
0x24: {  	[bflag:$0x0] =	sbarrier.arrive $0xFFFF  }
0x25: {  	s9 =	rddreg [dreg:$0x7]  }
0x26: {  	[tilespmem:s3], [sflag:$0x3] =	stream.linear.gather [hbm4b:s9+s3], $0x50, $0x38;
	[tilespmem:$0xC580] =	vst v63  }
0x27: {  	_ =	swait.ge [sflag:s21], $0x50  }
0x28: {  	[sflag:s21] =	ssyncset.done $0x0  }
0x29: {  	[sflag:s21] =	ssyncadd.s32 $0xFFFFFFB0  }
0x2a: {  	[tilespmem:s22], [sflag:$0x3] =	stream.linear.gather [hbm4b:s12+s3], $0x50, $0x38;
	[tilespmem:$0xC580] =	vst v63  }
0x2b: {  	_ =	swait.ge [sflag:s21], $0x50  }
0x2c: {  	[sflag:s21] =	ssyncset.done $0x0  }
0x2d: {  	[sflag:s21] =	ssyncadd.s32 $0xFFFFFFB0  }
0x2e: {  	[tilespmem:s23], [sflag:$0x2] =	stream.linear.gather [hbm4b:s13+s3], $0x50, $0x38;
	[tilespmem:$0xC580] =	vst v63  }
0x2f: {  	_ = 	snop  }
0x30: {  	[tilespmem:s24], [sflag:$0x2] =	stream.linear.gather [hbm4b:s14+s3], $0x50, $0x38;
	[tilespmem:$0xC580] =	vst v63  }
0x31: {  	_ = 	snop  }
0x32: {  	[tilespmem:s25], [sflag:$0x1] =	stream.indirect.gather [hbm4b:s4+s23], $0x40, s3, s23, $0xb8;
	[tilespmem:$0xC580] =	vst v63  }
0x33: {  	_ =	swait.ge [sflag:s26], $0x1400  }
0x34: {  	[sflag:s26] =	ssyncset.done $0x0  }
0x35: {  	[sflag:s26] =	ssyncadd.s32 $0xFFFFEC00  }
0x36: {  	_ =	swait.ge [sflag:s28], $0x50  }
0x37: {  	[sflag:s28] =	ssyncset.done $0x0  }
0x38: {  	[sflag:s28] =	ssyncadd.s32 $0xFFFFFFB0  }
0x39: {  	_ =	swait.ge [sflag:s28], $0x50  }
0x3a: {  	[sflag:s28] =	ssyncset.done $0x0  }
0x3b: {  	[sflag:s28] =	ssyncadd.s32 $0xFFFFFFB0  }
0x3c: {  	[tilespmem:s29], [sflag:$0x1] =	stream.indirect.gather [hbm4b:s4+s23], $0x40, s23, s23, $0xb8;
	[tilespmem:$0xC580] =	vst v63  }
0x3d: {  	_ = 	snop  }
0x3e: {  	[spmem:s1] =	stream.indirect.scatter.add.f32 [tilespmem:s25], [sflag:$0x3], $0x40, s22, s23, $0xb8;
	[tilespmem:$0xC580] =	vst v63  }
0x3f: {  	_ =	swait.ge [sflag:s21], $0x1400  }
0x40: {  	s10 =	sshrl.u32 s20, $0x3;
	[sflag:s21] =	ssyncset.done $0x0  }
0x41: {  	s8 =	sadd.s32 s5, s10;
	[sflag:s21] =	ssyncadd.s32 $0xFFFFEC00  }
0x42: {  	[tilespmem:s3], [sflag:$0x2] =	stream.linear.gather [hbm4b:s8+s3], $0x50, $0x38;
	[tilespmem:$0xC580] =	vst v63  }
0x43: {  	s7 =	sadd.s32 s6, s10  }
0x44: {  	[tilespmem:s22], [sflag:$0x2] =	stream.linear.gather [hbm4b:s7+s3], $0x50, $0x38;
	[tilespmem:$0xC580] =	vst v63  }
0x45: {  	_ =	swait.ge [sflag:s26], $0x1400  }
0x46: {  	[sflag:s26] =	ssyncset.done $0x0  }
0x47: {  	[sflag:s26] =	ssyncadd.s32 $0xFFFFEC00  }
0x48: {  	_ =	swait.ge [sflag:s28], $0x50  }
0x49: {  	[sflag:s28] =	ssyncset.done $0x0  }
0x4a: {  	[sflag:s28] =	ssyncadd.s32 $0xFFFFFFB0  }
0x4b: {  	_ =	swait.ge [sflag:s28], $0x50  }
0x4c: {  	[sflag:s28] =	ssyncset.done $0x0  }
0x4d: {  	[sflag:s28] =	ssyncadd.s32 $0xFFFFFFB0  }
0x4e: {  	[tilespmem:s25], [sflag:$0x1] =	stream.indirect.gather [hbm4b:s4+s23], $0x40, s3, s23, $0xb8;
	[tilespmem:$0xC580] =	vst v63  }
0x4f: {  	_ = 	snop  }
0x50: {  	[spmem:s1] =	stream.indirect.scatter.add.f32 [tilespmem:s29], [sflag:$0x3], $0x40, s24, s23, $0xb8;
	[tilespmem:$0xC580] =	vst v63  }
0x51: {  	_ =	swait.ge [sflag:s21], $0x1400  }
0x52: {  	s11 =	sadd.s32 $0x0, s19;
	s9 =	sadd.s32 $0x0, s18;
	[sflag:s21] =	ssyncset.done $0x0  }
0x53: {  	s8 =	sadd.s32 $0xA0, s20;
	s7 =	simm.s32 $0x14;
	[sflag:s21] =	ssyncadd.s32 $0xFFFFEC00  }
0x54: {  	[tilespmem:s23], [sflag:$0x2] =	stream.linear.gather [hbm4b:s11+s3], $0x50, $0x38;
	[tilespmem:$0xC580] =	vst v63  }
.LBB2_2:
0x55: {  	[tilespmem:s24], [sflag:$0x2] =	stream.linear.gather [hbm4b:s9+s3], $0x50, $0x38;
	[tilespmem:$0xC580] =	vst v63  }
0x56: {  	s9 =	smov.u32 s7  }
0x57: {  	p1 =	sne.s32 s7, $0x4C4;
	s7 =	sadd.s32 $0x14, s7;
	_ =	swait.ge [sflag:s26], $0x1400  }
0x58: {  	[sflag:s26] =	ssyncset.done $0x0  }
0x59: {  	[sflag:s26] =	ssyncadd.s32 $0xFFFFEC00  }
0x5a: {  	_ =	swait.ge [sflag:s28], $0x50  }
0x5b: {  	[sflag:s28] =	ssyncset.done $0x0  }
0x5c: {  	[sflag:s28] =	ssyncadd.s32 $0xFFFFFFB0  }
0x5d: {  	_ =	swait.ge [sflag:s28], $0x50  }
0x5e: {  	[sflag:s28] =	ssyncset.done $0x0  }
0x5f: {  	[sflag:s28] =	ssyncadd.s32 $0xFFFFFFB0  }
0x60: {  	[tilespmem:s29], [sflag:$0x1] =	stream.indirect.gather [hbm4b:s4+s23], $0x40, s23, s23, $0xb8;
	[tilespmem:$0xC580] =	vst v63  }
0x61: {  	_ = 	snop  }
0x62: {  	[spmem:s1] =	stream.indirect.scatter.add.f32 [tilespmem:s25], [sflag:$0x3], $0x40, s22, s23, $0xb8;
	[tilespmem:$0xC580] =	vst v63  }
0x63: {  	_ =	swait.ge [sflag:s21], $0x1400  }
0x64: {  	s10 =	sshrl.u32 s8, $0x3;
	[sflag:s21] =	ssyncset.done $0x0  }
0x65: {  	s11 =	sadd.s32 s5, s10;
	[sflag:s21] =	ssyncadd.s32 $0xFFFFEC00  }
0x66: {  	[tilespmem:s3], [sflag:$0x2] =	stream.linear.gather [hbm4b:s11+s3], $0x50, $0x38;
	[tilespmem:$0xC580] =	vst v63  }
0x67: {  	s10 =	sadd.s32 s6, s10  }
0x68: {  	[tilespmem:s22], [sflag:$0x2] =	stream.linear.gather [hbm4b:s10+s3], $0x50, $0x38;
	[tilespmem:$0xC580] =	vst v63  }
0x69: {  	_ =	swait.ge [sflag:s26], $0x1400  }
0x6a: {  	[sflag:s26] =	ssyncset.done $0x0  }
0x6b: {  	[sflag:s26] =	ssyncadd.s32 $0xFFFFEC00  }
0x6c: {  	_ =	swait.ge [sflag:s28], $0x50  }
0x6d: {  	[sflag:s28] =	ssyncset.done $0x0  }
0x6e: {  	[sflag:s28] =	ssyncadd.s32 $0xFFFFFFB0  }
0x6f: {  	_ =	swait.ge [sflag:s28], $0x50  }
0x70: {  	[sflag:s28] =	ssyncset.done $0x0  }
0x71: {  	[sflag:s28] =	ssyncadd.s32 $0xFFFFFFB0  }
0x72: {  	[tilespmem:s25], [sflag:$0x1] =	stream.indirect.gather [hbm4b:s4+s23], $0x40, s3, s23, $0xb8;
	[tilespmem:$0xC580] =	vst v63  }
0x73: {  	_ = 	snop  }
0x74: {  	[spmem:s1] =	stream.indirect.scatter.add.f32 [tilespmem:s29], [sflag:$0x3], $0x40, s24, s23, $0xb8;
	[tilespmem:$0xC580] =	vst v63  }
.Ltmp0:
0x75: {  	_ =	swait.ge [sflag:s21], $0x1400;
	(pc) =	sbr.rel @p1 .LBB2_2-.Ltmp0, $4  }
0x76: {  	[sflag:s21] =	ssyncset.done $0x0  }
0x77: {  	s10 =	sadd.s32 s9, s19;
	[sflag:s21] =	ssyncadd.s32 $0xFFFFEC00  }
0x78: {  	[tilespmem:s23], [sflag:$0x2] =	stream.linear.gather [hbm4b:s10+s3], $0x50, $0x38;
	[tilespmem:$0xC580] =	vst v63  }
0x79: {  	s8 =	sadd.s32 $0xA0, s8;
	s9 =	sadd.s32 s9, s18  }
0x7a: {  	[tilespmem:s24], [sflag:$0x2] =	stream.linear.gather [hbm4b:s9+s3], $0x50, $0x38;
	[tilespmem:$0xC580] =	vst v63  }
0x7b: {  	_ =	swait.ge [sflag:s26], $0x1400  }
0x7c: {  	[sflag:s26] =	ssyncset.done $0x0  }
0x7d: {  	[sflag:s26] =	ssyncadd.s32 $0xFFFFEC00  }
0x7e: {  	[spmem:s1] =	stream.indirect.scatter.add.f32 [tilespmem:s25], [sflag:$0x3], $0x40, s22, s23, $0xb8;
	[tilespmem:$0xC580] =	vst v63  }
0x7f: {  	_ =	swait.ge [sflag:s21], $0x1400  }
0x80: {  	[sflag:s21] =	ssyncset.done $0x0  }
0x81: {  	[sflag:s21] =	ssyncadd.s32 $0xFFFFEC00  }
0x82: {  	_ =	swait.ge [sflag:s28], $0x50  }
0x83: {  	[sflag:s28] =	ssyncset.done $0x0  }
0x84: {  	[sflag:s28] =	ssyncadd.s32 $0xFFFFFFB0  }
0x85: {  	_ =	swait.ge [sflag:s28], $0x50  }
0x86: {  	[sflag:s28] =	ssyncset.done $0x0  }
0x87: {  	[sflag:s28] =	ssyncadd.s32 $0xFFFFFFB0  }
0x88: {  	s7 =	simm.s32 @p0 $0x1FC3;
	[bflag:$0x0] =	sbarrier.arrive $0xFFFF  }
0x89: {  	[hbm:s16], [sflag:s7] =	dma.local @p0 [spmem:s31], $0x1400  }
0x8a: {  	s7 =	simm.s32 @p0 $0x3  }
0x8b: {  	_ =	swait.ge @p0 [sflag:s7], $0x1400  }
0x8c: {  	s30 =	sadd.s32 $0x1, s30;
	[sflag:s7] =	ssyncset.done @p0 $0x0  }
0x8d: {  	p1 =	sne.s32 s30, s17;
	[sflag:s7] =	ssyncadd.s32 @p0 $0xFFFFEC00  }
0x8e: {  	[hbm:s15], [sflag:s0] =	dma.local @!p0 [spmem:s2], $0x1380  }
.Ltmp1:
0x8f: {  	_ = 	snop;
	(pc) =	sbr.rel @p1 .LBB2_1-.Ltmp1, $4  }
0x90: {  	s0 =	simm.s32 @!p0 $0x3  }
0x91: {  	_ =	swait.ge @!p0 [sflag:s0], $0x1380  }
0x92: {  	[sflag:s0] =	ssyncset.done @!p0 $0x0  }
0x93: {  	[sflag:s0] =	ssyncadd.s32 @!p0 $0xFFFFEC80  }
0x94: {  	_ =	sfence.sel $0x180000  }
0x95: {  	[bflag:$0x0] =	sbarrier.arrive $0xFFFF  }
0x96: {  	_ =	strace $0x9000004A  }
0x97: {  	s0 =	stileid.u32;
	[bflag:$0x2] =	sbarrier.arrive $0xFFFF  }
0x98: {  	p0 =	sne.s32 s0, $0x0;
	s0 =	rddreg [dreg:$0x2]  }
0x99: {  	s0 =	sadd.s32 @!p0 $0x100000, s0  }
0x9a: {  	[sflag:s0] =	ssyncadd.tile.s32 @!p0 $0x1;
	_ =	shalt  }
.Lfunc_end2:
_tile_overlayer_lowered:
.L_overlay_start_2:
0x9b: {  	(tag) =	ssettag $0x2  }
0x9c: {  	s0 =	rddreg [dreg:$0x0];
	s2 =	stileid.u32  }
0x9d: {  	s1 =	rddreg [dreg:$0x1];
	p0 =	sne.s32 s2, $0x0  }
0x9e: {  	s3 =	rddreg [dreg:$0x2];
	[bflag:$0x3] =	sbarrier.arrive $0xFFFF;
	s2 =	simm.s32 @!p0 $0x1C03  }
0x9f: {  	[timem:s3], [sflag:s2] =	dma.local @!p0 [hbm:s0], s1  }
0xa0: {  	s0 =	simm.s32 @!p0 $0x3  }
0xa1: {  	_ =	swait.ge @!p0 [sflag:s0], s1  }
0xa2: {  	s1 =	ssub.s32 @!p0 $0x0, s1;
	[sflag:s0] =	ssyncset.done @!p0 $0x0  }
0xa3: {  	[sflag:s0] =	ssyncadd.s32 @!p0 s1  }
0xa4: {  	[bflag:$0x3] =	sbarrier.arrive $0xFFFF  }
0xa5: {  	_ =	shalt  }

// kernel: sc_agg_d64_cnt.3.cloned.1.call-start
scs
__scs_entry_jumppad:
0x0: {  	(pc) =	sbr.rel $0x88, $3  }
0x1: {  	(tag) =	ssettag $0x0;
	lr =	simm.s32 $0x1  }
0x2: {  	[smem:$0x3F8E] =	sst lr;
	_ =	strace $0xD0000000  }
0x3: {  	_ = 	snop  }
0x4: {  	_ = 	snop  }
0x5: {  	_ = 	snop  }
0x6: {  	_ = 	snop  }
0x7: {  	_ = 	snop  }
__scs_overlays_trampoline_lowered:
0x8: {  	[smem:$0x3F9D] =	sst s0  }
0x9: {  	[smem:$0x3F9E] =	sst s1  }
0xa: {  	[smem:$0x3F9F] =	sst s2  }
0xb: {  	[smem:$0x3FA0] =	sst s3  }
0xc: {  	[smem:$0x3FA1] =	sst s4  }
0xd: {  	[smem:$0x3FA2] =	sst s5  }
0xe: {  	[smem:$0x3FA3] =	sst s6  }
0xf: {  	[smem:$0x3FA4] =	sst s7  }
0x10: {  	[smem:$0x3FA5] =	sst s8  }
0x11: {  	[smem:$0x3FA6] =	sst s9;
	s0 =	simm.s32 @!p0 $0x0  }
0x12: {  	s1 =	sld [smem:$0x3F8C];
	s0 =	simm.s32 @p0 $0x1  }
0x13: {  	[smem:$0x3FA7] =	sst s0;
	s0 =	simm.s32 @!p1 $0x0  }
0x14: {  	s2 =	sld [smem:$0x3F8B];
	s0 =	simm.s32 @p1 $0x1  }
0x15: {  	[smem:$0x3FA8] =	sst s0;
	s0 =	simm.s32 @!p2 $0x0  }
0x16: {  	s3 =	sld [smem:$0x3FDB];
	s0 =	simm.s32 @p2 $0x1  }
0x17: {  	s4 =	simm.s32 $0x1BF5;
	[smem:$0x3FAA] =	sst s0  }
0x18: {  	s0 =	sld [smem:$0x3F8D];
	_ =	swait.ge [sflag:s4], $0x0  }
0x19: {  	s7 =	sld [smem:$0x3F8E]  }
0x1a: {  	s8 =	sadd.s32 $0xFFFFE003, lr  }
0x1b: {  	s9 =	sadd.s32 $0xFFFFFEF7, lr;
	s5 =	simm.s32 $0xFFFFFFFF;
	p2 =	slt.u32 s8, $0xFFFFF086  }
0x1c: {  	p1 =	slt.u32 s9, $0xF7A;
	s5 =	simm.s32 @!p2 $0x0  }
0x1d: {  	s5 =	simm.s32 @p1 $0x1;
	p0 =	seq.s32 s7, s2  }
0x1e: {  	s7 =	smul.u32 @!p0 $0xF7A, s2;
	p2 =	seq.s32 @!p0 s5, $0x0  }
0x1f: {  	s9 =	smul.u32 $0xF7A, s1;
	s8 =	simm.s32 @!p0 $0x1BF5;
	p2 =	por !p2, p0  }
0x20: {  	[sflag:s8] =	ssyncset.s32 @!p0 $0xFFFFF086;
	s6 =	sadd.s32 @!p0 s3, s7;
	s7 =	simm.s32 @!p0 $0x108  }
0x21: {  	s3 =	sadd.s32 s3, s9;
	s6 =	sadd.s32 @!p0 $0x88, s6;
	s7 =	simm.s32 @p2 $0x1082  }
0x22: {  	[simem:s7], [sflag:s8] =	dma.local @!p0 [hbm:s6], $0xF7A  }
0x23: {  	s9 =	sor.u32 $0xD0000000, s2;
	s6 =	simm.s32 $0x108;
	_ =	swait.ge @!p0 [sflag:s8], $0x0  }
0x24: {  	s3 =	sadd.s32 $0x88, s3;
	s6 =	simm.s32 @!p1 $0x1082;
	[sflag:s4] =	ssyncset.s32 $0xFFFFF086  }
0x25: {  	[simem:s6], [sflag:s4] =	dma.local [hbm:s3], $0xF7A  }
0x26: {  	[smem:$0x3F8E] =	sst s1;
	(tag) =	ssettag s2;
	_ =	strace s9  }
0x27: {  	s1 =	sld [smem:$0x3F9E]  }
0x28: {  	s2 =	sld [smem:$0x3F9F]  }
0x29: {  	s4 =	sld [smem:$0x3FA1]  }
0x2a: {  	p0 =	seq.s32 s5, $0x0;
	s5 =	sld [smem:$0x3FA2]  }
0x2b: {  	s6 =	sld [smem:$0x3FA3]  }
0x2c: {  	s7 =	sld [smem:$0x3FA4]  }
0x2d: {  	s3 =	simm.s32 $0x108;
	s8 =	sld [smem:$0x3FA5]  }
0x2e: {  	s3 =	simm.s32 @!p0 $0x1082;
	s9 =	sld [smem:$0x3FA6]  }
0x2f: {  	lr =	sadd.s32 s0, s3;
	s0 =	sld [smem:$0x3F9D]  }
0x30: {  	s3 =	sld [smem:$0x3FA0]  }
0x31: {  	[smem:$0x3FA9] =	sst s10  }
0x32: {  	s10 =	sld [smem:$0x3FA7];
	_ =	sdelay $0x3  }
0x33: {  	p0 =	seq.s32 s10, $0x1;
	s10 =	sld [smem:$0x3FA9];
	_ =	sdelay $0x3  }
0x34: {  	[smem:$0x3FA9] =	sst s10  }
0x35: {  	s10 =	sld [smem:$0x3FA8];
	_ =	sdelay $0x3  }
0x36: {  	p1 =	seq.s32 s10, $0x1;
	s10 =	sld [smem:$0x3FA9];
	_ =	sdelay $0x3  }
0x37: {  	[smem:$0x3FA9] =	sst s10  }
0x38: {  	s10 =	sld [smem:$0x3FAA]  }
0x39: {  	_ = 	snop;
	(pc) =	sbr.ind lr, $3  }
0x3a: {  	_ = 	snop  }
0x3b: {  	_ = 	snop  }
0x3c: {  	p2 =	seq.s32 s10, $0x1;
	s10 =	sld [smem:$0x3FA9]  }
0x3d: {  	_ =	shalt  }
0x3e: {  	_ =	shalt  }
0x3f: {  	_ =	shalt  }
0x40: {  	_ =	shalt  }
0x41: {  	_ =	shalt  }
0x42: {  	_ =	shalt  }
0x43: {  	_ =	shalt  }
0x44: {  	_ =	shalt  }
0x45: {  	_ =	shalt  }
0x46: {  	_ =	shalt  }
0x47: {  	_ =	shalt  }
0x48: {  	_ =	shalt  }
0x49: {  	_ =	shalt  }
0x4a: {  	_ =	shalt  }
0x4b: {  	_ =	shalt  }
0x4c: {  	_ =	shalt  }
0x4d: {  	_ =	shalt  }
0x4e: {  	_ =	shalt  }
0x4f: {  	_ =	shalt  }
0x50: {  	_ =	shalt  }
0x51: {  	_ =	shalt  }
0x52: {  	_ =	shalt  }
0x53: {  	_ =	shalt  }
0x54: {  	_ =	shalt  }
0x55: {  	_ =	shalt  }
0x56: {  	_ =	shalt  }
0x57: {  	_ =	shalt  }
0x58: {  	_ =	shalt  }
0x59: {  	_ =	shalt  }
0x5a: {  	_ =	shalt  }
0x5b: {  	_ =	shalt  }
0x5c: {  	_ =	shalt  }
0x5d: {  	_ =	shalt  }
0x5e: {  	_ =	shalt  }
0x5f: {  	_ =	shalt  }
0x60: {  	_ =	shalt  }
0x61: {  	_ =	shalt  }
0x62: {  	_ =	shalt  }
0x63: {  	_ =	shalt  }
0x64: {  	_ =	shalt  }
0x65: {  	_ =	shalt  }
0x66: {  	_ =	shalt  }
0x67: {  	_ =	shalt  }
0x68: {  	_ =	shalt  }
0x69: {  	_ =	shalt  }
0x6a: {  	_ =	shalt  }
0x6b: {  	_ =	shalt  }
0x6c: {  	_ =	shalt  }
0x6d: {  	_ =	shalt  }
0x6e: {  	_ =	shalt  }
0x6f: {  	_ =	shalt  }
0x70: {  	_ =	shalt  }
0x71: {  	_ =	shalt  }
0x72: {  	_ =	shalt  }
0x73: {  	_ =	shalt  }
0x74: {  	_ =	shalt  }
0x75: {  	_ =	shalt  }
0x76: {  	_ =	shalt  }
0x77: {  	_ =	shalt  }
0x78: {  	_ =	shalt  }
0x79: {  	_ =	shalt  }
0x7a: {  	_ =	shalt  }
0x7b: {  	_ =	shalt  }
0x7c: {  	_ =	shalt  }
0x7d: {  	_ =	shalt  }
0x7e: {  	_ =	shalt  }
0x7f: {  	_ =	shalt  }
0x80: {  	_ =	shalt  }
0x81: {  	_ =	shalt  }
0x82: {  	_ =	shalt  }
0x83: {  	_ =	shalt  }
0x84: {  	_ =	shalt  }
0x85: {  	_ =	shalt  }
0x86: {  	_ =	shalt  }
0x87: {  	_ =	shalt  }
.Lfunc_end0:
.L_simem_size_0:
called_computation_lowered:
.L_overlay_start_0:
0x88: {  	s2 =	sld [smem:$0x3FD9]  }
0x89: {  	s3 =	sld [smem:$0x3FFE];
	_ =	sdelay $0x1  }
0x8a: {  	s1 =	srdreg.scid  }
0x8b: {  	s0 =	sand.u32 $0x1, s1  }
0x8c: {  	s17 =	sshll.u32 s0, $0xA;
	s2 =	sadd.s32 s3, s2  }
0x8d: {  	s2 =	sadd.s32 s2, s17  }
0x8e: {  	[smem:$0x3FB5] =	sst s2  }
0x8f: {  	_ = 	snop  }
0x90: {  	s2 =	sld [smem:$0x3FD0];
	(tm) =	ssettm $0x1  }
0x91: {  	s18 =	sld [smem:$0x3FFB];
	_ =	sdelay $0x3  }
0x92: {  	_ =	strace s18  }
0x93: {  	s3 =	sld [smem:$0x3FFC];
	_ =	sdelay $0x3  }
0x94: {  	_ =	strace s3  }
0x95: {  	s3 =	sld [smem:$0x3FFD];
	_ =	sdelay $0x3  }
0x96: {  	_ =	strace s3  }
0x97: {  	_ =	strace $0x8FFFFFFF  }
0x98: {  	s19 =	sld [smem:$0x3FDB];
	_ =	sdelay $0x1  }
0x99: {  	s4 =	simm.s32 $_scs_section_size  }
0x9a: {  	s5 =	simm.s32 $_size__tile_overlayer_lowered;
	s6 =	simm.s32 $_tile_overlayer_lowered  }
0x9b: {  	s22 =	simm.s32 $0x1BFF;
	s21 =	sshll.u32 s6, $0x1;
	s3 =	sadd.s32 s4, s19  }
0x9c: {  	s7 =	simm.s32 $0x0;
	s20 =	sshll.u32 s5, $0x1;
	s5 =	sadd.s32 s21, s3  }
0x9d: {  	[timem:s7], [sflag:s22] =	dma.local [hbm:s5], s20  }
0x9e: {  	_ =	swait.ge [sflag:s22], s20  }
0x9f: {  	s4 =	ssub.s32 $0x0, s20;
	[sflag:s22] =	ssyncset.done $0x0  }
0xa0: {  	[sflag:s22] =	ssyncadd.s32 s4;
	_ =	sdelay $0x1  }
0xa1: {  	s23 =	simm.s32 $0x1B8B  }
0xa2: {  	_ =	swait.ge [sflag:s23], $0x1  }
0xa3: {  	[sflag:s23] =	ssyncset.done $0x0  }
0xa4: {  	s25 =	simm.s32 $0x1B8E;
	s24 =	sld [smem:$0x3FFE];
	[sflag:s23] =	ssyncadd.s32 $0xFFFFFFFF  }
0xa5: {  	s26 =	simm.s32 $execute0_lowered;
	[smem:$0x3FD2] =	sst s25  }
0xa6: {  	s5 =	sshll.u32 s26, $0x1;
	_ =	strace $0x80000046;
	[dreg:$0x1] =	wrdreg $0xFFFFFFFF  }
0xa7: {  	s28 =	simm.s32 $_size_execute0_lowered;
	s3 =	sadd.s32 s3, s5;
	[dreg:$0x0] =	wrdreg $0x0  }
0xa8: {  	s5 =	sshll.u32 s28, $0x1;
	[dreg:$0x2] =	wrdreg s3  }
0xa9: {  	[dreg:$0x3] =	wrdreg s5  }
0xaa: {  	[dreg:$0x4] =	wrdreg $0xC0  }
0xab: {  	_ =	task [dreg:s7], $0x5FFFF  }
0xac: {  	[dreg:$0x1] =	wrdreg $0xFFFFFFFF  }
0xad: {  	[dreg:$0x0] =	wrdreg $0x60  }
0xae: {  	[dreg:$0x2] =	wrdreg s24  }
0xaf: {  	[dreg:$0x3] =	wrdreg s2  }
0xb0: {  	[dreg:$0x4] =	wrdreg $0x29400  }
0xb1: {  	[dreg:$0x5] =	wrdreg $0xCA800  }
0xb2: {  	[dreg:$0x6] =	wrdreg $0x9  }
0xb3: {  	_ =	task.clear_ibuf [dreg:s7], $0x7FFFF;
	_ =	strace $0x90000046  }
0xb4: {  	s29 =	simm.s32 $0x9;
	_ =	strace $0x80000048  }
0xb5: {  	_ =	swait.ge [sflag:s29], $0x1  }
0xb6: {  	[sflag:s29] =	ssyncadd.s32 $0xFFFFFFFF  }
0xb7: {  	_ =	strace $0x90000048  }
0xb8: {  	_ =	sfence  }
0xb9: {  	s30 =	sld [smem:$0x0];
	_ =	sdelay $0x2  }
0xba: {  	s31 =	sshll.u32 s1, $0xD;
	s1 =	sshrl.u32 s1, $0x2  }
0xbb: {  	s3 =	sand.u32 $0x4000, s31;
	s1 =	sadd.s32 s1, s30  }
0xbc: {  	s0 =	sor.u32 s3, s0;
	s1 =	sshll.u32 s1, $0x11  }
0xbd: {  	s0 =	sor.u32 s1, s0  }
0xbe: {  	s0 =	sadd.s32 $0x8F2B, s0  }
0xbf: {  	[sflag:s0] =	ssyncadd.remote.s32 $0x1  }
0xc0: {  	_ =	sfence.sel $0xFFFF  }
0xc1: {  	[dreg:$0x0] =	wrdreg $0xFFFFFFFF;
	(pc) =	sbr.abs _section_cstart, $3  }
0xc2: {  	[dreg:$0x1] =	wrdreg $0xFFFFFFFF  }
0xc3: {  	_ =	task.clear_ibuf [dreg:s7], $0x2FFFF;
	_ =	strace $0x9FFFFFFF  }
0xc4: {  	(tm) =	ssettm $0x7FFFFFFF  }
0xc5: {  	_ =	shalt  }
tec
execute0_lowered:
.L_overlay_start_1:
0x0: {  	(tag) =	ssettag $0x1  }
0x1: {  	s0 =	rddreg [dreg:$0x0]  }
0x2: {  	s2 =	rddreg [dreg:$0x2]  }
0x3: {  	s4 =	rddreg [dreg:$0x3];
	s5 =	simm.s32 $0x0;
	s17 =	stileid.u32  }
0x4: {  	s10 =	srdreg.scid;
	s30 =	simm.s32 $0xC580;
	s31 =	simm.s32 $0x3  }
0x5: {  	[smem:$0x7FF] =	sst s5;
	s1 =	smul.u32 $0x9C00, s17;
	s6 =	sadd.s32 $0x3A00, s0  }
0x6: {  	s7 =	sadd.s32 $0x17400, s0;
	s3 =	smul.u32 $0x2700, s17;
	s8 =	sadd.s32 $0x21400, s0  }
0x7: {  	s10 =	sand.u32 $0x1, s10;
	s12 =	sadd.s32 $0x43E00, s0;
	s14 =	sadd.s32 $0x6B000, s0  }
0x8: {  	s16 =	sshll.u32 s17, $0x1;
	s21 =	sadd.s32 $0x3D880, s0;
	p0 =	seq.s32 s17, $0xF  }
0x9: {  	s28 =	sadd.s32 $0x92400, s2;
	s29 =	sadd.s32 $0x24900, s4;
	s22 =	smul.u32 $0x9C400, s10  }
0xa: {  	_ =	strace $0x80000047;
	s13 =	ssub.s32 $0x2, s10;
	s24 =	smul.u32 $0x27100, s10  }
0xb: {  	s26 =	sor.u32 s10, s16;
	[dreg:$0x9] =	wrdreg s21;
	s10 =	smul.u32 $0x27B0, s10  }
0xc: {  	s9 =	sshrl.u32 s1, $0x3;
	s11 =	sshrl.u32 s3, $0x3;
	s15 =	sshrl.u32 s13, $0x1  }
0xd: {  	s18 =	sadd.s32 s1, s2;
	s19 =	sadd.s32 s3, s4;
	s20 =	smul.u32 $0x27B0, s26  }
0xe: {  	s26 =	smul.u32 $0x4F60, s17;
	s9 =	sadd.s32 s9, s0;
	[dreg:$0x5] =	wrdreg s18  }
0xf: {  	s11 =	sadd.s32 s11, s0;
	s13 =	ssub.s32 s13, s15;
	[dreg:$0x7] =	wrdreg s19  }
0x10: {  	s0 =	sadd.s32 $0x43720, s0;
	s1 =	sadd.s32 s1, s22;
	s3 =	sadd.s32 s3, s24  }
0x11: {  	s9 =	sadd.s32 $0x2B400, s9;
	s11 =	sadd.s32 $0x3EE00, s11;
	[dreg:$0xa] =	wrdreg s0  }
0x12: {  	s23 =	sshrl.u32 s20, $0x3;
	s1 =	sshrl.u32 s1, $0x3;
	s10 =	sadd.s32 s10, s26  }
0x13: {  	s3 =	sshrl.u32 s3, $0x3;
	s26 =	smax.u32 s13, $0x1;
	[dreg:$0x6] =	wrdreg s9  }
0x14: {  	s13 =	simm.s32 $0x0;
	[dreg:$0x8] =	wrdreg s11;
	s25 =	sadd.s32 s7, s23  }
0x15: {  	s11 =	sshrl.u32 s22, $0x3;
	s1 =	sadd.s32 s12, s1;
	s18 =	sadd.s32 s8, s23  }
0x16: {  	s0 =	sadd.s32 $0xA, s23;
	s9 =	sshrl.u32 s24, $0x3;
	[dreg:$0x13] =	wrdreg s26  }
0x17: {  	s3 =	sadd.s32 s14, s3;
	s21 =	sadd.s32 $0xF0, s10;
	[dreg:$0xb] =	wrdreg s25  }
0x18: {  	s26 =	sadd.s32 $0xA0, s10;
	s10 =	simm.s32 $0x1;
	[dreg:$0xc] =	wrdreg s1  }
0x19: {  	s16 =	sadd.s32 s12, s11;
	[dreg:$0xd] =	wrdreg s18;
	s19 =	sadd.s32 s7, s0  }
0x1a: {  	[dreg:$0xf] =	wrdreg s3;
	s20 =	sadd.s32 s14, s9;
	s0 =	sadd.s32 s8, s0  }
0x1b: {  	s23 =	sshrl.u32 s21, $0x3;
	s1 =	simm.s32 $0x50;
	s3 =	simm.s32 $0xF0  }
0x1c: {  	s9 =	simm.s32 $0x140;
	s11 =	simm.s32 $0x2;
	[dreg:$0xe] =	wrdreg s19  }
0x1d: {  	s12 =	simm.s32 $0x1540;
	[dreg:$0x10] =	wrdreg s0;
	s22 =	sadd.s32 $0x12480, s16  }
0x1e: {  	s25 =	sadd.s32 $0x4920, s20;
	s24 =	sadd.s32 s23, s8;
	[dreg:$0x11] =	wrdreg s22  }
0x1f: {  	s0 =	simm.s32 $0xA0;
	[dreg:$0x12] =	wrdreg s25;
	s25 =	sadd.s32 s23, s7  }
.LBB2_1:
0x20: {  	s15 =	sshrl.u32 @p0 s28, $0x3  }
0x21: {  	s14 =	simm.s32 @p0 $0x1FC3;
	s16 =	rddreg [dreg:$0x9];
	s17 =	simm.s32 @p0 $0x3  }
0x22: {  	[spmem:s15], [sflag:s14] =	dma.local @p0 [hbm:s16], $0x1400  }
0x23: {  	_ =	swait.ge @p0 [sflag:s17], $0x1400  }
0x24: {  	[sflag:s17] =	ssyncset.done @p0 $0x0  }
0x25: {  	s16 =	sshrl.u32 @p0 s29, $0x3;
	s18 =	rddreg [dreg:$0xa];
	[sflag:s17] =	ssyncadd.s32 @p0 $0xFFFFEC00  }
0x26: {  	[spmem:s16], [sflag:s14] =	dma.local @p0 [hbm:s18], $0x500  }
0x27: {  	_ =	swait.ge @p0 [sflag:s17], $0x500  }
0x28: {  	s19 =	simm.s32 @!p0 $0x3;
	s14 =	stileid.u32;
	[sflag:s17] =	ssyncset.done @p0 $0x0  }
0x29: {  	s14 =	sshll.u32 @!p0 s14, $0x6;
	[sflag:s17] =	ssyncadd.s32 @p0 $0xFFFFFB00;
	s17 =	rddreg [dreg:$0x5]  }
0x2a: {  	s14 =	sor.u32 @!p0 $0x1C03, s14;
	s18 =	rddreg [dreg:$0x6];
	s17 =	sshrl.u32 @!p0 s17, $0x3  }
0x2b: {  	[spmem:s17], [sflag:s14] =	dma.local @!p0 [hbm:s18], $0x1380  }
0x2c: {  	_ =	swait.ge @!p0 [sflag:s19], $0x1380  }
0x2d: {  	[sflag:s19] =	ssyncset.done @!p0 $0x0;
	s18 =	rddreg [dreg:$0x7]  }
0x2e: {  	s20 =	rddreg [dreg:$0x8];
	[sflag:s19] =	ssyncadd.s32 @!p0 $0xFFFFEC80;
	s18 =	sshrl.u32 @!p0 s18, $0x3  }
0x2f: {  	[spmem:s18], [sflag:s14] =	dma.local @!p0 [hbm:s20], $0x4E0  }
0x30: {  	_ =	swait.ge @!p0 [sflag:s19], $0x4E0  }
0x31: {  	[sflag:s19] =	ssyncset.done @!p0 $0x0  }
0x32: {  	[sflag:s19] =	ssyncadd.s32 @!p0 $0xFFFFFB20  }
0x33: {  	s19 =	rddreg [dreg:$0x1]  }
0x34: {  	[tilespmem:s30], [sflag:$0x3] =	stream.linear.gather [hbm4b:s19+s5], $0x500, $0x38;
	[tilespmem:$0xF190] =	vst v63  }
0x35: {  	_ =	swait.ge [sflag:s31], $0x500  }
0x36: {  	[sflag:s31] =	ssyncset.done $0x0  }
0x37: {  	[sflag:s31] =	ssyncadd.s32 $0xFFFFFB00  }
0x38: {  	[bflag:$0x0] =	sbarrier.arrive $0xFFFF  }
0x39: {  	s21 =	rddreg [dreg:$0xb]  }
0x3a: {  	[tilespmem:s5], [sflag:$0x3] =	stream.linear.gather [hbm4b:s21+s5], $0x50, $0x38;
	[tilespmem:$0xF190] =	vst v63  }
0x3b: {  	_ =	swait.ge [sflag:s31], $0x50  }
0x3c: {  	[sflag:s31] =	ssyncset.done $0x0  }
0x3d: {  	s22 =	rddreg [dreg:$0xd];
	[sflag:s31] =	ssyncadd.s32 $0xFFFFFFB0  }
0x3e: {  	[tilespmem:s0], [sflag:$0x3] =	stream.linear.gather [hbm4b:s22+s5], $0x50, $0x38;
	[tilespmem:$0xF190] =	vst v63  }
0x3f: {  	_ =	swait.ge [sflag:s31], $0x50  }
0x40: {  	[sflag:s31] =	ssyncset.done $0x0  }
0x41: {  	s23 =	rddreg [dreg:$0xe];
	[sflag:s31] =	ssyncadd.s32 $0xFFFFFFB0  }
0x42: {  	[tilespmem:s1], [sflag:$0x2] =	stream.linear.gather [hbm4b:s23+s5], $0x50, $0x38;
	[tilespmem:$0xF190] =	vst v63  }
0x43: {  	s20 =	rddreg [dreg:$0x10]  }
0x44: {  	[tilespmem:s3], [sflag:$0x2] =	stream.linear.gather [hbm4b:s20+s5], $0x50, $0x38;
	[tilespmem:$0xF190] =	vst v63  }
0x45: {  	_ = 	snop  }
0x46: {  	[tilespmem:s9], [sflag:$0x1] =	stream.indirect.gather [hbm4b:s6+s1], $0x40, s5, s1, $0xb8;
	[tilespmem:$0xF190] =	vst v63  }
0x47: {  	_ =	swait.ge [sflag:s10], $0x1400  }
0x48: {  	[sflag:s10] =	ssyncset.done $0x0  }
0x49: {  	[sflag:s10] =	ssyncadd.s32 $0xFFFFEC00  }
0x4a: {  	_ =	swait.ge [sflag:s11], $0x50  }
0x4b: {  	[sflag:s11] =	ssyncset.done $0x0  }
0x4c: {  	[sflag:s11] =	ssyncadd.s32 $0xFFFFFFB0  }
0x4d: {  	_ =	swait.ge [sflag:s11], $0x50  }
0x4e: {  	[sflag:s11] =	ssyncset.done $0x0  }
0x4f: {  	[sflag:s11] =	ssyncadd.s32 $0xFFFFFFB0  }
0x50: {  	[tilespmem:s12], [sflag:$0x1] =	stream.indirect.gather [hbm4b:s6+s1], $0x40, s1, s1, $0xb8;
	[tilespmem:$0xF190] =	vst v63  }
0x51: {  	_ = 	snop  }
0x52: {  	[spmem:s4] =	stream.indirect.scatter.add.f32 [tilespmem:s30], [sflag:$0x3], $0x10, s0, s1, $0xb8;
	[tilespmem:$0xF190] =	vst v63  }
0x53: {  	_ =	swait.ge [sflag:s31], $0x500  }
0x54: {  	[sflag:s31] =	ssyncset.done $0x0  }
0x55: {  	[sflag:s31] =	ssyncadd.s32 $0xFFFFFB00  }
0x56: {  	[spmem:s2] =	stream.indirect.scatter.add.f32 [tilespmem:s9], [sflag:$0x3], $0x40, s0, s1, $0xb8;
	[tilespmem:$0xF190] =	vst v63  }
0x57: {  	_ =	swait.ge [sflag:s31], $0x1400  }
0x58: {  	s21 =	sshrl.u32 s26, $0x3;
	[sflag:s31] =	ssyncset.done $0x0  }
0x59: {  	s22 =	sadd.s32 s7, s21;
	[sflag:s31] =	ssyncadd.s32 $0xFFFFEC00  }
0x5a: {  	[tilespmem:s5], [sflag:$0x2] =	stream.linear.gather [hbm4b:s22+s5], $0x50, $0x38;
	[tilespmem:$0xF190] =	vst v63  }
0x5b: {  	s19 =	sadd.s32 s8, s21  }
0x5c: {  	[tilespmem:s0], [sflag:$0x2] =	stream.linear.gather [hbm4b:s19+s5], $0x50, $0x38;
	[tilespmem:$0xF190] =	vst v63  }
0x5d: {  	_ =	swait.ge [sflag:s10], $0x1400  }
0x5e: {  	[sflag:s10] =	ssyncset.done $0x0  }
0x5f: {  	[sflag:s10] =	ssyncadd.s32 $0xFFFFEC00  }
0x60: {  	_ =	swait.ge [sflag:s11], $0x50  }
0x61: {  	[sflag:s11] =	ssyncset.done $0x0  }
0x62: {  	[sflag:s11] =	ssyncadd.s32 $0xFFFFFFB0  }
0x63: {  	_ =	swait.ge [sflag:s11], $0x50  }
0x64: {  	[sflag:s11] =	ssyncset.done $0x0  }
0x65: {  	[sflag:s11] =	ssyncadd.s32 $0xFFFFFFB0  }
0x66: {  	[tilespmem:s9], [sflag:$0x1] =	stream.indirect.gather [hbm4b:s6+s1], $0x40, s5, s1, $0xb8;
	[tilespmem:$0xF190] =	vst v63  }
0x67: {  	_ = 	snop  }
0x68: {  	[spmem:s4] =	stream.indirect.scatter.add.f32 [tilespmem:s30], [sflag:$0x3], $0x10, s3, s1, $0xb8;
	[tilespmem:$0xF190] =	vst v63  }
0x69: {  	_ =	swait.ge [sflag:s31], $0x500  }
0x6a: {  	[sflag:s31] =	ssyncset.done $0x0  }
0x6b: {  	[sflag:s31] =	ssyncadd.s32 $0xFFFFFB00  }
0x6c: {  	[spmem:s2] =	stream.indirect.scatter.add.f32 [tilespmem:s12], [sflag:$0x3], $0x40, s3, s1, $0xb8;
	[tilespmem:$0xF190] =	vst v63  }
0x6d: {  	_ =	swait.ge [sflag:s31], $0x1400  }
0x6e: {  	s21 =	sadd.s32 $0x0, s24;
	s23 =	sadd.s32 $0x0, s25;
	[sflag:s31] =	ssyncset.done $0x0  }
0x6f: {  	s20 =	sadd.s32 $0xA0, s26;
	s19 =	simm.s32 $0x14;
	[sflag:s31] =	ssyncadd.s32 $0xFFFFEC00  }
0x70: {  	[tilespmem:s1], [sflag:$0x2] =	stream.linear.gather [hbm4b:s23+s5], $0x50, $0x38;
	[tilespmem:$0xF190] =	vst v63  }
.LBB2_2:
0x71: {  	[tilespmem:s3], [sflag:$0x2] =	stream.linear.gather [hbm4b:s21+s5], $0x50, $0x38;
	[tilespmem:$0xF190] =	vst v63  }
0x72: {  	s21 =	smov.u32 s19  }
0x73: {  	p1 =	sne.s32 s19, $0x4C4;
	s19 =	sadd.s32 $0x14, s19;
	_ =	swait.ge [sflag:s10], $0x1400  }
0x74: {  	[sflag:s10] =	ssyncset.done $0x0  }
0x75: {  	[sflag:s10] =	ssyncadd.s32 $0xFFFFEC00  }
0x76: {  	_ =	swait.ge [sflag:s11], $0x50  }
0x77: {  	[sflag:s11] =	ssyncset.done $0x0  }
0x78: {  	[sflag:s11] =	ssyncadd.s32 $0xFFFFFFB0  }
0x79: {  	_ =	swait.ge [sflag:s11], $0x50  }
0x7a: {  	[sflag:s11] =	ssyncset.done $0x0  }
0x7b: {  	[sflag:s11] =	ssyncadd.s32 $0xFFFFFFB0  }
0x7c: {  	[tilespmem:s12], [sflag:$0x1] =	stream.indirect.gather [hbm4b:s6+s1], $0x40, s1, s1, $0xb8;
	[tilespmem:$0xF190] =	vst v63  }
0x7d: {  	_ = 	snop  }
0x7e: {  	[spmem:s4] =	stream.indirect.scatter.add.f32 [tilespmem:s30], [sflag:$0x3], $0x10, s0, s1, $0xb8;
	[tilespmem:$0xF190] =	vst v63  }
0x7f: {  	_ =	swait.ge [sflag:s31], $0x500  }
0x80: {  	[sflag:s31] =	ssyncset.done $0x0  }
0x81: {  	[sflag:s31] =	ssyncadd.s32 $0xFFFFFB00  }
0x82: {  	[spmem:s2] =	stream.indirect.scatter.add.f32 [tilespmem:s9], [sflag:$0x3], $0x40, s0, s1, $0xb8;
	[tilespmem:$0xF190] =	vst v63  }
0x83: {  	_ =	swait.ge [sflag:s31], $0x1400  }
0x84: {  	s22 =	sshrl.u32 s20, $0x3;
	[sflag:s31] =	ssyncset.done $0x0  }
0x85: {  	s23 =	sadd.s32 s7, s22;
	[sflag:s31] =	ssyncadd.s32 $0xFFFFEC00  }
0x86: {  	[tilespmem:s5], [sflag:$0x2] =	stream.linear.gather [hbm4b:s23+s5], $0x50, $0x38;
	[tilespmem:$0xF190] =	vst v63  }
0x87: {  	s22 =	sadd.s32 s8, s22  }
0x88: {  	[tilespmem:s0], [sflag:$0x2] =	stream.linear.gather [hbm4b:s22+s5], $0x50, $0x38;
	[tilespmem:$0xF190] =	vst v63  }
0x89: {  	_ =	swait.ge [sflag:s10], $0x1400  }
0x8a: {  	[sflag:s10] =	ssyncset.done $0x0  }
0x8b: {  	[sflag:s10] =	ssyncadd.s32 $0xFFFFEC00  }
0x8c: {  	_ =	swait.ge [sflag:s11], $0x50  }
0x8d: {  	[sflag:s11] =	ssyncset.done $0x0  }
0x8e: {  	[sflag:s11] =	ssyncadd.s32 $0xFFFFFFB0  }
0x8f: {  	_ =	swait.ge [sflag:s11], $0x50  }
0x90: {  	[sflag:s11] =	ssyncset.done $0x0  }
0x91: {  	[sflag:s11] =	ssyncadd.s32 $0xFFFFFFB0  }
0x92: {  	[tilespmem:s9], [sflag:$0x1] =	stream.indirect.gather [hbm4b:s6+s1], $0x40, s5, s1, $0xb8;
	[tilespmem:$0xF190] =	vst v63  }
0x93: {  	_ = 	snop  }
0x94: {  	[spmem:s4] =	stream.indirect.scatter.add.f32 [tilespmem:s30], [sflag:$0x3], $0x10, s3, s1, $0xb8;
	[tilespmem:$0xF190] =	vst v63  }
0x95: {  	_ =	swait.ge [sflag:s31], $0x500  }
0x96: {  	[sflag:s31] =	ssyncset.done $0x0  }
0x97: {  	[sflag:s31] =	ssyncadd.s32 $0xFFFFFB00  }
0x98: {  	[spmem:s2] =	stream.indirect.scatter.add.f32 [tilespmem:s12], [sflag:$0x3], $0x40, s3, s1, $0xb8;
	[tilespmem:$0xF190] =	vst v63  }
.Ltmp0:
0x99: {  	_ =	swait.ge [sflag:s31], $0x1400;
	(pc) =	sbr.rel @p1 .LBB2_2-.Ltmp0, $4  }
0x9a: {  	[sflag:s31] =	ssyncset.done $0x0  }
0x9b: {  	s22 =	sadd.s32 s21, s25;
	[sflag:s31] =	ssyncadd.s32 $0xFFFFEC00  }
0x9c: {  	[tilespmem:s1], [sflag:$0x2] =	stream.linear.gather [hbm4b:s22+s5], $0x50, $0x38;
	[tilespmem:$0xF190] =	vst v63  }
0x9d: {  	s20 =	sadd.s32 $0xA0, s20;
	s21 =	sadd.s32 s21, s24  }
0x9e: {  	[tilespmem:s3], [sflag:$0x2] =	stream.linear.gather [hbm4b:s21+s5], $0x50, $0x38;
	[tilespmem:$0xF190] =	vst v63  }
0x9f: {  	_ =	swait.ge [sflag:s10], $0x1400  }
0xa0: {  	[sflag:s10] =	ssyncset.done $0x0  }
0xa1: {  	[sflag:s10] =	ssyncadd.s32 $0xFFFFEC00  }
0xa2: {  	[spmem:s4] =	stream.indirect.scatter.add.f32 [tilespmem:s30], [sflag:$0x3], $0x10, s0, s1, $0xb8;
	[tilespmem:$0xF190] =	vst v63  }
0xa3: {  	_ =	swait.ge [sflag:s31], $0x500  }
0xa4: {  	[sflag:s31] =	ssyncset.done $0x0  }
0xa5: {  	[sflag:s31] =	ssyncadd.s32 $0xFFFFFB00  }
0xa6: {  	[spmem:s2] =	stream.indirect.scatter.add.f32 [tilespmem:s9], [sflag:$0x3], $0x40, s0, s1, $0xb8;
	[tilespmem:$0xF190] =	vst v63  }
0xa7: {  	_ =	swait.ge [sflag:s31], $0x1400  }
0xa8: {  	[sflag:s31] =	ssyncset.done $0x0  }
0xa9: {  	[sflag:s31] =	ssyncadd.s32 $0xFFFFEC00  }
0xaa: {  	_ =	swait.ge [sflag:s11], $0x50  }
0xab: {  	[sflag:s11] =	ssyncset.done $0x0  }
0xac: {  	[sflag:s11] =	ssyncadd.s32 $0xFFFFFFB0  }
0xad: {  	_ =	swait.ge [sflag:s11], $0x50  }
0xae: {  	[sflag:s11] =	ssyncset.done $0x0  }
0xaf: {  	[sflag:s11] =	ssyncadd.s32 $0xFFFFFFB0  }
0xb0: {  	[bflag:$0x0] =	sbarrier.arrive $0xFFFF  }
0xb1: {  	s19 =	simm.s32 @p0 $0x1FC3;
	s20 =	rddreg [dreg:$0x11]  }
0xb2: {  	[hbm:s20], [sflag:s19] =	dma.local @p0 [spmem:s15], $0x1400  }
0xb3: {  	s15 =	simm.s32 @p0 $0x3  }
0xb4: {  	_ =	swait.ge @p0 [sflag:s15], $0x1400  }
0xb5: {  	[sflag:s15] =	ssyncset.done @p0 $0x0  }
0xb6: {  	s20 =	rddreg [dreg:$0x12];
	[sflag:s15] =	ssyncadd.s32 @p0 $0xFFFFEC00  }
0xb7: {  	[hbm:s20], [sflag:s19] =	dma.local @p0 [spmem:s16], $0x500  }
0xb8: {  	_ =	swait.ge @p0 [sflag:s15], $0x500  }
0xb9: {  	[sflag:s15] =	ssyncset.done @p0 $0x0  }
0xba: {  	[sflag:s15] =	ssyncadd.s32 @p0 $0xFFFFFB00;
	s15 =	rddreg [dreg:$0xc]  }
0xbb: {  	[hbm:s15], [sflag:s14] =	dma.local @!p0 [spmem:s17], $0x1380  }
0xbc: {  	s15 =	simm.s32 @!p0 $0x3  }
0xbd: {  	_ =	swait.ge @!p0 [sflag:s15], $0x1380  }
0xbe: {  	[sflag:s15] =	ssyncset.done @!p0 $0x0  }
0xbf: {  	s16 =	rddreg [dreg:$0xf];
	[sflag:s15] =	ssyncadd.s32 @!p0 $0xFFFFEC80  }
0xc0: {  	[hbm:s16], [sflag:s14] =	dma.local @!p0 [spmem:s18], $0x4E0  }
0xc1: {  	_ =	swait.ge @!p0 [sflag:s15], $0x4E0  }
0xc2: {  	s13 =	sadd.s32 $0x1, s13;
	s23 =	rddreg [dreg:$0x13]  }
0xc3: {  	p1 =	sne.s32 s13, s23  }
.Ltmp1:
0xc4: {  	_ = 	snop;
	(pc) =	sbr.rel @p1 .LBB2_1-.Ltmp1, $3  }
0xc5: {  	_ =	sdelay $0x1  }
0xc6: {  	[sflag:s15] =	ssyncset.done @!p0 $0x0  }
0xc7: {  	[sflag:s15] =	ssyncadd.s32 @!p0 $0xFFFFFB20  }
0xc8: {  	_ =	sfence.sel $0x180000  }
0xc9: {  	[bflag:$0x0] =	sbarrier.arrive $0xFFFF  }
0xca: {  	_ =	strace $0x90000047  }
0xcb: {  	s0 =	stileid.u32;
	[bflag:$0x2] =	sbarrier.arrive $0xFFFF  }
0xcc: {  	p0 =	sne.s32 s0, $0x0;
	s0 =	rddreg [dreg:$0x4]  }
0xcd: {  	s0 =	sadd.s32 @!p0 $0x100000, s0  }
0xce: {  	[sflag:s0] =	ssyncadd.tile.s32 @!p0 $0x1;
	_ =	shalt  }
.Lfunc_end2:
_tile_overlayer_lowered:
.L_overlay_start_2:
0xcf: {  	(tag) =	ssettag $0x2  }
0xd0: {  	s0 =	rddreg [dreg:$0x0];
	s2 =	stileid.u32  }
0xd1: {  	s1 =	rddreg [dreg:$0x1];
	p0 =	sne.s32 s2, $0x0  }
0xd2: {  	s3 =	rddreg [dreg:$0x2];
	[bflag:$0x3] =	sbarrier.arrive $0xFFFF;
	s2 =	simm.s32 @!p0 $0x1C03  }
0xd3: {  	[timem:s3], [sflag:s2] =	dma.local @!p0 [hbm:s0], s1  }
0xd4: {  	s0 =	simm.s32 @!p0 $0x3  }
0xd5: {  	_ =	swait.ge @!p0 [sflag:s0], s1  }
0xd6: {  	s1 =	ssub.s32 @!p0 $0x0, s1;
	[sflag:s0] =	ssyncset.done @!p0 $0x0  }
0xd7: {  	[sflag:s0] =	ssyncadd.s32 @!p0 s1  }
0xd8: {  	[bflag:$0x3] =	sbarrier.arrive $0xFFFF  }
0xd9: {  	_ =	shalt  }

</sc_bundles>
